<compile_context>
chip_gen: v7x
topology: tpu7x:2x2x1
jax: 0.10.2.dev20260603
libtpu: 0.0.44.dev20260713+nightly
codegen_flags: <defaults>
</compile_context>

<pallas_src>
import functools

import jax
import jax.numpy as jnp
import numpy as np
from jax import lax
from jax.experimental import pallas as pl
from jax.experimental.pallas import tpu as pltpu
import jax.experimental.pallas.tpu_sc as plsc

N_NODES = 10000
N_ACC = 10112
N_EDGES = 160000
D = 128
D_EDGE = 16
HID = 64
R_CUT_SHORT = 0.5
R_CUT_LONG = 5.0
NORM = 1.0 / np.sqrt(N_EDGES / N_NODES)

K = 128
E_P = 163840
E_H = E_P // 2
H_ROWS = E_H // K
NWORK = 32
GB = 2
GW = H_ROWS // (NWORK * GB)
S_ROWS = H_ROWS // 16
NPT = N_ACC // 16


def _sc_gather(x, src3d):
    mesh = plsc.VectorSubcoreMesh(core_axis_name="c", subcore_axis_name="s")

    @functools.partial(
        pl.kernel,
        out_type=jax.ShapeDtypeStruct((E_H, D), jnp.float32),
        mesh=mesh,
        scratch_types=[
            pltpu.VMEM((GW, 1, GB * K), jnp.int32),
            [pltpu.VMEM((GB * K, D), jnp.float32)] * 2,
            [pltpu.SemaphoreType.DMA] * 2,
        ],
    )
    def k(x_hbm, src_hbm, xs_hbm, idx_v, bufs, sems):
        c = lax.axis_index("c")
        s = lax.axis_index("s")
        wid = s * 2 + c
        row0 = wid * (GW * GB)
        pltpu.sync_copy(src_hbm.at[wid], idx_v)

        def fire(w, b):
            pltpu.async_copy(x_hbm.at[idx_v.at[w, 0]], bufs[b], sems[b])

        def store(w, b):
            pltpu.make_async_copy(
                x_hbm.at[idx_v.at[0, 0]], bufs[b], sems[b]
            ).wait()
            pltpu.sync_copy(
                bufs[b], xs_hbm.at[pl.ds((row0 + w * GB) * K, GB * K)]
            )

        fire(0, 0)

        @pl.loop(0, GW, step=2)
        def _body(w):
            fire(w + 1, 1)
            store(w, 0)

            @pl.when(w + 2 < GW)
            def _():
                fire(w + 2, 0)

            store(w + 1, 1)

    return k(x, src3d)


BE = 2048


def _edge_messages(xs, edge_vec, edge_attr, W1, b1, W2, b2):
    def body(xs_ref, ev_ref, ea_ref, w1_ref, b1_ref, w2_ref, b2_ref, m_ref):
        ev = ev_ref[...]
        r2 = jnp.sum(ev * ev, axis=1, keepdims=True)
        r = jnp.sqrt(r2)
        y1 = ev / (r + 1e-12)
        f_short = jnp.tanh(r * (1.0 / R_CUT_SHORT))
        xr = jnp.minimum(r * (1.0 / R_CUT_LONG), 1.0)
        t2 = xr * xr
        f_long = 1.0 + t2 * (-1.2337005501361697
                             + t2 * (0.2536695079010480
                                     + t2 * (-0.0208634807633529
                                             + t2 * 0.0009192602748394)))
        h = jnp.dot(ea_ref[...], w1_ref[...],
                    preferred_element_type=jnp.float32) + b1_ref[...]
        h = h * jax.nn.sigmoid(h)
        w = jnp.dot(h, w2_ref[...],
                    preferred_element_type=jnp.float32) + b2_ref[...]
        xsb = xs_ref[...]
        m_ref[0] = w[:, :D] * (f_long * NORM) * xsb
        t = w[:, D:] * ((f_short * f_long) * NORM) * xsb
        m_ref[1] = t * y1[:, 0:1]
        m_ref[2] = t * y1[:, 1:2]
        m_ref[3] = t * y1[:, 2:3]

    grid = E_H // BE
    return pl.pallas_call(
        body,
        grid=(grid,),
        in_specs=[
            pl.BlockSpec((BE, D), lambda b: (b, 0)),
            pl.BlockSpec((BE, 3), lambda b: (b, 0)),
            pl.BlockSpec((BE, D_EDGE), lambda b: (b, 0)),
            pl.BlockSpec((D_EDGE, HID), lambda b: (0, 0)),
            pl.BlockSpec((1, HID), lambda b: (0, 0)),
            pl.BlockSpec((HID, 2 * D), lambda b: (0, 0)),
            pl.BlockSpec((1, 2 * D), lambda b: (0, 0)),
        ],
        out_specs=pl.BlockSpec((4, BE, D), lambda b: (0, b, 0)),
        out_shape=jax.ShapeDtypeStruct((4, E_H, D), jnp.float32),
    )(xs, edge_vec, edge_attr, W1, b1.reshape(1, HID), W2, b2.reshape(1, 2 * D))


def _sc_scatter(msgs, tgt3d, zeros):
    mesh = plsc.VectorSubcoreMesh(core_axis_name="c", subcore_axis_name="s")

    @functools.partial(
        pl.kernel,
        out_type=jax.ShapeDtypeStruct((4, N_NODES, D), jnp.float32),
        mesh=mesh,
        scratch_types=[
            pltpu.VMEM_SHARED((N_ACC, D), jnp.float32),
            pltpu.VMEM((S_ROWS, 1, K), jnp.int32),
            pltpu.VMEM((K, D), jnp.float32),
            pltpu.VMEM((K, D), jnp.float32),
            pltpu.SemaphoreType.DMA,
            pltpu.SemaphoreType.DMA,
        ],
    )
    def k(msgs_hbm, tgt_hbm, z_hbm, out_hbm, acc, tgt_v, mb0, mb1, sem0, sem1):
        c = lax.axis_index("c")
        s = lax.axis_index("s")
        t0 = s * S_ROWS
        r0 = s * NPT
        mbufs = (mb0, mb1)
        sems = (sem0, sem1)
        pltpu.sync_copy(tgt_hbm.at[s], tgt_v)

        def fire(u, j, b):
            pltpu.async_copy(
                msgs_hbm.at[u, pl.ds((t0 + j) * K, K)], mbufs[b], sems[b]
            )

        def scat(j, b):
            pltpu.make_async_copy(
                msgs_hbm.at[0, pl.ds(0, K)], mbufs[b], sems[b]
            ).wait()
            pltpu.sync_copy(mbufs[b], acc.at[tgt_v.at[j, 0]], add=True)

        for p in range(2):
            u = c * 2 + p
            pltpu.sync_copy(z_hbm, acc.at[pl.ds(r0, NPT)])
            plsc.subcore_barrier()

            fire(u, 0, 0)

            @pl.loop(0, S_ROWS, step=2)
            def _body(j):
                fire(u, j + 1, 1)
                scat(j, 0)

                @pl.when(j + 2 < S_ROWS)
                def _():
                    fire(u, j + 2, 0)

                scat(j + 1, 1)

            plsc.subcore_barrier()

            @pl.when(s < 15)
            def _flush():
                pltpu.sync_copy(
                    acc.at[pl.ds(r0, NPT)], out_hbm.at[u, pl.ds(r0, NPT)]
                )

            @pl.when(s == 15)
            def _flush_last():
                pltpu.sync_copy(
                    acc.at[pl.ds(r0, N_NODES - 15 * NPT)],
                    out_hbm.at[u, pl.ds(r0, N_NODES - 15 * NPT)],
                )

            plsc.subcore_barrier()

    return k(msgs, tgt3d, zeros)


BN = 1000


def _node_update(x, Ma, Mb, Ws, Wv):
    def body(x_ref, ma_ref, mb_ref, ws_ref, wv_ref, s_ref, v_ref):
        xb = x_ref[...]
        m0 = ma_ref[0] + mb_ref[0]
        s = jnp.dot(xb, ws_ref[:D], preferred_element_type=jnp.float32)
        s = s + jnp.dot(m0, ws_ref[D:], preferred_element_type=jnp.float32)
        s_ref[...] = jnp.tanh(s) + xb
        wv = wv_ref[...]
        vx = jnp.dot(ma_ref[1] + mb_ref[1], wv, preferred_element_type=jnp.float32)
        vy = jnp.dot(ma_ref[2] + mb_ref[2], wv, preferred_element_type=jnp.float32)
        vz = jnp.dot(ma_ref[3] + mb_ref[3], wv, preferred_element_type=jnp.float32)
        vn = jnp.sqrt(vx * vx + vy * vy + vz * vz)
        sc = jnp.tanh(vn) / (vn + 1e-12)
        v_ref[0] = vx * sc
        v_ref[1] = vy * sc
        v_ref[2] = vz * sc

    grid = N_NODES // BN
    return pl.pallas_call(
        body,
        grid=(grid,),
        in_specs=[
            pl.BlockSpec((BN, D), lambda b: (b, 0)),
            pl.BlockSpec((4, BN, D), lambda b: (0, b, 0)),
            pl.BlockSpec((4, BN, D), lambda b: (0, b, 0)),
            pl.BlockSpec((2 * D, D), lambda b: (0, 0)),
            pl.BlockSpec((D, D), lambda b: (0, 0)),
        ],
        out_specs=[
            pl.BlockSpec((BN, D), lambda b: (b, 0)),
            pl.BlockSpec((3, BN, D), lambda b: (0, b, 0)),
        ],
        out_shape=[
            jax.ShapeDtypeStruct((N_NODES, D), jnp.float32),
            jax.ShapeDtypeStruct((3, N_NODES, D), jnp.float32),
        ],
    )(x, Ma, Mb, Ws, Wv)


def kernel(x, edge_index, edge_vec, edge_attr, W1, b1, W2, b2, Ws, Wv):
    pad = E_P - N_EDGES
    zeros = jnp.zeros((NPT, D), jnp.float32)
    srcs = (edge_index[0][:E_H].reshape(NWORK, GW, 1, GB * K),
            jnp.concatenate([edge_index[0][E_H:], jnp.zeros((pad,), jnp.int32)]
                            ).reshape(NWORK, GW, 1, GB * K))
    tgts = (edge_index[1][:E_H].reshape(16, S_ROWS, 1, K),
            jnp.concatenate([edge_index[1][E_H:],
                             jnp.full((pad,), N_NODES, jnp.int32)]
                            ).reshape(16, S_ROWS, 1, K))
    evs = (edge_vec[:E_H],
           jnp.concatenate([edge_vec[E_H:], jnp.zeros((pad, 3), jnp.float32)]))
    eas = (edge_attr[:E_H],
           jnp.concatenate([edge_attr[E_H:],
                            jnp.zeros((pad, D_EDGE), jnp.float32)]))

    msgs_h = []
    for h in range(2):
        xs = _sc_gather(x, srcs[h])
        msgs_h.append(_edge_messages(xs, evs[h], eas[h], W1, b1, W2, b2))
    Ms = [_sc_scatter(msgs_h[h], tgts[h], zeros) for h in range(2)]

    s, v = _node_update(x, Ms[0], Ms[1], Ws, Wv)
    return jnp.concatenate(
        [s, jnp.transpose(v, (1, 2, 0)).reshape(N_NODES, 3 * D)], axis=-1
    )

# --- scband reference (transcript-rebuilt; emitter-appended) ---
"""Pipeline reference for scband-equivariant-mpnnembedding-42374147342442 (READ-ONLY COPY).

The authoritative reference and input builder live on the scoring server;
editing this copy changes nothing except your own understanding.
"""

import jax, jax.numpy as jnp
import numpy as np

N = 10000
E = 160000
D = 128
D_EDGE = 16
HID = 64
NW = 2 * D
R_CUT_SHORT = 0.5
R_CUT_LONG = 5.0


def setup_inputs(seed: int = 0):
    key = jax.random.key(seed)
    ks = jax.random.split(key, 10)
    x = jax.random.normal(ks[0], (N, D), dtype=jnp.float32)
    edge_index = jax.random.randint(ks[1], (2, E), 0, N, dtype=jnp.int32)
    edge_vec = jax.random.normal(ks[2], (E, 3), dtype=jnp.float32)
    edge_attr = jax.random.uniform(ks[3], (E, D_EDGE), dtype=jnp.float32)
    W1 = jax.random.normal(ks[4], (D_EDGE, HID), dtype=jnp.float32) / np.sqrt(D_EDGE)
    b1 = jnp.zeros((HID,), dtype=jnp.float32)
    W2 = jax.random.normal(ks[5], (HID, NW), dtype=jnp.float32) / np.sqrt(HID)
    b2 = jnp.zeros((NW,), dtype=jnp.float32)
    Ws = jax.random.normal(ks[6], (2 * D, D), dtype=jnp.float32) / np.sqrt(2 * D)
    Wv = jax.random.normal(ks[7], (D, D), dtype=jnp.float32) / np.sqrt(D)
    return {"x": x, "edge_index": edge_index, "edge_vec": edge_vec, "edge_attr": edge_attr,
            "W1": W1, "b1": b1, "W2": W2, "b2": b2, "Ws": Ws, "Wv": Wv}


def reference(x, edge_index, edge_vec, edge_attr, W1, b1, W2, b2, Ws, Wv):
    src = edge_index[0]
    tgt = edge_index[1]
    # spherical harmonics l=0 (scalar) and l=1 (direction), with radial cutoffs
    r = jnp.linalg.norm(edge_vec, axis=-1)
    Y1 = edge_vec / (r[:, None] + 1e-12)
    f_short = jnp.tanh(r / R_CUT_SHORT)          # _radial_decay_short_range
    xr = jnp.minimum(r / R_CUT_LONG, 1.0)
    f_long = jnp.cos(0.5 * np.pi * xr)           # _radial_cutoff_long_range
    Y0f = f_long                                  # l=0: long-range cutoff only (cut_l0_short_range=False)
    Y1f = Y1 * (f_short * f_long)[:, None]        # l=1: both cutoffs
    # radial weight MLP (two-particle features -> tensor-product path weights)
    h = jax.nn.silu(edge_attr @ W1 + b1)
    w = h @ W2 + b2
    w0 = w[:, :D]
    w1 = w[:, D:]
    # Interaction: weighted tensor product of gathered node features with edge sh
    xs = x[src]
    msg0 = w0 * xs * Y0f[:, None]                 # 0e x 0e -> 0e paths
    msg1 = (w1 * xs)[:, :, None] * Y1f[:, None, :]  # 0e x 1o -> 1o paths
    norm = 1.0 / np.sqrt(E / N)                   # sqrt neighbor normalization
    M0 = jnp.zeros((N, D), dtype=x.dtype).at[tgt].add(msg0) * norm
    M1 = jnp.zeros((N, D, 3), dtype=x.dtype).at[tgt].add(msg1) * norm
    # E3OneElectronLayer: concat -> linear -> norm nonlinearity -> residual
    s = jnp.concatenate([x, M0], axis=-1) @ Ws
    v = jnp.einsum('ncd,cf->nfd', M1, Wv)
    s = jnp.tanh(s)
    vn = jnp.linalg.norm(v, axis=-1, keepdims=True)
    v = v * (jnp.tanh(vn) / (vn + 1e-12))
    s = s + x                                     # residual skip connection (shapes match)
    out = jnp.concatenate([s, v.reshape(N, D * 3)], axis=-1)
    return out

if __name__ == "__main__":
    import jax
    _d = setup_inputs()
    print(jax.jit(kernel)(*tuple(_d.values())))

</pallas_src>

<mosaic_0001>
#map = affine_map<(d0, d1) -> (0, 0, 0)>
#map1 = affine_map<(d0, d1) -> (0, 0, 0, 0)>
#map2 = affine_map<(d0, d1) -> (0, 0)>
module attributes {stable_mosaic.version = 14 : i64} {
  func.func @k(%arg0: i32, %arg1: i32, %arg2: memref<4x81920x128xf32, #tpu.memory_space<hbm>>, %arg3: memref<16x40x1x128xi32, #tpu.memory_space<hbm>>, %arg4: memref<632x128xf32, #tpu.memory_space<hbm>>, %arg5: memref<4x10000x128xf32, #tpu.memory_space<hbm>>, %arg6: memref<10112x128xf32, #tpu.memory_space<vmem_shared>>, %arg7: memref<40x1x128xi32, #tpu.memory_space<vmem>>, %arg8: memref<128x128xf32, #tpu.memory_space<vmem>>, %arg9: memref<128x128xf32, #tpu.memory_space<vmem>>, %arg10: memref<!tpu.dma_semaphore, #tpu.memory_space<semaphore_mem>>, %arg11: memref<!tpu.dma_semaphore, #tpu.memory_space<semaphore_mem>>) attributes {dimension_semantics = [#tpu.dimension_semantics<core_parallel>, #tpu.dimension_semantics<subcore_parallel>], iteration_bounds = array<i64: 2, 16>, scalar_prefetch = 0 : i64, scratch_operands = 6 : i64, tpu.core_type = #tpu.core_type<sc_vector_subcore>, window_params = [{transform_indices = #map}, {transform_indices = #map1}, {transform_indices = #map2}, {transform_indices = #map}]} {
    %mul3A = arith.constant 40 : i32
    %mul3A_0 = arith.muli %arg1, %mul3A : i32
    %mul3A_1 = arith.constant 632 : i32
    %mul3A_2 = arith.muli %arg1, %mul3A_1 : i32
    "tpu.region"() ({
      %run_scoped3A = tpu.sem_alloc : memref<!tpu.dma_semaphore, #tpu.memory_space<semaphore_mem>>
      %dma_start3A_59 = arith.constant 0 : i32
      %dma_start3A_60 = arith.constant 0 : i32
      %dma_start3A_61 = arith.constant 0 : i32
      %dma_start3A_62 = tpu.memref_slice %arg3[%arg1, %dma_start3A_59, %dma_start3A_60, %dma_start3A_61] : memref<16x40x1x128xi32, #tpu.memory_space<hbm>> -> memref<1x40x1x128xi32, #tpu.memory_space<hbm>>
      %dma_start3A_63 = tpu.memref_squeeze %dma_start3A_62 : memref<1x40x1x128xi32, #tpu.memory_space<hbm>> -> memref<40x1x128xi32, #tpu.memory_space<hbm>>
      %dma_start3A_64 = arith.constant 0 : i32
      %dma_start3A_65 = arith.constant 0 : i32
      %dma_start3A_66 = arith.constant 0 : i32
      %dma_start3A_67 = tpu.memref_slice %arg3[%arg1, %dma_start3A_64, %dma_start3A_65, %dma_start3A_66] : memref<16x40x1x128xi32, #tpu.memory_space<hbm>> -> memref<1x40x1x128xi32, #tpu.memory_space<hbm>>
      %dma_start3A_68 = tpu.memref_squeeze %dma_start3A_67 : memref<1x40x1x128xi32, #tpu.memory_space<hbm>> -> memref<40x1x128xi32, #tpu.memory_space<hbm>>
      tpu.enqueue_dma source(%dma_start3A_68 : memref<40x1x128xi32, #tpu.memory_space<hbm>>) target(%arg7 : memref<40x1x128xi32, #tpu.memory_space<vmem>>) target_semaphore(%run_scoped3A : memref<!tpu.dma_semaphore, #tpu.memory_space<semaphore_mem>>)
      %dma_wait3A = arith.constant 0 : i32
      %dma_wait3A_69 = arith.constant 0 : i32
      %dma_wait3A_70 = arith.constant 0 : i32
      %dma_wait3A_71 = tpu.memref_slice %arg3[%arg1, %dma_wait3A, %dma_wait3A_69, %dma_wait3A_70] : memref<16x40x1x128xi32, #tpu.memory_space<hbm>> -> memref<1x40x1x128xi32, #tpu.memory_space<hbm>>
      %dma_wait3A_72 = tpu.memref_squeeze %dma_wait3A_71 : memref<1x40x1x128xi32, #tpu.memory_space<hbm>> -> memref<40x1x128xi32, #tpu.memory_space<hbm>>
      %dma_wait3A_73 = arith.constant 0 : i32
      %dma_wait3A_74 = arith.constant 0 : i32
      %dma_wait3A_75 = arith.constant 0 : i32
      %dma_wait3A_76 = tpu.memref_slice %arg3[%arg1, %dma_wait3A_73, %dma_wait3A_74, %dma_wait3A_75] : memref<16x40x1x128xi32, #tpu.memory_space<hbm>> -> memref<1x40x1x128xi32, #tpu.memory_space<hbm>>
      %dma_wait3A_77 = tpu.memref_squeeze %dma_wait3A_76 : memref<1x40x1x128xi32, #tpu.memory_space<hbm>> -> memref<40x1x128xi32, #tpu.memory_space<hbm>>
      tpu.wait_dma2 semaphore(%run_scoped3A : memref<!tpu.dma_semaphore, #tpu.memory_space<semaphore_mem>>) src(%dma_wait3A_77 : memref<40x1x128xi32, #tpu.memory_space<hbm>>) dst(%arg7 : memref<40x1x128xi32, #tpu.memory_space<vmem>>)
      tpu.yield
    }) : () -> ()
    %mul3A_3 = arith.constant 2 : i32
    %mul3A_4 = arith.muli %arg0, %mul3A_3 : i32
    %add3A = arith.constant 0 : i32
    %add3A_5 = arith.addi %mul3A_4, %add3A : i32
    "tpu.region"() ({
      %run_scoped3A = tpu.sem_alloc : memref<!tpu.dma_semaphore, #tpu.memory_space<semaphore_mem>>
      %dma_start3A_59 = arith.constant 0 : i32
      %dma_start3A_60 = tpu.memref_slice %arg6[%mul3A_2, %dma_start3A_59] : memref<10112x128xf32, #tpu.memory_space<vmem_shared>> -> memref<632x128xf32, #tpu.memory_space<vmem_shared>>
      tpu.enqueue_dma source(%arg4 : memref<632x128xf32, #tpu.memory_space<hbm>>) target(%dma_start3A_60 : memref<632x128xf32, #tpu.memory_space<vmem_shared>>) target_semaphore(%run_scoped3A : memref<!tpu.dma_semaphore, #tpu.memory_space<semaphore_mem>>)
      %dma_wait3A = arith.constant 0 : i32
      %dma_wait3A_61 = tpu.memref_slice %arg6[%mul3A_2, %dma_wait3A] : memref<10112x128xf32, #tpu.memory_space<vmem_shared>> -> memref<632x128xf32, #tpu.memory_space<vmem_shared>>
      tpu.wait_dma2 semaphore(%run_scoped3A : memref<!tpu.dma_semaphore, #tpu.memory_space<semaphore_mem>>) src(%arg4 : memref<632x128xf32, #tpu.memory_space<hbm>>) dst(%dma_wait3A_61 : memref<632x128xf32, #tpu.memory_space<vmem_shared>>)
      tpu.yield
    }) : () -> ()
    %barrier3A = arith.constant 0 : index
    tpu.barrier barrier_id(%barrier3A)
    %add3A_6 = arith.constant 0 : i32
    %add3A_7 = arith.addi %mul3A_0, %add3A_6 : i32
    %mul3A_8 = arith.constant 128 : i32
    %mul3A_9 = arith.muli %add3A_7, %mul3A_8 : i32
    %dma_start3A = arith.constant 0 : i32
    %dma_start3A_10 = tpu.memref_slice %arg2[%add3A_5, %mul3A_9, %dma_start3A] : memref<4x81920x128xf32, #tpu.memory_space<hbm>> -> memref<1x128x128xf32, #tpu.memory_space<hbm>>
    %dma_start3A_11 = tpu.memref_squeeze %dma_start3A_10 : memref<1x128x128xf32, #tpu.memory_space<hbm>> -> memref<128x128xf32, #tpu.memory_space<hbm>>
    %dma_start3A_12 = arith.constant 0 : i32
    %dma_start3A_13 = tpu.memref_slice %arg2[%add3A_5, %mul3A_9, %dma_start3A_12] : memref<4x81920x128xf32, #tpu.memory_space<hbm>> -> memref<1x128x128xf32, #tpu.memory_space<hbm>>
    %dma_start3A_14 = tpu.memref_squeeze %dma_start3A_13 : memref<1x128x128xf32, #tpu.memory_space<hbm>> -> memref<128x128xf32, #tpu.memory_space<hbm>>
    tpu.enqueue_dma source(%dma_start3A_14 : memref<128x128xf32, #tpu.memory_space<hbm>>) target(%arg8 : memref<128x128xf32, #tpu.memory_space<vmem>>) target_semaphore(%arg10 : memref<!tpu.dma_semaphore, #tpu.memory_space<semaphore_mem>>)
    %scan3A = arith.constant 0 : i32
    %scan3A_15 = arith.constant 20 : i32
    %scan3A_16 = arith.addi %scan3A, %scan3A_15 : i32
    %scan3A_17 = arith.constant 1 : i32
    scf.for %scan3A_59 = %scan3A to %scan3A_16 step %scan3A_17  : i32 {
      %mul3A_60 = arith.constant 2 : i32
      %mul3A_61 = arith.muli %scan3A_59, %mul3A_60 : i32
      %add3A_62 = arith.constant 0 : i32
      %add3A_63 = arith.addi %add3A_62, %mul3A_61 : i32
      %add3A_64 = arith.constant 1 : i32
      %add3A_65 = arith.addi %add3A_63, %add3A_64 : i32
      %add3A_66 = arith.addi %mul3A_0, %add3A_65 : i32
      %mul3A_67 = arith.constant 128 : i32
      %mul3A_68 = arith.muli %add3A_66, %mul3A_67 : i32
      %dma_start3A_69 = arith.constant 0 : i32
      %dma_start3A_70 = tpu.memref_slice %arg2[%add3A_5, %mul3A_68, %dma_start3A_69] : memref<4x81920x128xf32, #tpu.memory_space<hbm>> -> memref<1x128x128xf32, #tpu.memory_space<hbm>>
      %dma_start3A_71 = tpu.memref_squeeze %dma_start3A_70 : memref<1x128x128xf32, #tpu.memory_space<hbm>> -> memref<128x128xf32, #tpu.memory_space<hbm>>
      %dma_start3A_72 = arith.constant 0 : i32
      %dma_start3A_73 = tpu.memref_slice %arg2[%add3A_5, %mul3A_68, %dma_start3A_72] : memref<4x81920x128xf32, #tpu.memory_space<hbm>> -> memref<1x128x128xf32, #tpu.memory_space<hbm>>
      %dma_start3A_74 = tpu.memref_squeeze %dma_start3A_73 : memref<1x128x128xf32, #tpu.memory_space<hbm>> -> memref<128x128xf32, #tpu.memory_space<hbm>>
      tpu.enqueue_dma source(%dma_start3A_74 : memref<128x128xf32, #tpu.memory_space<hbm>>) target(%arg9 : memref<128x128xf32, #tpu.memory_space<vmem>>) target_semaphore(%arg11 : memref<!tpu.dma_semaphore, #tpu.memory_space<semaphore_mem>>)
      %dma_wait3A = arith.constant 0 : i32
      %dma_wait3A_75 = arith.constant 0 : i32
      %dma_wait3A_76 = arith.constant 0 : i32
      %dma_wait3A_77 = tpu.memref_slice %arg2[%dma_wait3A, %dma_wait3A_75, %dma_wait3A_76] : memref<4x81920x128xf32, #tpu.memory_space<hbm>> -> memref<1x128x128xf32, #tpu.memory_space<hbm>>
      %dma_wait3A_78 = tpu.memref_squeeze %dma_wait3A_77 : memref<1x128x128xf32, #tpu.memory_space<hbm>> -> memref<128x128xf32, #tpu.memory_space<hbm>>
      %dma_wait3A_79 = arith.constant 0 : i32
      %dma_wait3A_80 = arith.constant 0 : i32
      %dma_wait3A_81 = tpu.memref_slice %arg2[%dma_wait3A, %dma_wait3A_79, %dma_wait3A_80] : memref<4x81920x128xf32, #tpu.memory_space<hbm>> -> memref<1x128x128xf32, #tpu.memory_space<hbm>>
      %dma_wait3A_82 = tpu.memref_squeeze %dma_wait3A_81 : memref<1x128x128xf32, #tpu.memory_space<hbm>> -> memref<128x128xf32, #tpu.memory_space<hbm>>
      tpu.wait_dma2 semaphore(%arg10 : memref<!tpu.dma_semaphore, #tpu.memory_space<semaphore_mem>>) src(%dma_wait3A_82 : memref<128x128xf32, #tpu.memory_space<hbm>>) dst(%arg8 : memref<128x128xf32, #tpu.memory_space<vmem>>)
      %run_scoped3A = arith.constant 0 : i32
      "tpu.region"() ({
        %run_scoped3A_102 = tpu.sem_alloc : memref<!tpu.dma_semaphore, #tpu.memory_space<semaphore_mem>>
        %dma_start3A_103 = arith.constant 0 : i32
        %dma_start3A_104 = tpu.memref_slice %arg7[%add3A_63, %run_scoped3A, %dma_start3A_103] : memref<40x1x128xi32, #tpu.memory_space<vmem>> -> memref<1x1x128xi32, #tpu.memory_space<vmem>>
        %dma_start3A_105 = tpu.memref_squeeze %dma_start3A_104 : memref<1x1x128xi32, #tpu.memory_space<vmem>> -> memref<128xi32, #tpu.memory_space<vmem>>
        %dma_start3A_106 = arith.constant 0 : i32
        %dma_start3A_107 = arith.constant 0 : i32
        %dma_start3A_108 = tpu.memref_slice %arg6[%dma_start3A_106, %dma_start3A_107] : memref<10112x128xf32, #tpu.memory_space<vmem_shared>> -> memref<10112x128xf32, #tpu.memory_space<vmem_shared>>
        tpu.enqueue_indirect_dma source(%arg8 : memref<128x128xf32, #tpu.memory_space<vmem>>) target(%dma_start3A_108 : memref<10112x128xf32, #tpu.memory_space<vmem_shared>>) offsets(%dma_start3A_105 : memref<128xi32, #tpu.memory_space<vmem>>) semaphore(%run_scoped3A_102 : memref<!tpu.dma_semaphore, #tpu.memory_space<semaphore_mem>>) {add = true}
        %dma_wait3A_109 = arith.constant 0 : i32
        %dma_wait3A_110 = tpu.memref_slice %arg7[%add3A_63, %run_scoped3A, %dma_wait3A_109] : memref<40x1x128xi32, #tpu.memory_space<vmem>> -> memref<1x1x128xi32, #tpu.memory_space<vmem>>
        %dma_wait3A_111 = tpu.memref_squeeze %dma_wait3A_110 : memref<1x1x128xi32, #tpu.memory_space<vmem>> -> memref<128xi32, #tpu.memory_space<vmem>>
        %dma_wait3A_112 = arith.constant 0 : i32
        %dma_wait3A_113 = arith.constant 0 : i32
        %dma_wait3A_114 = tpu.memref_slice %arg6[%dma_wait3A_112, %dma_wait3A_113] : memref<10112x128xf32, #tpu.memory_space<vmem_shared>> -> memref<10112x128xf32, #tpu.memory_space<vmem_shared>>
        tpu.wait_indirect_dma semaphore(%run_scoped3A_102 : memref<!tpu.dma_semaphore, #tpu.memory_space<semaphore_mem>>) src(%arg8 : memref<128x128xf32, #tpu.memory_space<vmem>>) dst(%dma_wait3A_114 : memref<10112x128xf32, #tpu.memory_space<vmem_shared>>)
        tpu.yield
      }) : () -> ()
      %add3A_83 = arith.constant 2 : i32
      %add3A_84 = arith.addi %add3A_63, %add3A_83 : i32
      %lt3A_85 = arith.constant 40 : i32
      %lt3A_86 = arith.cmpi slt, %add3A_84, %lt3A_85 : i32
      %convert_element_type3A_87 = arith.extui %lt3A_86 : i1 to i32
      %cond3A_88 = arith.constant 0 : i32
      %cond3A_89 = arith.cmpi ne, %convert_element_type3A_87, %cond3A_88 : i32
      scf.if %cond3A_89 {
        %add3A_102 = arith.constant 2 : i32
        %add3A_103 = arith.addi %add3A_63, %add3A_102 : i32
        %add3A_104 = arith.addi %mul3A_0, %add3A_103 : i32
        %mul3A_105 = arith.constant 128 : i32
        %mul3A_106 = arith.muli %add3A_104, %mul3A_105 : i32
        %dma_start3A_107 = arith.constant 0 : i32
        %dma_start3A_108 = tpu.memref_slice %arg2[%add3A_5, %mul3A_106, %dma_start3A_107] : memref<4x81920x128xf32, #tpu.memory_space<hbm>> -> memref<1x128x128xf32, #tpu.memory_space<hbm>>
        %dma_start3A_109 = tpu.memref_squeeze %dma_start3A_108 : memref<1x128x128xf32, #tpu.memory_space<hbm>> -> memref<128x128xf32, #tpu.memory_space<hbm>>
        %dma_start3A_110 = arith.constant 0 : i32
        %dma_start3A_111 = tpu.memref_slice %arg2[%add3A_5, %mul3A_106, %dma_start3A_110] : memref<4x81920x128xf32, #tpu.memory_space<hbm>> -> memref<1x128x128xf32, #tpu.memory_space<hbm>>
        %dma_start3A_112 = tpu.memref_squeeze %dma_start3A_111 : memref<1x128x128xf32, #tpu.memory_space<hbm>> -> memref<128x128xf32, #tpu.memory_space<hbm>>
        tpu.enqueue_dma source(%dma_start3A_112 : memref<128x128xf32, #tpu.memory_space<hbm>>) target(%arg8 : memref<128x128xf32, #tpu.memory_space<vmem>>) target_semaphore(%arg10 : memref<!tpu.dma_semaphore, #tpu.memory_space<semaphore_mem>>)
      } else {
      }
      %add3A_90 = arith.constant 1 : i32
      %add3A_91 = arith.addi %add3A_63, %add3A_90 : i32
      %dma_wait3A_92 = arith.constant 0 : i32
      %dma_wait3A_93 = arith.constant 0 : i32
      %dma_wait3A_94 = arith.constant 0 : i32
      %dma_wait3A_95 = tpu.memref_slice %arg2[%dma_wait3A_92, %dma_wait3A_93, %dma_wait3A_94] : memref<4x81920x128xf32, #tpu.memory_space<hbm>> -> memref<1x128x128xf32, #tpu.memory_space<hbm>>
      %dma_wait3A_96 = tpu.memref_squeeze %dma_wait3A_95 : memref<1x128x128xf32, #tpu.memory_space<hbm>> -> memref<128x128xf32, #tpu.memory_space<hbm>>
      %dma_wait3A_97 = arith.constant 0 : i32
      %dma_wait3A_98 = arith.constant 0 : i32
      %dma_wait3A_99 = tpu.memref_slice %arg2[%dma_wait3A_92, %dma_wait3A_97, %dma_wait3A_98] : memref<4x81920x128xf32, #tpu.memory_space<hbm>> -> memref<1x128x128xf32, #tpu.memory_space<hbm>>
      %dma_wait3A_100 = tpu.memref_squeeze %dma_wait3A_99 : memref<1x128x128xf32, #tpu.memory_space<hbm>> -> memref<128x128xf32, #tpu.memory_space<hbm>>
      tpu.wait_dma2 semaphore(%arg11 : memref<!tpu.dma_semaphore, #tpu.memory_space<semaphore_mem>>) src(%dma_wait3A_100 : memref<128x128xf32, #tpu.memory_space<hbm>>) dst(%arg9 : memref<128x128xf32, #tpu.memory_space<vmem>>)
      %run_scoped3A_101 = arith.constant 0 : i32
      "tpu.region"() ({
        %run_scoped3A_102 = tpu.sem_alloc : memref<!tpu.dma_semaphore, #tpu.memory_space<semaphore_mem>>
        %dma_start3A_103 = arith.constant 0 : i32
        %dma_start3A_104 = tpu.memref_slice %arg7[%add3A_91, %run_scoped3A_101, %dma_start3A_103] : memref<40x1x128xi32, #tpu.memory_space<vmem>> -> memref<1x1x128xi32, #tpu.memory_space<vmem>>
        %dma_start3A_105 = tpu.memref_squeeze %dma_start3A_104 : memref<1x1x128xi32, #tpu.memory_space<vmem>> -> memref<128xi32, #tpu.memory_space<vmem>>
        %dma_start3A_106 = arith.constant 0 : i32
        %dma_start3A_107 = arith.constant 0 : i32
        %dma_start3A_108 = tpu.memref_slice %arg6[%dma_start3A_106, %dma_start3A_107] : memref<10112x128xf32, #tpu.memory_space<vmem_shared>> -> memref<10112x128xf32, #tpu.memory_space<vmem_shared>>
        tpu.enqueue_indirect_dma source(%arg9 : memref<128x128xf32, #tpu.memory_space<vmem>>) target(%dma_start3A_108 : memref<10112x128xf32, #tpu.memory_space<vmem_shared>>) offsets(%dma_start3A_105 : memref<128xi32, #tpu.memory_space<vmem>>) semaphore(%run_scoped3A_102 : memref<!tpu.dma_semaphore, #tpu.memory_space<semaphore_mem>>) {add = true}
        %dma_wait3A_109 = arith.constant 0 : i32
        %dma_wait3A_110 = tpu.memref_slice %arg7[%add3A_91, %run_scoped3A_101, %dma_wait3A_109] : memref<40x1x128xi32, #tpu.memory_space<vmem>> -> memref<1x1x128xi32, #tpu.memory_space<vmem>>
        %dma_wait3A_111 = tpu.memref_squeeze %dma_wait3A_110 : memref<1x1x128xi32, #tpu.memory_space<vmem>> -> memref<128xi32, #tpu.memory_space<vmem>>
        %dma_wait3A_112 = arith.constant 0 : i32
        %dma_wait3A_113 = arith.constant 0 : i32
        %dma_wait3A_114 = tpu.memref_slice %arg6[%dma_wait3A_112, %dma_wait3A_113] : memref<10112x128xf32, #tpu.memory_space<vmem_shared>> -> memref<10112x128xf32, #tpu.memory_space<vmem_shared>>
        tpu.wait_indirect_dma semaphore(%run_scoped3A_102 : memref<!tpu.dma_semaphore, #tpu.memory_space<semaphore_mem>>) src(%arg9 : memref<128x128xf32, #tpu.memory_space<vmem>>) dst(%dma_wait3A_114 : memref<10112x128xf32, #tpu.memory_space<vmem_shared>>)
        tpu.yield
      }) : () -> ()
    }
    %scan3A_18 = arith.constant 20 : i32
    %barrier3A_19 = arith.constant 0 : index
    tpu.barrier barrier_id(%barrier3A_19)
    %lt3A = arith.constant 15 : i32
    %lt3A_20 = arith.cmpi slt, %arg1, %lt3A : i32
    %convert_element_type3A = arith.extui %lt3A_20 : i1 to i32
    %cond3A = arith.constant 0 : i32
    %cond3A_21 = arith.cmpi ne, %convert_element_type3A, %cond3A : i32
    scf.if %cond3A_21 {
      "tpu.region"() ({
        %run_scoped3A = tpu.sem_alloc : memref<!tpu.dma_semaphore, #tpu.memory_space<semaphore_mem>>
        %dma_start3A_59 = arith.constant 0 : i32
        %dma_start3A_60 = tpu.memref_slice %arg5[%add3A_5, %mul3A_2, %dma_start3A_59] : memref<4x10000x128xf32, #tpu.memory_space<hbm>> -> memref<1x632x128xf32, #tpu.memory_space<hbm>>
        %dma_start3A_61 = tpu.memref_squeeze %dma_start3A_60 : memref<1x632x128xf32, #tpu.memory_space<hbm>> -> memref<632x128xf32, #tpu.memory_space<hbm>>
        %dma_start3A_62 = arith.constant 0 : i32
        %dma_start3A_63 = tpu.memref_slice %arg6[%mul3A_2, %dma_start3A_62] : memref<10112x128xf32, #tpu.memory_space<vmem_shared>> -> memref<632x128xf32, #tpu.memory_space<vmem_shared>>
        tpu.enqueue_dma source(%dma_start3A_63 : memref<632x128xf32, #tpu.memory_space<vmem_shared>>) target(%dma_start3A_61 : memref<632x128xf32, #tpu.memory_space<hbm>>) target_semaphore(%run_scoped3A : memref<!tpu.dma_semaphore, #tpu.memory_space<semaphore_mem>>)
        %dma_wait3A = arith.constant 0 : i32
        %dma_wait3A_64 = tpu.memref_slice %arg5[%add3A_5, %mul3A_2, %dma_wait3A] : memref<4x10000x128xf32, #tpu.memory_space<hbm>> -> memref<1x632x128xf32, #tpu.memory_space<hbm>>
        %dma_wait3A_65 = tpu.memref_squeeze %dma_wait3A_64 : memref<1x632x128xf32, #tpu.memory_space<hbm>> -> memref<632x128xf32, #tpu.memory_space<hbm>>
        %dma_wait3A_66 = arith.constant 0 : i32
        %dma_wait3A_67 = tpu.memref_slice %arg6[%mul3A_2, %dma_wait3A_66] : memref<10112x128xf32, #tpu.memory_space<vmem_shared>> -> memref<632x128xf32, #tpu.memory_space<vmem_shared>>
        tpu.wait_dma2 semaphore(%run_scoped3A : memref<!tpu.dma_semaphore, #tpu.memory_space<semaphore_mem>>) src(%dma_wait3A_67 : memref<632x128xf32, #tpu.memory_space<vmem_shared>>) dst(%dma_wait3A_65 : memref<632x128xf32, #tpu.memory_space<hbm>>)
        tpu.yield
      }) : () -> ()
    } else {
    }
    %eq3A = arith.constant 15 : i32
    %eq3A_22 = arith.cmpi eq, %arg1, %eq3A : i32
    %convert_element_type3A_23 = arith.extui %eq3A_22 : i1 to i32
    %cond3A_24 = arith.constant 0 : i32
    %cond3A_25 = arith.cmpi ne, %convert_element_type3A_23, %cond3A_24 : i32
    scf.if %cond3A_25 {
      "tpu.region"() ({
        %run_scoped3A = tpu.sem_alloc : memref<!tpu.dma_semaphore, #tpu.memory_space<semaphore_mem>>
        %dma_start3A_59 = arith.constant 0 : i32
        %dma_start3A_60 = tpu.memref_slice %arg5[%add3A_5, %mul3A_2, %dma_start3A_59] : memref<4x10000x128xf32, #tpu.memory_space<hbm>> -> memref<1x520x128xf32, #tpu.memory_space<hbm>>
        %dma_start3A_61 = tpu.memref_squeeze %dma_start3A_60 : memref<1x520x128xf32, #tpu.memory_space<hbm>> -> memref<520x128xf32, #tpu.memory_space<hbm>>
        %dma_start3A_62 = arith.constant 0 : i32
        %dma_start3A_63 = tpu.memref_slice %arg6[%mul3A_2, %dma_start3A_62] : memref<10112x128xf32, #tpu.memory_space<vmem_shared>> -> memref<520x128xf32, #tpu.memory_space<vmem_shared>>
        tpu.enqueue_dma source(%dma_start3A_63 : memref<520x128xf32, #tpu.memory_space<vmem_shared>>) target(%dma_start3A_61 : memref<520x128xf32, #tpu.memory_space<hbm>>) target_semaphore(%run_scoped3A : memref<!tpu.dma_semaphore, #tpu.memory_space<semaphore_mem>>)
        %dma_wait3A = arith.constant 0 : i32
        %dma_wait3A_64 = tpu.memref_slice %arg5[%add3A_5, %mul3A_2, %dma_wait3A] : memref<4x10000x128xf32, #tpu.memory_space<hbm>> -> memref<1x520x128xf32, #tpu.memory_space<hbm>>
        %dma_wait3A_65 = tpu.memref_squeeze %dma_wait3A_64 : memref<1x520x128xf32, #tpu.memory_space<hbm>> -> memref<520x128xf32, #tpu.memory_space<hbm>>
        %dma_wait3A_66 = arith.constant 0 : i32
        %dma_wait3A_67 = tpu.memref_slice %arg6[%mul3A_2, %dma_wait3A_66] : memref<10112x128xf32, #tpu.memory_space<vmem_shared>> -> memref<520x128xf32, #tpu.memory_space<vmem_shared>>
        tpu.wait_dma2 semaphore(%run_scoped3A : memref<!tpu.dma_semaphore, #tpu.memory_space<semaphore_mem>>) src(%dma_wait3A_67 : memref<520x128xf32, #tpu.memory_space<vmem_shared>>) dst(%dma_wait3A_65 : memref<520x128xf32, #tpu.memory_space<hbm>>)
        tpu.yield
      }) : () -> ()
    } else {
    }
    %barrier3A_26 = arith.constant 0 : index
    tpu.barrier barrier_id(%barrier3A_26)
    %mul3A_27 = arith.constant 2 : i32
    %mul3A_28 = arith.muli %arg0, %mul3A_27 : i32
    %add3A_29 = arith.constant 1 : i32
    %add3A_30 = arith.addi %mul3A_28, %add3A_29 : i32
    "tpu.region"() ({
      %run_scoped3A = tpu.sem_alloc : memref<!tpu.dma_semaphore, #tpu.memory_space<semaphore_mem>>
      %dma_start3A_59 = arith.constant 0 : i32
      %dma_start3A_60 = tpu.memref_slice %arg6[%mul3A_2, %dma_start3A_59] : memref<10112x128xf32, #tpu.memory_space<vmem_shared>> -> memref<632x128xf32, #tpu.memory_space<vmem_shared>>
      tpu.enqueue_dma source(%arg4 : memref<632x128xf32, #tpu.memory_space<hbm>>) target(%dma_start3A_60 : memref<632x128xf32, #tpu.memory_space<vmem_shared>>) target_semaphore(%run_scoped3A : memref<!tpu.dma_semaphore, #tpu.memory_space<semaphore_mem>>)
      %dma_wait3A = arith.constant 0 : i32
      %dma_wait3A_61 = tpu.memref_slice %arg6[%mul3A_2, %dma_wait3A] : memref<10112x128xf32, #tpu.memory_space<vmem_shared>> -> memref<632x128xf32, #tpu.memory_space<vmem_shared>>
      tpu.wait_dma2 semaphore(%run_scoped3A : memref<!tpu.dma_semaphore, #tpu.memory_space<semaphore_mem>>) src(%arg4 : memref<632x128xf32, #tpu.memory_space<hbm>>) dst(%dma_wait3A_61 : memref<632x128xf32, #tpu.memory_space<vmem_shared>>)
      tpu.yield
    }) : () -> ()
    %barrier3A_31 = arith.constant 0 : index
    tpu.barrier barrier_id(%barrier3A_31)
    %add3A_32 = arith.constant 0 : i32
    %add3A_33 = arith.addi %mul3A_0, %add3A_32 : i32
    %mul3A_34 = arith.constant 128 : i32
    %mul3A_35 = arith.muli %add3A_33, %mul3A_34 : i32
    %dma_start3A_36 = arith.constant 0 : i32
    %dma_start3A_37 = tpu.memref_slice %arg2[%add3A_30, %mul3A_35, %dma_start3A_36] : memref<4x81920x128xf32, #tpu.memory_space<hbm>> -> memref<1x128x128xf32, #tpu.memory_space<hbm>>
    %dma_start3A_38 = tpu.memref_squeeze %dma_start3A_37 : memref<1x128x128xf32, #tpu.memory_space<hbm>> -> memref<128x128xf32, #tpu.memory_space<hbm>>
    %dma_start3A_39 = arith.constant 0 : i32
    %dma_start3A_40 = tpu.memref_slice %arg2[%add3A_30, %mul3A_35, %dma_start3A_39] : memref<4x81920x128xf32, #tpu.memory_space<hbm>> -> memref<1x128x128xf32, #tpu.memory_space<hbm>>
    %dma_start3A_41 = tpu.memref_squeeze %dma_start3A_40 : memref<1x128x128xf32, #tpu.memory_space<hbm>> -> memref<128x128xf32, #tpu.memory_space<hbm>>
    tpu.enqueue_dma source(%dma_start3A_41 : memref<128x128xf32, #tpu.memory_space<hbm>>) target(%arg8 : memref<128x128xf32, #tpu.memory_space<vmem>>) target_semaphore(%arg10 : memref<!tpu.dma_semaphore, #tpu.memory_space<semaphore_mem>>)
    %scan3A_42 = arith.constant 0 : i32
    %scan3A_43 = arith.constant 20 : i32
    %scan3A_44 = arith.addi %scan3A_42, %scan3A_43 : i32
    %scan3A_45 = arith.constant 1 : i32
    scf.for %scan3A_59 = %scan3A_42 to %scan3A_44 step %scan3A_45  : i32 {
      %mul3A_60 = arith.constant 2 : i32
      %mul3A_61 = arith.muli %scan3A_59, %mul3A_60 : i32
      %add3A_62 = arith.constant 0 : i32
      %add3A_63 = arith.addi %add3A_62, %mul3A_61 : i32
      %add3A_64 = arith.constant 1 : i32
      %add3A_65 = arith.addi %add3A_63, %add3A_64 : i32
      %add3A_66 = arith.addi %mul3A_0, %add3A_65 : i32
      %mul3A_67 = arith.constant 128 : i32
      %mul3A_68 = arith.muli %add3A_66, %mul3A_67 : i32
      %dma_start3A_69 = arith.constant 0 : i32
      %dma_start3A_70 = tpu.memref_slice %arg2[%add3A_30, %mul3A_68, %dma_start3A_69] : memref<4x81920x128xf32, #tpu.memory_space<hbm>> -> memref<1x128x128xf32, #tpu.memory_space<hbm>>
      %dma_start3A_71 = tpu.memref_squeeze %dma_start3A_70 : memref<1x128x128xf32, #tpu.memory_space<hbm>> -> memref<128x128xf32, #tpu.memory_space<hbm>>
      %dma_start3A_72 = arith.constant 0 : i32
      %dma_start3A_73 = tpu.memref_slice %arg2[%add3A_30, %mul3A_68, %dma_start3A_72] : memref<4x81920x128xf32, #tpu.memory_space<hbm>> -> memref<1x128x128xf32, #tpu.memory_space<hbm>>
      %dma_start3A_74 = tpu.memref_squeeze %dma_start3A_73 : memref<1x128x128xf32, #tpu.memory_space<hbm>> -> memref<128x128xf32, #tpu.memory_space<hbm>>
      tpu.enqueue_dma source(%dma_start3A_74 : memref<128x128xf32, #tpu.memory_space<hbm>>) target(%arg9 : memref<128x128xf32, #tpu.memory_space<vmem>>) target_semaphore(%arg11 : memref<!tpu.dma_semaphore, #tpu.memory_space<semaphore_mem>>)
      %dma_wait3A = arith.constant 0 : i32
      %dma_wait3A_75 = arith.constant 0 : i32
      %dma_wait3A_76 = arith.constant 0 : i32
      %dma_wait3A_77 = tpu.memref_slice %arg2[%dma_wait3A, %dma_wait3A_75, %dma_wait3A_76] : memref<4x81920x128xf32, #tpu.memory_space<hbm>> -> memref<1x128x128xf32, #tpu.memory_space<hbm>>
      %dma_wait3A_78 = tpu.memref_squeeze %dma_wait3A_77 : memref<1x128x128xf32, #tpu.memory_space<hbm>> -> memref<128x128xf32, #tpu.memory_space<hbm>>
      %dma_wait3A_79 = arith.constant 0 : i32
      %dma_wait3A_80 = arith.constant 0 : i32
      %dma_wait3A_81 = tpu.memref_slice %arg2[%dma_wait3A, %dma_wait3A_79, %dma_wait3A_80] : memref<4x81920x128xf32, #tpu.memory_space<hbm>> -> memref<1x128x128xf32, #tpu.memory_space<hbm>>
      %dma_wait3A_82 = tpu.memref_squeeze %dma_wait3A_81 : memref<1x128x128xf32, #tpu.memory_space<hbm>> -> memref<128x128xf32, #tpu.memory_space<hbm>>
      tpu.wait_dma2 semaphore(%arg10 : memref<!tpu.dma_semaphore, #tpu.memory_space<semaphore_mem>>) src(%dma_wait3A_82 : memref<128x128xf32, #tpu.memory_space<hbm>>) dst(%arg8 : memref<128x128xf32, #tpu.memory_space<vmem>>)
      %run_scoped3A = arith.constant 0 : i32
      "tpu.region"() ({
        %run_scoped3A_102 = tpu.sem_alloc : memref<!tpu.dma_semaphore, #tpu.memory_space<semaphore_mem>>
        %dma_start3A_103 = arith.constant 0 : i32
        %dma_start3A_104 = tpu.memref_slice %arg7[%add3A_63, %run_scoped3A, %dma_start3A_103] : memref<40x1x128xi32, #tpu.memory_space<vmem>> -> memref<1x1x128xi32, #tpu.memory_space<vmem>>
        %dma_start3A_105 = tpu.memref_squeeze %dma_start3A_104 : memref<1x1x128xi32, #tpu.memory_space<vmem>> -> memref<128xi32, #tpu.memory_space<vmem>>
        %dma_start3A_106 = arith.constant 0 : i32
        %dma_start3A_107 = arith.constant 0 : i32
        %dma_start3A_108 = tpu.memref_slice %arg6[%dma_start3A_106, %dma_start3A_107] : memref<10112x128xf32, #tpu.memory_space<vmem_shared>> -> memref<10112x128xf32, #tpu.memory_space<vmem_shared>>
        tpu.enqueue_indirect_dma source(%arg8 : memref<128x128xf32, #tpu.memory_space<vmem>>) target(%dma_start3A_108 : memref<10112x128xf32, #tpu.memory_space<vmem_shared>>) offsets(%dma_start3A_105 : memref<128xi32, #tpu.memory_space<vmem>>) semaphore(%run_scoped3A_102 : memref<!tpu.dma_semaphore, #tpu.memory_space<semaphore_mem>>) {add = true}
        %dma_wait3A_109 = arith.constant 0 : i32
        %dma_wait3A_110 = tpu.memref_slice %arg7[%add3A_63, %run_scoped3A, %dma_wait3A_109] : memref<40x1x128xi32, #tpu.memory_space<vmem>> -> memref<1x1x128xi32, #tpu.memory_space<vmem>>
        %dma_wait3A_111 = tpu.memref_squeeze %dma_wait3A_110 : memref<1x1x128xi32, #tpu.memory_space<vmem>> -> memref<128xi32, #tpu.memory_space<vmem>>
        %dma_wait3A_112 = arith.constant 0 : i32
        %dma_wait3A_113 = arith.constant 0 : i32
        %dma_wait3A_114 = tpu.memref_slice %arg6[%dma_wait3A_112, %dma_wait3A_113] : memref<10112x128xf32, #tpu.memory_space<vmem_shared>> -> memref<10112x128xf32, #tpu.memory_space<vmem_shared>>
        tpu.wait_indirect_dma semaphore(%run_scoped3A_102 : memref<!tpu.dma_semaphore, #tpu.memory_space<semaphore_mem>>) src(%arg8 : memref<128x128xf32, #tpu.memory_space<vmem>>) dst(%dma_wait3A_114 : memref<10112x128xf32, #tpu.memory_space<vmem_shared>>)
        tpu.yield
      }) : () -> ()
      %add3A_83 = arith.constant 2 : i32
      %add3A_84 = arith.addi %add3A_63, %add3A_83 : i32
      %lt3A_85 = arith.constant 40 : i32
      %lt3A_86 = arith.cmpi slt, %add3A_84, %lt3A_85 : i32
      %convert_element_type3A_87 = arith.extui %lt3A_86 : i1 to i32
      %cond3A_88 = arith.constant 0 : i32
      %cond3A_89 = arith.cmpi ne, %convert_element_type3A_87, %cond3A_88 : i32
      scf.if %cond3A_89 {
        %add3A_102 = arith.constant 2 : i32
        %add3A_103 = arith.addi %add3A_63, %add3A_102 : i32
        %add3A_104 = arith.addi %mul3A_0, %add3A_103 : i32
        %mul3A_105 = arith.constant 128 : i32
        %mul3A_106 = arith.muli %add3A_104, %mul3A_105 : i32
        %dma_start3A_107 = arith.constant 0 : i32
        %dma_start3A_108 = tpu.memref_slice %arg2[%add3A_30, %mul3A_106, %dma_start3A_107] : memref<4x81920x128xf32, #tpu.memory_space<hbm>> -> memref<1x128x128xf32, #tpu.memory_space<hbm>>
        %dma_start3A_109 = tpu.memref_squeeze %dma_start3A_108 : memref<1x128x128xf32, #tpu.memory_space<hbm>> -> memref<128x128xf32, #tpu.memory_space<hbm>>
        %dma_start3A_110 = arith.constant 0 : i32
        %dma_start3A_111 = tpu.memref_slice %arg2[%add3A_30, %mul3A_106, %dma_start3A_110] : memref<4x81920x128xf32, #tpu.memory_space<hbm>> -> memref<1x128x128xf32, #tpu.memory_space<hbm>>
        %dma_start3A_112 = tpu.memref_squeeze %dma_start3A_111 : memref<1x128x128xf32, #tpu.memory_space<hbm>> -> memref<128x128xf32, #tpu.memory_space<hbm>>
        tpu.enqueue_dma source(%dma_start3A_112 : memref<128x128xf32, #tpu.memory_space<hbm>>) target(%arg8 : memref<128x128xf32, #tpu.memory_space<vmem>>) target_semaphore(%arg10 : memref<!tpu.dma_semaphore, #tpu.memory_space<semaphore_mem>>)
      } else {
      }
      %add3A_90 = arith.constant 1 : i32
      %add3A_91 = arith.addi %add3A_63, %add3A_90 : i32
      %dma_wait3A_92 = arith.constant 0 : i32
      %dma_wait3A_93 = arith.constant 0 : i32
      %dma_wait3A_94 = arith.constant 0 : i32
      %dma_wait3A_95 = tpu.memref_slice %arg2[%dma_wait3A_92, %dma_wait3A_93, %dma_wait3A_94] : memref<4x81920x128xf32, #tpu.memory_space<hbm>> -> memref<1x128x128xf32, #tpu.memory_space<hbm>>
      %dma_wait3A_96 = tpu.memref_squeeze %dma_wait3A_95 : memref<1x128x128xf32, #tpu.memory_space<hbm>> -> memref<128x128xf32, #tpu.memory_space<hbm>>
      %dma_wait3A_97 = arith.constant 0 : i32
      %dma_wait3A_98 = arith.constant 0 : i32
      %dma_wait3A_99 = tpu.memref_slice %arg2[%dma_wait3A_92, %dma_wait3A_97, %dma_wait3A_98] : memref<4x81920x128xf32, #tpu.memory_space<hbm>> -> memref<1x128x128xf32, #tpu.memory_space<hbm>>
      %dma_wait3A_100 = tpu.memref_squeeze %dma_wait3A_99 : memref<1x128x128xf32, #tpu.memory_space<hbm>> -> memref<128x128xf32, #tpu.memory_space<hbm>>
      tpu.wait_dma2 semaphore(%arg11 : memref<!tpu.dma_semaphore, #tpu.memory_space<semaphore_mem>>) src(%dma_wait3A_100 : memref<128x128xf32, #tpu.memory_space<hbm>>) dst(%arg9 : memref<128x128xf32, #tpu.memory_space<vmem>>)
      %run_scoped3A_101 = arith.constant 0 : i32
      "tpu.region"() ({
        %run_scoped3A_102 = tpu.sem_alloc : memref<!tpu.dma_semaphore, #tpu.memory_space<semaphore_mem>>
        %dma_start3A_103 = arith.constant 0 : i32
        %dma_start3A_104 = tpu.memref_slice %arg7[%add3A_91, %run_scoped3A_101, %dma_start3A_103] : memref<40x1x128xi32, #tpu.memory_space<vmem>> -> memref<1x1x128xi32, #tpu.memory_space<vmem>>
        %dma_start3A_105 = tpu.memref_squeeze %dma_start3A_104 : memref<1x1x128xi32, #tpu.memory_space<vmem>> -> memref<128xi32, #tpu.memory_space<vmem>>
        %dma_start3A_106 = arith.constant 0 : i32
        %dma_start3A_107 = arith.constant 0 : i32
        %dma_start3A_108 = tpu.memref_slice %arg6[%dma_start3A_106, %dma_start3A_107] : memref<10112x128xf32, #tpu.memory_space<vmem_shared>> -> memref<10112x128xf32, #tpu.memory_space<vmem_shared>>
        tpu.enqueue_indirect_dma source(%arg9 : memref<128x128xf32, #tpu.memory_space<vmem>>) target(%dma_start3A_108 : memref<10112x128xf32, #tpu.memory_space<vmem_shared>>) offsets(%dma_start3A_105 : memref<128xi32, #tpu.memory_space<vmem>>) semaphore(%run_scoped3A_102 : memref<!tpu.dma_semaphore, #tpu.memory_space<semaphore_mem>>) {add = true}
        %dma_wait3A_109 = arith.constant 0 : i32
        %dma_wait3A_110 = tpu.memref_slice %arg7[%add3A_91, %run_scoped3A_101, %dma_wait3A_109] : memref<40x1x128xi32, #tpu.memory_space<vmem>> -> memref<1x1x128xi32, #tpu.memory_space<vmem>>
        %dma_wait3A_111 = tpu.memref_squeeze %dma_wait3A_110 : memref<1x1x128xi32, #tpu.memory_space<vmem>> -> memref<128xi32, #tpu.memory_space<vmem>>
        %dma_wait3A_112 = arith.constant 0 : i32
        %dma_wait3A_113 = arith.constant 0 : i32
        %dma_wait3A_114 = tpu.memref_slice %arg6[%dma_wait3A_112, %dma_wait3A_113] : memref<10112x128xf32, #tpu.memory_space<vmem_shared>> -> memref<10112x128xf32, #tpu.memory_space<vmem_shared>>
        tpu.wait_indirect_dma semaphore(%run_scoped3A_102 : memref<!tpu.dma_semaphore, #tpu.memory_space<semaphore_mem>>) src(%arg9 : memref<128x128xf32, #tpu.memory_space<vmem>>) dst(%dma_wait3A_114 : memref<10112x128xf32, #tpu.memory_space<vmem_shared>>)
        tpu.yield
      }) : () -> ()
    }
    %scan3A_46 = arith.constant 20 : i32
    %barrier3A_47 = arith.constant 0 : index
    tpu.barrier barrier_id(%barrier3A_47)
    %lt3A_48 = arith.constant 15 : i32
    %lt3A_49 = arith.cmpi slt, %arg1, %lt3A_48 : i32
    %convert_element_type3A_50 = arith.extui %lt3A_49 : i1 to i32
    %cond3A_51 = arith.constant 0 : i32
    %cond3A_52 = arith.cmpi ne, %convert_element_type3A_50, %cond3A_51 : i32
    scf.if %cond3A_52 {
      "tpu.region"() ({
        %run_scoped3A = tpu.sem_alloc : memref<!tpu.dma_semaphore, #tpu.memory_space<semaphore_mem>>
        %dma_start3A_59 = arith.constant 0 : i32
        %dma_start3A_60 = tpu.memref_slice %arg5[%add3A_30, %mul3A_2, %dma_start3A_59] : memref<4x10000x128xf32, #tpu.memory_space<hbm>> -> memref<1x632x128xf32, #tpu.memory_space<hbm>>
        %dma_start3A_61 = tpu.memref_squeeze %dma_start3A_60 : memref<1x632x128xf32, #tpu.memory_space<hbm>> -> memref<632x128xf32, #tpu.memory_space<hbm>>
        %dma_start3A_62 = arith.constant 0 : i32
        %dma_start3A_63 = tpu.memref_slice %arg6[%mul3A_2, %dma_start3A_62] : memref<10112x128xf32, #tpu.memory_space<vmem_shared>> -> memref<632x128xf32, #tpu.memory_space<vmem_shared>>
        tpu.enqueue_dma source(%dma_start3A_63 : memref<632x128xf32, #tpu.memory_space<vmem_shared>>) target(%dma_start3A_61 : memref<632x128xf32, #tpu.memory_space<hbm>>) target_semaphore(%run_scoped3A : memref<!tpu.dma_semaphore, #tpu.memory_space<semaphore_mem>>)
        %dma_wait3A = arith.constant 0 : i32
        %dma_wait3A_64 = tpu.memref_slice %arg5[%add3A_30, %mul3A_2, %dma_wait3A] : memref<4x10000x128xf32, #tpu.memory_space<hbm>> -> memref<1x632x128xf32, #tpu.memory_space<hbm>>
        %dma_wait3A_65 = tpu.memref_squeeze %dma_wait3A_64 : memref<1x632x128xf32, #tpu.memory_space<hbm>> -> memref<632x128xf32, #tpu.memory_space<hbm>>
        %dma_wait3A_66 = arith.constant 0 : i32
        %dma_wait3A_67 = tpu.memref_slice %arg6[%mul3A_2, %dma_wait3A_66] : memref<10112x128xf32, #tpu.memory_space<vmem_shared>> -> memref<632x128xf32, #tpu.memory_space<vmem_shared>>
        tpu.wait_dma2 semaphore(%run_scoped3A : memref<!tpu.dma_semaphore, #tpu.memory_space<semaphore_mem>>) src(%dma_wait3A_67 : memref<632x128xf32, #tpu.memory_space<vmem_shared>>) dst(%dma_wait3A_65 : memref<632x128xf32, #tpu.memory_space<hbm>>)
        tpu.yield
      }) : () -> ()
    } else {
    }
    %eq3A_53 = arith.constant 15 : i32
    %eq3A_54 = arith.cmpi eq, %arg1, %eq3A_53 : i32
    %convert_element_type3A_55 = arith.extui %eq3A_54 : i1 to i32
    %cond3A_56 = arith.constant 0 : i32
    %cond3A_57 = arith.cmpi ne, %convert_element_type3A_55, %cond3A_56 : i32
    scf.if %cond3A_57 {
      "tpu.region"() ({
        %run_scoped3A = tpu.sem_alloc : memref<!tpu.dma_semaphore, #tpu.memory_space<semaphore_mem>>
        %dma_start3A_59 = arith.constant 0 : i32
        %dma_start3A_60 = tpu.memref_slice %arg5[%add3A_30, %mul3A_2, %dma_start3A_59] : memref<4x10000x128xf32, #tpu.memory_space<hbm>> -> memref<1x520x128xf32, #tpu.memory_space<hbm>>
        %dma_start3A_61 = tpu.memref_squeeze %dma_start3A_60 : memref<1x520x128xf32, #tpu.memory_space<hbm>> -> memref<520x128xf32, #tpu.memory_space<hbm>>
        %dma_start3A_62 = arith.constant 0 : i32
        %dma_start3A_63 = tpu.memref_slice %arg6[%mul3A_2, %dma_start3A_62] : memref<10112x128xf32, #tpu.memory_space<vmem_shared>> -> memref<520x128xf32, #tpu.memory_space<vmem_shared>>
        tpu.enqueue_dma source(%dma_start3A_63 : memref<520x128xf32, #tpu.memory_space<vmem_shared>>) target(%dma_start3A_61 : memref<520x128xf32, #tpu.memory_space<hbm>>) target_semaphore(%run_scoped3A : memref<!tpu.dma_semaphore, #tpu.memory_space<semaphore_mem>>)
        %dma_wait3A = arith.constant 0 : i32
        %dma_wait3A_64 = tpu.memref_slice %arg5[%add3A_30, %mul3A_2, %dma_wait3A] : memref<4x10000x128xf32, #tpu.memory_space<hbm>> -> memref<1x520x128xf32, #tpu.memory_space<hbm>>
        %dma_wait3A_65 = tpu.memref_squeeze %dma_wait3A_64 : memref<1x520x128xf32, #tpu.memory_space<hbm>> -> memref<520x128xf32, #tpu.memory_space<hbm>>
        %dma_wait3A_66 = arith.constant 0 : i32
        %dma_wait3A_67 = tpu.memref_slice %arg6[%mul3A_2, %dma_wait3A_66] : memref<10112x128xf32, #tpu.memory_space<vmem_shared>> -> memref<520x128xf32, #tpu.memory_space<vmem_shared>>
        tpu.wait_dma2 semaphore(%run_scoped3A : memref<!tpu.dma_semaphore, #tpu.memory_space<semaphore_mem>>) src(%dma_wait3A_67 : memref<520x128xf32, #tpu.memory_space<vmem_shared>>) dst(%dma_wait3A_65 : memref<520x128xf32, #tpu.memory_space<hbm>>)
        tpu.yield
      }) : () -> ()
    } else {
    }
    %barrier3A_58 = arith.constant 0 : index
    tpu.barrier barrier_id(%barrier3A_58)
    return
  }
}

#map = affine_map<(d0, d1) -> (0, 0)>
#map1 = affine_map<(d0, d1) -> (0, 0, 0, 0)>
module attributes {stable_mosaic.version = 14 : i64} {
  func.func @k(%arg0: i32, %arg1: i32, %arg2: memref<10000x128xf32, #tpu.memory_space<hbm>>, %arg3: memref<32x10x1x256xi32, #tpu.memory_space<hbm>>, %arg4: memref<81920x128xf32, #tpu.memory_space<hbm>>, %arg5: memref<10x1x256xi32, #tpu.memory_space<vmem>>, %arg6: memref<256x128xf32, #tpu.memory_space<vmem>>, %arg7: memref<256x128xf32, #tpu.memory_space<vmem>>, %arg8: memref<!tpu.dma_semaphore, #tpu.memory_space<semaphore_mem>>, %arg9: memref<!tpu.dma_semaphore, #tpu.memory_space<semaphore_mem>>) attributes {dimension_semantics = [#tpu.dimension_semantics<core_parallel>, #tpu.dimension_semantics<subcore_parallel>], iteration_bounds = array<i64: 2, 16>, scalar_prefetch = 0 : i64, scratch_operands = 5 : i64, tpu.core_type = #tpu.core_type<sc_vector_subcore>, window_params = [{transform_indices = #map}, {transform_indices = #map1}, {transform_indices = #map}]} {
    %mul3A = arith.constant 2 : i32
    %mul3A_0 = arith.muli %arg1, %mul3A : i32
    %add3A = arith.addi %mul3A_0, %arg0 : i32
    %mul3A_1 = arith.constant 20 : i32
    %mul3A_2 = arith.muli %add3A, %mul3A_1 : i32
    "tpu.region"() ({
      %run_scoped3A = tpu.sem_alloc : memref<!tpu.dma_semaphore, #tpu.memory_space<semaphore_mem>>
      %dma_start3A_14 = arith.constant 0 : i32
      %dma_start3A_15 = arith.constant 0 : i32
      %dma_start3A_16 = arith.constant 0 : i32
      %dma_start3A_17 = tpu.memref_slice %arg3[%add3A, %dma_start3A_14, %dma_start3A_15, %dma_start3A_16] : memref<32x10x1x256xi32, #tpu.memory_space<hbm>> -> memref<1x10x1x256xi32, #tpu.memory_space<hbm>>
      %dma_start3A_18 = tpu.memref_squeeze %dma_start3A_17 : memref<1x10x1x256xi32, #tpu.memory_space<hbm>> -> memref<10x1x256xi32, #tpu.memory_space<hbm>>
      %dma_start3A_19 = arith.constant 0 : i32
      %dma_start3A_20 = arith.constant 0 : i32
      %dma_start3A_21 = arith.constant 0 : i32
      %dma_start3A_22 = tpu.memref_slice %arg3[%add3A, %dma_start3A_19, %dma_start3A_20, %dma_start3A_21] : memref<32x10x1x256xi32, #tpu.memory_space<hbm>> -> memref<1x10x1x256xi32, #tpu.memory_space<hbm>>
      %dma_start3A_23 = tpu.memref_squeeze %dma_start3A_22 : memref<1x10x1x256xi32, #tpu.memory_space<hbm>> -> memref<10x1x256xi32, #tpu.memory_space<hbm>>
      tpu.enqueue_dma source(%dma_start3A_23 : memref<10x1x256xi32, #tpu.memory_space<hbm>>) target(%arg5 : memref<10x1x256xi32, #tpu.memory_space<vmem>>) target_semaphore(%run_scoped3A : memref<!tpu.dma_semaphore, #tpu.memory_space<semaphore_mem>>)
      %dma_wait3A = arith.constant 0 : i32
      %dma_wait3A_24 = arith.constant 0 : i32
      %dma_wait3A_25 = arith.constant 0 : i32
      %dma_wait3A_26 = tpu.memref_slice %arg3[%add3A, %dma_wait3A, %dma_wait3A_24, %dma_wait3A_25] : memref<32x10x1x256xi32, #tpu.memory_space<hbm>> -> memref<1x10x1x256xi32, #tpu.memory_space<hbm>>
      %dma_wait3A_27 = tpu.memref_squeeze %dma_wait3A_26 : memref<1x10x1x256xi32, #tpu.memory_space<hbm>> -> memref<10x1x256xi32, #tpu.memory_space<hbm>>
      %dma_wait3A_28 = arith.constant 0 : i32
      %dma_wait3A_29 = arith.constant 0 : i32
      %dma_wait3A_30 = arith.constant 0 : i32
      %dma_wait3A_31 = tpu.memref_slice %arg3[%add3A, %dma_wait3A_28, %dma_wait3A_29, %dma_wait3A_30] : memref<32x10x1x256xi32, #tpu.memory_space<hbm>> -> memref<1x10x1x256xi32, #tpu.memory_space<hbm>>
      %dma_wait3A_32 = tpu.memref_squeeze %dma_wait3A_31 : memref<1x10x1x256xi32, #tpu.memory_space<hbm>> -> memref<10x1x256xi32, #tpu.memory_space<hbm>>
      tpu.wait_dma2 semaphore(%run_scoped3A : memref<!tpu.dma_semaphore, #tpu.memory_space<semaphore_mem>>) src(%dma_wait3A_32 : memref<10x1x256xi32, #tpu.memory_space<hbm>>) dst(%arg5 : memref<10x1x256xi32, #tpu.memory_space<vmem>>)
      tpu.yield
    }) : () -> ()
    %dma_start3A = arith.constant 0 : i32
    %dma_start3A_3 = arith.constant 0 : i32
    %dma_start3A_4 = arith.constant 0 : i32
    %dma_start3A_5 = tpu.memref_slice %arg5[%dma_start3A, %dma_start3A_3, %dma_start3A_4] : memref<10x1x256xi32, #tpu.memory_space<vmem>> -> memref<1x1x256xi32, #tpu.memory_space<vmem>>
    %dma_start3A_6 = tpu.memref_squeeze %dma_start3A_5 : memref<1x1x256xi32, #tpu.memory_space<vmem>> -> memref<256xi32, #tpu.memory_space<vmem>>
    %dma_start3A_7 = arith.constant 0 : i32
    %dma_start3A_8 = arith.constant 0 : i32
    %dma_start3A_9 = tpu.memref_slice %arg2[%dma_start3A_7, %dma_start3A_8] : memref<10000x128xf32, #tpu.memory_space<hbm>> -> memref<10000x128xf32, #tpu.memory_space<hbm>>
    tpu.enqueue_indirect_dma source(%dma_start3A_9 : memref<10000x128xf32, #tpu.memory_space<hbm>>) target(%arg6 : memref<256x128xf32, #tpu.memory_space<vmem>>) offsets(%dma_start3A_6 : memref<256xi32, #tpu.memory_space<vmem>>) semaphore(%arg8 : memref<!tpu.dma_semaphore, #tpu.memory_space<semaphore_mem>>)
    %scan3A = arith.constant 0 : i32
    %scan3A_10 = arith.constant 5 : i32
    %scan3A_11 = arith.addi %scan3A, %scan3A_10 : i32
    %scan3A_12 = arith.constant 1 : i32
    scf.for %scan3A_14 = %scan3A to %scan3A_11 step %scan3A_12  : i32 {
      %mul3A_15 = arith.constant 2 : i32
      %mul3A_16 = arith.muli %scan3A_14, %mul3A_15 : i32
      %add3A_17 = arith.constant 0 : i32
      %add3A_18 = arith.addi %add3A_17, %mul3A_16 : i32
      %add3A_19 = arith.constant 1 : i32
      %add3A_20 = arith.addi %add3A_18, %add3A_19 : i32
      %dma_start3A_21 = arith.constant 0 : i32
      %dma_start3A_22 = arith.constant 0 : i32
      %dma_start3A_23 = tpu.memref_slice %arg5[%add3A_20, %dma_start3A_21, %dma_start3A_22] : memref<10x1x256xi32, #tpu.memory_space<vmem>> -> memref<1x1x256xi32, #tpu.memory_space<vmem>>
      %dma_start3A_24 = tpu.memref_squeeze %dma_start3A_23 : memref<1x1x256xi32, #tpu.memory_space<vmem>> -> memref<256xi32, #tpu.memory_space<vmem>>
      %dma_start3A_25 = arith.constant 0 : i32
      %dma_start3A_26 = arith.constant 0 : i32
      %dma_start3A_27 = tpu.memref_slice %arg2[%dma_start3A_25, %dma_start3A_26] : memref<10000x128xf32, #tpu.memory_space<hbm>> -> memref<10000x128xf32, #tpu.memory_space<hbm>>
      tpu.enqueue_indirect_dma source(%dma_start3A_27 : memref<10000x128xf32, #tpu.memory_space<hbm>>) target(%arg7 : memref<256x128xf32, #tpu.memory_space<vmem>>) offsets(%dma_start3A_24 : memref<256xi32, #tpu.memory_space<vmem>>) semaphore(%arg9 : memref<!tpu.dma_semaphore, #tpu.memory_space<semaphore_mem>>)
      %dma_wait3A = arith.constant 0 : i32
      %dma_wait3A_28 = arith.constant 0 : i32
      %dma_wait3A_29 = arith.constant 0 : i32
      %dma_wait3A_30 = tpu.memref_slice %arg5[%dma_wait3A, %dma_wait3A_28, %dma_wait3A_29] : memref<10x1x256xi32, #tpu.memory_space<vmem>> -> memref<1x1x256xi32, #tpu.memory_space<vmem>>
      %dma_wait3A_31 = tpu.memref_squeeze %dma_wait3A_30 : memref<1x1x256xi32, #tpu.memory_space<vmem>> -> memref<256xi32, #tpu.memory_space<vmem>>
      %dma_wait3A_32 = arith.constant 0 : i32
      %dma_wait3A_33 = arith.constant 0 : i32
      %dma_wait3A_34 = tpu.memref_slice %arg2[%dma_wait3A_32, %dma_wait3A_33] : memref<10000x128xf32, #tpu.memory_space<hbm>> -> memref<10000x128xf32, #tpu.memory_space<hbm>>
      tpu.wait_indirect_dma semaphore(%arg8 : memref<!tpu.dma_semaphore, #tpu.memory_space<semaphore_mem>>) src(%dma_wait3A_34 : memref<10000x128xf32, #tpu.memory_space<hbm>>) dst(%arg6 : memref<256x128xf32, #tpu.memory_space<vmem>>)
      %mul3A_35 = arith.constant 2 : i32
      %mul3A_36 = arith.muli %add3A_18, %mul3A_35 : i32
      %add3A_37 = arith.addi %mul3A_2, %mul3A_36 : i32
      %mul3A_38 = arith.constant 128 : i32
      %mul3A_39 = arith.muli %add3A_37, %mul3A_38 : i32
      "tpu.region"() ({
        %run_scoped3A = tpu.sem_alloc : memref<!tpu.dma_semaphore, #tpu.memory_space<semaphore_mem>>
        %dma_start3A_59 = arith.constant 0 : i32
        %dma_start3A_60 = tpu.memref_slice %arg4[%mul3A_39, %dma_start3A_59] : memref<81920x128xf32, #tpu.memory_space<hbm>> -> memref<256x128xf32, #tpu.memory_space<hbm>>
        %dma_start3A_61 = arith.constant 0 : i32
        %dma_start3A_62 = tpu.memref_slice %arg4[%mul3A_39, %dma_start3A_61] : memref<81920x128xf32, #tpu.memory_space<hbm>> -> memref<256x128xf32, #tpu.memory_space<hbm>>
        tpu.enqueue_dma source(%arg6 : memref<256x128xf32, #tpu.memory_space<vmem>>) target(%dma_start3A_62 : memref<256x128xf32, #tpu.memory_space<hbm>>) target_semaphore(%run_scoped3A : memref<!tpu.dma_semaphore, #tpu.memory_space<semaphore_mem>>)
        %dma_wait3A_63 = arith.constant 0 : i32
        %dma_wait3A_64 = tpu.memref_slice %arg4[%mul3A_39, %dma_wait3A_63] : memref<81920x128xf32, #tpu.memory_space<hbm>> -> memref<256x128xf32, #tpu.memory_space<hbm>>
        %dma_wait3A_65 = arith.constant 0 : i32
        %dma_wait3A_66 = tpu.memref_slice %arg4[%mul3A_39, %dma_wait3A_65] : memref<81920x128xf32, #tpu.memory_space<hbm>> -> memref<256x128xf32, #tpu.memory_space<hbm>>
        tpu.wait_dma2 semaphore(%run_scoped3A : memref<!tpu.dma_semaphore, #tpu.memory_space<semaphore_mem>>) src(%arg6 : memref<256x128xf32, #tpu.memory_space<vmem>>) dst(%dma_wait3A_66 : memref<256x128xf32, #tpu.memory_space<hbm>>)
        tpu.yield
      }) : () -> ()
      %add3A_40 = arith.constant 2 : i32
      %add3A_41 = arith.addi %add3A_18, %add3A_40 : i32
      %lt3A = arith.constant 10 : i32
      %lt3A_42 = arith.cmpi slt, %add3A_41, %lt3A : i32
      %convert_element_type3A = arith.extui %lt3A_42 : i1 to i32
      %cond3A = arith.constant 0 : i32
      %cond3A_43 = arith.cmpi ne, %convert_element_type3A, %cond3A : i32
      scf.if %cond3A_43 {
        %add3A_59 = arith.constant 2 : i32
        %add3A_60 = arith.addi %add3A_18, %add3A_59 : i32
        %dma_start3A_61 = arith.constant 0 : i32
        %dma_start3A_62 = arith.constant 0 : i32
        %dma_start3A_63 = tpu.memref_slice %arg5[%add3A_60, %dma_start3A_61, %dma_start3A_62] : memref<10x1x256xi32, #tpu.memory_space<vmem>> -> memref<1x1x256xi32, #tpu.memory_space<vmem>>
        %dma_start3A_64 = tpu.memref_squeeze %dma_start3A_63 : memref<1x1x256xi32, #tpu.memory_space<vmem>> -> memref<256xi32, #tpu.memory_space<vmem>>
        %dma_start3A_65 = arith.constant 0 : i32
        %dma_start3A_66 = arith.constant 0 : i32
        %dma_start3A_67 = tpu.memref_slice %arg2[%dma_start3A_65, %dma_start3A_66] : memref<10000x128xf32, #tpu.memory_space<hbm>> -> memref<10000x128xf32, #tpu.memory_space<hbm>>
        tpu.enqueue_indirect_dma source(%dma_start3A_67 : memref<10000x128xf32, #tpu.memory_space<hbm>>) target(%arg6 : memref<256x128xf32, #tpu.memory_space<vmem>>) offsets(%dma_start3A_64 : memref<256xi32, #tpu.memory_space<vmem>>) semaphore(%arg8 : memref<!tpu.dma_semaphore, #tpu.memory_space<semaphore_mem>>)
      } else {
      }
      %add3A_44 = arith.constant 1 : i32
      %add3A_45 = arith.addi %add3A_18, %add3A_44 : i32
      %dma_wait3A_46 = arith.constant 0 : i32
      %dma_wait3A_47 = arith.constant 0 : i32
      %dma_wait3A_48 = arith.constant 0 : i32
      %dma_wait3A_49 = tpu.memref_slice %arg5[%dma_wait3A_46, %dma_wait3A_47, %dma_wait3A_48] : memref<10x1x256xi32, #tpu.memory_space<vmem>> -> memref<1x1x256xi32, #tpu.memory_space<vmem>>
      %dma_wait3A_50 = tpu.memref_squeeze %dma_wait3A_49 : memref<1x1x256xi32, #tpu.memory_space<vmem>> -> memref<256xi32, #tpu.memory_space<vmem>>
      %dma_wait3A_51 = arith.constant 0 : i32
      %dma_wait3A_52 = arith.constant 0 : i32
      %dma_wait3A_53 = tpu.memref_slice %arg2[%dma_wait3A_51, %dma_wait3A_52] : memref<10000x128xf32, #tpu.memory_space<hbm>> -> memref<10000x128xf32, #tpu.memory_space<hbm>>
      tpu.wait_indirect_dma semaphore(%arg9 : memref<!tpu.dma_semaphore, #tpu.memory_space<semaphore_mem>>) src(%dma_wait3A_53 : memref<10000x128xf32, #tpu.memory_space<hbm>>) dst(%arg7 : memref<256x128xf32, #tpu.memory_space<vmem>>)
      %mul3A_54 = arith.constant 2 : i32
      %mul3A_55 = arith.muli %add3A_45, %mul3A_54 : i32
      %add3A_56 = arith.addi %mul3A_2, %mul3A_55 : i32
      %mul3A_57 = arith.constant 128 : i32
      %mul3A_58 = arith.muli %add3A_56, %mul3A_57 : i32
      "tpu.region"() ({
        %run_scoped3A = tpu.sem_alloc : memref<!tpu.dma_semaphore, #tpu.memory_space<semaphore_mem>>
        %dma_start3A_59 = arith.constant 0 : i32
        %dma_start3A_60 = tpu.memref_slice %arg4[%mul3A_58, %dma_start3A_59] : memref<81920x128xf32, #tpu.memory_space<hbm>> -> memref<256x128xf32, #tpu.memory_space<hbm>>
        %dma_start3A_61 = arith.constant 0 : i32
        %dma_start3A_62 = tpu.memref_slice %arg4[%mul3A_58, %dma_start3A_61] : memref<81920x128xf32, #tpu.memory_space<hbm>> -> memref<256x128xf32, #tpu.memory_space<hbm>>
        tpu.enqueue_dma source(%arg7 : memref<256x128xf32, #tpu.memory_space<vmem>>) target(%dma_start3A_62 : memref<256x128xf32, #tpu.memory_space<hbm>>) target_semaphore(%run_scoped3A : memref<!tpu.dma_semaphore, #tpu.memory_space<semaphore_mem>>)
        %dma_wait3A_63 = arith.constant 0 : i32
        %dma_wait3A_64 = tpu.memref_slice %arg4[%mul3A_58, %dma_wait3A_63] : memref<81920x128xf32, #tpu.memory_space<hbm>> -> memref<256x128xf32, #tpu.memory_space<hbm>>
        %dma_wait3A_65 = arith.constant 0 : i32
        %dma_wait3A_66 = tpu.memref_slice %arg4[%mul3A_58, %dma_wait3A_65] : memref<81920x128xf32, #tpu.memory_space<hbm>> -> memref<256x128xf32, #tpu.memory_space<hbm>>
        tpu.wait_dma2 semaphore(%run_scoped3A : memref<!tpu.dma_semaphore, #tpu.memory_space<semaphore_mem>>) src(%arg7 : memref<256x128xf32, #tpu.memory_space<vmem>>) dst(%dma_wait3A_66 : memref<256x128xf32, #tpu.memory_space<hbm>>)
        tpu.yield
      }) : () -> ()
    }
    %scan3A_13 = arith.constant 5 : i32
    return
  }
}

#map = affine_map<(d0, d1) -> (0, 0)>
#map1 = affine_map<(d0, d1) -> (0, 0, 0, 0)>
module attributes {stable_mosaic.version = 14 : i64} {
  func.func @k(%arg0: i32, %arg1: i32, %arg2: memref<10000x128xf32, #tpu.memory_space<hbm>>, %arg3: memref<32x10x1x256xi32, #tpu.memory_space<hbm>>, %arg4: memref<81920x128xf32, #tpu.memory_space<hbm>>, %arg5: memref<10x1x256xi32, #tpu.memory_space<vmem>>, %arg6: memref<256x128xf32, #tpu.memory_space<vmem>>, %arg7: memref<256x128xf32, #tpu.memory_space<vmem>>, %arg8: memref<!tpu.dma_semaphore, #tpu.memory_space<semaphore_mem>>, %arg9: memref<!tpu.dma_semaphore, #tpu.memory_space<semaphore_mem>>) attributes {dimension_semantics = [#tpu.dimension_semantics<core_parallel>, #tpu.dimension_semantics<subcore_parallel>], iteration_bounds = array<i64: 2, 16>, scalar_prefetch = 0 : i64, scratch_operands = 5 : i64, tpu.core_type = #tpu.core_type<sc_vector_subcore>, window_params = [{transform_indices = #map}, {transform_indices = #map1}, {transform_indices = #map}]} {
    %mul3A = arith.constant 2 : i32
    %mul3A_0 = arith.muli %arg1, %mul3A : i32
    %add3A = arith.addi %mul3A_0, %arg0 : i32
    %mul3A_1 = arith.constant 20 : i32
    %mul3A_2 = arith.muli %add3A, %mul3A_1 : i32
    "tpu.region"() ({
      %run_scoped3A = tpu.sem_alloc : memref<!tpu.dma_semaphore, #tpu.memory_space<semaphore_mem>>
      %dma_start3A_14 = arith.constant 0 : i32
      %dma_start3A_15 = arith.constant 0 : i32
      %dma_start3A_16 = arith.constant 0 : i32
      %dma_start3A_17 = tpu.memref_slice %arg3[%add3A, %dma_start3A_14, %dma_start3A_15, %dma_start3A_16] : memref<32x10x1x256xi32, #tpu.memory_space<hbm>> -> memref<1x10x1x256xi32, #tpu.memory_space<hbm>>
      %dma_start3A_18 = tpu.memref_squeeze %dma_start3A_17 : memref<1x10x1x256xi32, #tpu.memory_space<hbm>> -> memref<10x1x256xi32, #tpu.memory_space<hbm>>
      %dma_start3A_19 = arith.constant 0 : i32
      %dma_start3A_20 = arith.constant 0 : i32
      %dma_start3A_21 = arith.constant 0 : i32
      %dma_start3A_22 = tpu.memref_slice %arg3[%add3A, %dma_start3A_19, %dma_start3A_20, %dma_start3A_21] : memref<32x10x1x256xi32, #tpu.memory_space<hbm>> -> memref<1x10x1x256xi32, #tpu.memory_space<hbm>>
      %dma_start3A_23 = tpu.memref_squeeze %dma_start3A_22 : memref<1x10x1x256xi32, #tpu.memory_space<hbm>> -> memref<10x1x256xi32, #tpu.memory_space<hbm>>
      tpu.enqueue_dma source(%dma_start3A_23 : memref<10x1x256xi32, #tpu.memory_space<hbm>>) target(%arg5 : memref<10x1x256xi32, #tpu.memory_space<vmem>>) target_semaphore(%run_scoped3A : memref<!tpu.dma_semaphore, #tpu.memory_space<semaphore_mem>>)
      %dma_wait3A = arith.constant 0 : i32
      %dma_wait3A_24 = arith.constant 0 : i32
      %dma_wait3A_25 = arith.constant 0 : i32
      %dma_wait3A_26 = tpu.memref_slice %arg3[%add3A, %dma_wait3A, %dma_wait3A_24, %dma_wait3A_25] : memref<32x10x1x256xi32, #tpu.memory_space<hbm>> -> memref<1x10x1x256xi32, #tpu.memory_space<hbm>>
      %dma_wait3A_27 = tpu.memref_squeeze %dma_wait3A_26 : memref<1x10x1x256xi32, #tpu.memory_space<hbm>> -> memref<10x1x256xi32, #tpu.memory_space<hbm>>
      %dma_wait3A_28 = arith.constant 0 : i32
      %dma_wait3A_29 = arith.constant 0 : i32
      %dma_wait3A_30 = arith.constant 0 : i32
      %dma_wait3A_31 = tpu.memref_slice %arg3[%add3A, %dma_wait3A_28, %dma_wait3A_29, %dma_wait3A_30] : memref<32x10x1x256xi32, #tpu.memory_space<hbm>> -> memref<1x10x1x256xi32, #tpu.memory_space<hbm>>
      %dma_wait3A_32 = tpu.memref_squeeze %dma_wait3A_31 : memref<1x10x1x256xi32, #tpu.memory_space<hbm>> -> memref<10x1x256xi32, #tpu.memory_space<hbm>>
      tpu.wait_dma2 semaphore(%run_scoped3A : memref<!tpu.dma_semaphore, #tpu.memory_space<semaphore_mem>>) src(%dma_wait3A_32 : memref<10x1x256xi32, #tpu.memory_space<hbm>>) dst(%arg5 : memref<10x1x256xi32, #tpu.memory_space<vmem>>)
      tpu.yield
    }) : () -> ()
    %dma_start3A = arith.constant 0 : i32
    %dma_start3A_3 = arith.constant 0 : i32
    %dma_start3A_4 = arith.constant 0 : i32
    %dma_start3A_5 = tpu.memref_slice %arg5[%dma_start3A, %dma_start3A_3, %dma_start3A_4] : memref<10x1x256xi32, #tpu.memory_space<vmem>> -> memref<1x1x256xi32, #tpu.memory_space<vmem>>
    %dma_start3A_6 = tpu.memref_squeeze %dma_start3A_5 : memref<1x1x256xi32, #tpu.memory_space<vmem>> -> memref<256xi32, #tpu.memory_space<vmem>>
    %dma_start3A_7 = arith.constant 0 : i32
    %dma_start3A_8 = arith.constant 0 : i32
    %dma_start3A_9 = tpu.memref_slice %arg2[%dma_start3A_7, %dma_start3A_8] : memref<10000x128xf32, #tpu.memory_space<hbm>> -> memref<10000x128xf32, #tpu.memory_space<hbm>>
    tpu.enqueue_indirect_dma source(%dma_start3A_9 : memref<10000x128xf32, #tpu.memory_space<hbm>>) target(%arg6 : memref<256x128xf32, #tpu.memory_space<vmem>>) offsets(%dma_start3A_6 : memref<256xi32, #tpu.memory_space<vmem>>) semaphore(%arg8 : memref<!tpu.dma_semaphore, #tpu.memory_space<semaphore_mem>>)
    %scan3A = arith.constant 0 : i32
    %scan3A_10 = arith.constant 5 : i32
    %scan3A_11 = arith.addi %scan3A, %scan3A_10 : i32
    %scan3A_12 = arith.constant 1 : i32
    scf.for %scan3A_14 = %scan3A to %scan3A_11 step %scan3A_12  : i32 {
      %mul3A_15 = arith.constant 2 : i32
      %mul3A_16 = arith.muli %scan3A_14, %mul3A_15 : i32
      %add3A_17 = arith.constant 0 : i32
      %add3A_18 = arith.addi %add3A_17, %mul3A_16 : i32
      %add3A_19 = arith.constant 1 : i32
      %add3A_20 = arith.addi %add3A_18, %add3A_19 : i32
      %dma_start3A_21 = arith.constant 0 : i32
      %dma_start3A_22 = arith.constant 0 : i32
      %dma_start3A_23 = tpu.memref_slice %arg5[%add3A_20, %dma_start3A_21, %dma_start3A_22] : memref<10x1x256xi32, #tpu.memory_space<vmem>> -> memref<1x1x256xi32, #tpu.memory_space<vmem>>
      %dma_start3A_24 = tpu.memref_squeeze %dma_start3A_23 : memref<1x1x256xi32, #tpu.memory_space<vmem>> -> memref<256xi32, #tpu.memory_space<vmem>>
      %dma_start3A_25 = arith.constant 0 : i32
      %dma_start3A_26 = arith.constant 0 : i32
      %dma_start3A_27 = tpu.memref_slice %arg2[%dma_start3A_25, %dma_start3A_26] : memref<10000x128xf32, #tpu.memory_space<hbm>> -> memref<10000x128xf32, #tpu.memory_space<hbm>>
      tpu.enqueue_indirect_dma source(%dma_start3A_27 : memref<10000x128xf32, #tpu.memory_space<hbm>>) target(%arg7 : memref<256x128xf32, #tpu.memory_space<vmem>>) offsets(%dma_start3A_24 : memref<256xi32, #tpu.memory_space<vmem>>) semaphore(%arg9 : memref<!tpu.dma_semaphore, #tpu.memory_space<semaphore_mem>>)
      %dma_wait3A = arith.constant 0 : i32
      %dma_wait3A_28 = arith.constant 0 : i32
      %dma_wait3A_29 = arith.constant 0 : i32
      %dma_wait3A_30 = tpu.memref_slice %arg5[%dma_wait3A, %dma_wait3A_28, %dma_wait3A_29] : memref<10x1x256xi32, #tpu.memory_space<vmem>> -> memref<1x1x256xi32, #tpu.memory_space<vmem>>
      %dma_wait3A_31 = tpu.memref_squeeze %dma_wait3A_30 : memref<1x1x256xi32, #tpu.memory_space<vmem>> -> memref<256xi32, #tpu.memory_space<vmem>>
      %dma_wait3A_32 = arith.constant 0 : i32
      %dma_wait3A_33 = arith.constant 0 : i32
      %dma_wait3A_34 = tpu.memref_slice %arg2[%dma_wait3A_32, %dma_wait3A_33] : memref<10000x128xf32, #tpu.memory_space<hbm>> -> memref<10000x128xf32, #tpu.memory_space<hbm>>
      tpu.wait_indirect_dma semaphore(%arg8 : memref<!tpu.dma_semaphore, #tpu.memory_space<semaphore_mem>>) src(%dma_wait3A_34 : memref<10000x128xf32, #tpu.memory_space<hbm>>) dst(%arg6 : memref<256x128xf32, #tpu.memory_space<vmem>>)
      %mul3A_35 = arith.constant 2 : i32
      %mul3A_36 = arith.muli %add3A_18, %mul3A_35 : i32
      %add3A_37 = arith.addi %mul3A_2, %mul3A_36 : i32
      %mul3A_38 = arith.constant 128 : i32
      %mul3A_39 = arith.muli %add3A_37, %mul3A_38 : i32
      "tpu.region"() ({
        %run_scoped3A = tpu.sem_alloc : memref<!tpu.dma_semaphore, #tpu.memory_space<semaphore_mem>>
        %dma_start3A_59 = arith.constant 0 : i32
        %dma_start3A_60 = tpu.memref_slice %arg4[%mul3A_39, %dma_start3A_59] : memref<81920x128xf32, #tpu.memory_space<hbm>> -> memref<256x128xf32, #tpu.memory_space<hbm>>
        %dma_start3A_61 = arith.constant 0 : i32
        %dma_start3A_62 = tpu.memref_slice %arg4[%mul3A_39, %dma_start3A_61] : memref<81920x128xf32, #tpu.memory_space<hbm>> -> memref<256x128xf32, #tpu.memory_space<hbm>>
        tpu.enqueue_dma source(%arg6 : memref<256x128xf32, #tpu.memory_space<vmem>>) target(%dma_start3A_62 : memref<256x128xf32, #tpu.memory_space<hbm>>) target_semaphore(%run_scoped3A : memref<!tpu.dma_semaphore, #tpu.memory_space<semaphore_mem>>)
        %dma_wait3A_63 = arith.constant 0 : i32
        %dma_wait3A_64 = tpu.memref_slice %arg4[%mul3A_39, %dma_wait3A_63] : memref<81920x128xf32, #tpu.memory_space<hbm>> -> memref<256x128xf32, #tpu.memory_space<hbm>>
        %dma_wait3A_65 = arith.constant 0 : i32
        %dma_wait3A_66 = tpu.memref_slice %arg4[%mul3A_39, %dma_wait3A_65] : memref<81920x128xf32, #tpu.memory_space<hbm>> -> memref<256x128xf32, #tpu.memory_space<hbm>>
        tpu.wait_dma2 semaphore(%run_scoped3A : memref<!tpu.dma_semaphore, #tpu.memory_space<semaphore_mem>>) src(%arg6 : memref<256x128xf32, #tpu.memory_space<vmem>>) dst(%dma_wait3A_66 : memref<256x128xf32, #tpu.memory_space<hbm>>)
        tpu.yield
      }) : () -> ()
      %add3A_40 = arith.constant 2 : i32
      %add3A_41 = arith.addi %add3A_18, %add3A_40 : i32
      %lt3A = arith.constant 10 : i32
      %lt3A_42 = arith.cmpi slt, %add3A_41, %lt3A : i32
      %convert_element_type3A = arith.extui %lt3A_42 : i1 to i32
      %cond3A = arith.constant 0 : i32
      %cond3A_43 = arith.cmpi ne, %convert_element_type3A, %cond3A : i32
      scf.if %cond3A_43 {
        %add3A_59 = arith.constant 2 : i32
        %add3A_60 = arith.addi %add3A_18, %add3A_59 : i32
        %dma_start3A_61 = arith.constant 0 : i32
        %dma_start3A_62 = arith.constant 0 : i32
        %dma_start3A_63 = tpu.memref_slice %arg5[%add3A_60, %dma_start3A_61, %dma_start3A_62] : memref<10x1x256xi32, #tpu.memory_space<vmem>> -> memref<1x1x256xi32, #tpu.memory_space<vmem>>
        %dma_start3A_64 = tpu.memref_squeeze %dma_start3A_63 : memref<1x1x256xi32, #tpu.memory_space<vmem>> -> memref<256xi32, #tpu.memory_space<vmem>>
        %dma_start3A_65 = arith.constant 0 : i32
        %dma_start3A_66 = arith.constant 0 : i32
        %dma_start3A_67 = tpu.memref_slice %arg2[%dma_start3A_65, %dma_start3A_66] : memref<10000x128xf32, #tpu.memory_space<hbm>> -> memref<10000x128xf32, #tpu.memory_space<hbm>>
        tpu.enqueue_indirect_dma source(%dma_start3A_67 : memref<10000x128xf32, #tpu.memory_space<hbm>>) target(%arg6 : memref<256x128xf32, #tpu.memory_space<vmem>>) offsets(%dma_start3A_64 : memref<256xi32, #tpu.memory_space<vmem>>) semaphore(%arg8 : memref<!tpu.dma_semaphore, #tpu.memory_space<semaphore_mem>>)
      } else {
      }
      %add3A_44 = arith.constant 1 : i32
      %add3A_45 = arith.addi %add3A_18, %add3A_44 : i32
      %dma_wait3A_46 = arith.constant 0 : i32
      %dma_wait3A_47 = arith.constant 0 : i32
      %dma_wait3A_48 = arith.constant 0 : i32
      %dma_wait3A_49 = tpu.memref_slice %arg5[%dma_wait3A_46, %dma_wait3A_47, %dma_wait3A_48] : memref<10x1x256xi32, #tpu.memory_space<vmem>> -> memref<1x1x256xi32, #tpu.memory_space<vmem>>
      %dma_wait3A_50 = tpu.memref_squeeze %dma_wait3A_49 : memref<1x1x256xi32, #tpu.memory_space<vmem>> -> memref<256xi32, #tpu.memory_space<vmem>>
      %dma_wait3A_51 = arith.constant 0 : i32
      %dma_wait3A_52 = arith.constant 0 : i32
      %dma_wait3A_53 = tpu.memref_slice %arg2[%dma_wait3A_51, %dma_wait3A_52] : memref<10000x128xf32, #tpu.memory_space<hbm>> -> memref<10000x128xf32, #tpu.memory_space<hbm>>
      tpu.wait_indirect_dma semaphore(%arg9 : memref<!tpu.dma_semaphore, #tpu.memory_space<semaphore_mem>>) src(%dma_wait3A_53 : memref<10000x128xf32, #tpu.memory_space<hbm>>) dst(%arg7 : memref<256x128xf32, #tpu.memory_space<vmem>>)
      %mul3A_54 = arith.constant 2 : i32
      %mul3A_55 = arith.muli %add3A_45, %mul3A_54 : i32
      %add3A_56 = arith.addi %mul3A_2, %mul3A_55 : i32
      %mul3A_57 = arith.constant 128 : i32
      %mul3A_58 = arith.muli %add3A_56, %mul3A_57 : i32
      "tpu.region"() ({
        %run_scoped3A = tpu.sem_alloc : memref<!tpu.dma_semaphore, #tpu.memory_space<semaphore_mem>>
        %dma_start3A_59 = arith.constant 0 : i32
        %dma_start3A_60 = tpu.memref_slice %arg4[%mul3A_58, %dma_start3A_59] : memref<81920x128xf32, #tpu.memory_space<hbm>> -> memref<256x128xf32, #tpu.memory_space<hbm>>
        %dma_start3A_61 = arith.constant 0 : i32
        %dma_start3A_62 = tpu.memref_slice %arg4[%mul3A_58, %dma_start3A_61] : memref<81920x128xf32, #tpu.memory_space<hbm>> -> memref<256x128xf32, #tpu.memory_space<hbm>>
        tpu.enqueue_dma source(%arg7 : memref<256x128xf32, #tpu.memory_space<vmem>>) target(%dma_start3A_62 : memref<256x128xf32, #tpu.memory_space<hbm>>) target_semaphore(%run_scoped3A : memref<!tpu.dma_semaphore, #tpu.memory_space<semaphore_mem>>)
        %dma_wait3A_63 = arith.constant 0 : i32
        %dma_wait3A_64 = tpu.memref_slice %arg4[%mul3A_58, %dma_wait3A_63] : memref<81920x128xf32, #tpu.memory_space<hbm>> -> memref<256x128xf32, #tpu.memory_space<hbm>>
        %dma_wait3A_65 = arith.constant 0 : i32
        %dma_wait3A_66 = tpu.memref_slice %arg4[%mul3A_58, %dma_wait3A_65] : memref<81920x128xf32, #tpu.memory_space<hbm>> -> memref<256x128xf32, #tpu.memory_space<hbm>>
        tpu.wait_dma2 semaphore(%run_scoped3A : memref<!tpu.dma_semaphore, #tpu.memory_space<semaphore_mem>>) src(%arg7 : memref<256x128xf32, #tpu.memory_space<vmem>>) dst(%dma_wait3A_66 : memref<256x128xf32, #tpu.memory_space<hbm>>)
        tpu.yield
      }) : () -> ()
    }
    %scan3A_13 = arith.constant 5 : i32
    return
  }
}

#map = affine_map<(d0, d1) -> (0, 0, 0)>
#map1 = affine_map<(d0, d1) -> (0, 0, 0, 0)>
#map2 = affine_map<(d0, d1) -> (0, 0)>
module attributes {stable_mosaic.version = 14 : i64} {
  func.func @k(%arg0: i32, %arg1: i32, %arg2: memref<4x81920x128xf32, #tpu.memory_space<hbm>>, %arg3: memref<16x40x1x128xi32, #tpu.memory_space<hbm>>, %arg4: memref<632x128xf32, #tpu.memory_space<hbm>>, %arg5: memref<4x10000x128xf32, #tpu.memory_space<hbm>>, %arg6: memref<10112x128xf32, #tpu.memory_space<vmem_shared>>, %arg7: memref<40x1x128xi32, #tpu.memory_space<vmem>>, %arg8: memref<128x128xf32, #tpu.memory_space<vmem>>, %arg9: memref<128x128xf32, #tpu.memory_space<vmem>>, %arg10: memref<!tpu.dma_semaphore, #tpu.memory_space<semaphore_mem>>, %arg11: memref<!tpu.dma_semaphore, #tpu.memory_space<semaphore_mem>>) attributes {dimension_semantics = [#tpu.dimension_semantics<core_parallel>, #tpu.dimension_semantics<subcore_parallel>], iteration_bounds = array<i64: 2, 16>, scalar_prefetch = 0 : i64, scratch_operands = 6 : i64, tpu.core_type = #tpu.core_type<sc_vector_subcore>, window_params = [{transform_indices = #map}, {transform_indices = #map1}, {transform_indices = #map2}, {transform_indices = #map}]} {
    %mul3A = arith.constant 40 : i32
    %mul3A_0 = arith.muli %arg1, %mul3A : i32
    %mul3A_1 = arith.constant 632 : i32
    %mul3A_2 = arith.muli %arg1, %mul3A_1 : i32
    "tpu.region"() ({
      %run_scoped3A = tpu.sem_alloc : memref<!tpu.dma_semaphore, #tpu.memory_space<semaphore_mem>>
      %dma_start3A_59 = arith.constant 0 : i32
      %dma_start3A_60 = arith.constant 0 : i32
      %dma_start3A_61 = arith.constant 0 : i32
      %dma_start3A_62 = tpu.memref_slice %arg3[%arg1, %dma_start3A_59, %dma_start3A_60, %dma_start3A_61] : memref<16x40x1x128xi32, #tpu.memory_space<hbm>> -> memref<1x40x1x128xi32, #tpu.memory_space<hbm>>
      %dma_start3A_63 = tpu.memref_squeeze %dma_start3A_62 : memref<1x40x1x128xi32, #tpu.memory_space<hbm>> -> memref<40x1x128xi32, #tpu.memory_space<hbm>>
      %dma_start3A_64 = arith.constant 0 : i32
      %dma_start3A_65 = arith.constant 0 : i32
      %dma_start3A_66 = arith.constant 0 : i32
      %dma_start3A_67 = tpu.memref_slice %arg3[%arg1, %dma_start3A_64, %dma_start3A_65, %dma_start3A_66] : memref<16x40x1x128xi32, #tpu.memory_space<hbm>> -> memref<1x40x1x128xi32, #tpu.memory_space<hbm>>
      %dma_start3A_68 = tpu.memref_squeeze %dma_start3A_67 : memref<1x40x1x128xi32, #tpu.memory_space<hbm>> -> memref<40x1x128xi32, #tpu.memory_space<hbm>>
      tpu.enqueue_dma source(%dma_start3A_68 : memref<40x1x128xi32, #tpu.memory_space<hbm>>) target(%arg7 : memref<40x1x128xi32, #tpu.memory_space<vmem>>) target_semaphore(%run_scoped3A : memref<!tpu.dma_semaphore, #tpu.memory_space<semaphore_mem>>)
      %dma_wait3A = arith.constant 0 : i32
      %dma_wait3A_69 = arith.constant 0 : i32
      %dma_wait3A_70 = arith.constant 0 : i32
      %dma_wait3A_71 = tpu.memref_slice %arg3[%arg1, %dma_wait3A, %dma_wait3A_69, %dma_wait3A_70] : memref<16x40x1x128xi32, #tpu.memory_space<hbm>> -> memref<1x40x1x128xi32, #tpu.memory_space<hbm>>
      %dma_wait3A_72 = tpu.memref_squeeze %dma_wait3A_71 : memref<1x40x1x128xi32, #tpu.memory_space<hbm>> -> memref<40x1x128xi32, #tpu.memory_space<hbm>>
      %dma_wait3A_73 = arith.constant 0 : i32
      %dma_wait3A_74 = arith.constant 0 : i32
      %dma_wait3A_75 = arith.constant 0 : i32
      %dma_wait3A_76 = tpu.memref_slice %arg3[%arg1, %dma_wait3A_73, %dma_wait3A_74, %dma_wait3A_75] : memref<16x40x1x128xi32, #tpu.memory_space<hbm>> -> memref<1x40x1x128xi32, #tpu.memory_space<hbm>>
      %dma_wait3A_77 = tpu.memref_squeeze %dma_wait3A_76 : memref<1x40x1x128xi32, #tpu.memory_space<hbm>> -> memref<40x1x128xi32, #tpu.memory_space<hbm>>
      tpu.wait_dma2 semaphore(%run_scoped3A : memref<!tpu.dma_semaphore, #tpu.memory_space<semaphore_mem>>) src(%dma_wait3A_77 : memref<40x1x128xi32, #tpu.memory_space<hbm>>) dst(%arg7 : memref<40x1x128xi32, #tpu.memory_space<vmem>>)
      tpu.yield
    }) : () -> ()
    %mul3A_3 = arith.constant 2 : i32
    %mul3A_4 = arith.muli %arg0, %mul3A_3 : i32
    %add3A = arith.constant 0 : i32
    %add3A_5 = arith.addi %mul3A_4, %add3A : i32
    "tpu.region"() ({
      %run_scoped3A = tpu.sem_alloc : memref<!tpu.dma_semaphore, #tpu.memory_space<semaphore_mem>>
      %dma_start3A_59 = arith.constant 0 : i32
      %dma_start3A_60 = tpu.memref_slice %arg6[%mul3A_2, %dma_start3A_59] : memref<10112x128xf32, #tpu.memory_space<vmem_shared>> -> memref<632x128xf32, #tpu.memory_space<vmem_shared>>
      tpu.enqueue_dma source(%arg4 : memref<632x128xf32, #tpu.memory_space<hbm>>) target(%dma_start3A_60 : memref<632x128xf32, #tpu.memory_space<vmem_shared>>) target_semaphore(%run_scoped3A : memref<!tpu.dma_semaphore, #tpu.memory_space<semaphore_mem>>)
      %dma_wait3A = arith.constant 0 : i32
      %dma_wait3A_61 = tpu.memref_slice %arg6[%mul3A_2, %dma_wait3A] : memref<10112x128xf32, #tpu.memory_space<vmem_shared>> -> memref<632x128xf32, #tpu.memory_space<vmem_shared>>
      tpu.wait_dma2 semaphore(%run_scoped3A : memref<!tpu.dma_semaphore, #tpu.memory_space<semaphore_mem>>) src(%arg4 : memref<632x128xf32, #tpu.memory_space<hbm>>) dst(%dma_wait3A_61 : memref<632x128xf32, #tpu.memory_space<vmem_shared>>)
      tpu.yield
    }) : () -> ()
    %barrier3A = arith.constant 0 : index
    tpu.barrier barrier_id(%barrier3A)
    %add3A_6 = arith.constant 0 : i32
    %add3A_7 = arith.addi %mul3A_0, %add3A_6 : i32
    %mul3A_8 = arith.constant 128 : i32
    %mul3A_9 = arith.muli %add3A_7, %mul3A_8 : i32
    %dma_start3A = arith.constant 0 : i32
    %dma_start3A_10 = tpu.memref_slice %arg2[%add3A_5, %mul3A_9, %dma_start3A] : memref<4x81920x128xf32, #tpu.memory_space<hbm>> -> memref<1x128x128xf32, #tpu.memory_space<hbm>>
    %dma_start3A_11 = tpu.memref_squeeze %dma_start3A_10 : memref<1x128x128xf32, #tpu.memory_space<hbm>> -> memref<128x128xf32, #tpu.memory_space<hbm>>
    %dma_start3A_12 = arith.constant 0 : i32
    %dma_start3A_13 = tpu.memref_slice %arg2[%add3A_5, %mul3A_9, %dma_start3A_12] : memref<4x81920x128xf32, #tpu.memory_space<hbm>> -> memref<1x128x128xf32, #tpu.memory_space<hbm>>
    %dma_start3A_14 = tpu.memref_squeeze %dma_start3A_13 : memref<1x128x128xf32, #tpu.memory_space<hbm>> -> memref<128x128xf32, #tpu.memory_space<hbm>>
    tpu.enqueue_dma source(%dma_start3A_14 : memref<128x128xf32, #tpu.memory_space<hbm>>) target(%arg8 : memref<128x128xf32, #tpu.memory_space<vmem>>) target_semaphore(%arg10 : memref<!tpu.dma_semaphore, #tpu.memory_space<semaphore_mem>>)
    %scan3A = arith.constant 0 : i32
    %scan3A_15 = arith.constant 20 : i32
    %scan3A_16 = arith.addi %scan3A, %scan3A_15 : i32
    %scan3A_17 = arith.constant 1 : i32
    scf.for %scan3A_59 = %scan3A to %scan3A_16 step %scan3A_17  : i32 {
      %mul3A_60 = arith.constant 2 : i32
      %mul3A_61 = arith.muli %scan3A_59, %mul3A_60 : i32
      %add3A_62 = arith.constant 0 : i32
      %add3A_63 = arith.addi %add3A_62, %mul3A_61 : i32
      %add3A_64 = arith.constant 1 : i32
      %add3A_65 = arith.addi %add3A_63, %add3A_64 : i32
      %add3A_66 = arith.addi %mul3A_0, %add3A_65 : i32
      %mul3A_67 = arith.constant 128 : i32
      %mul3A_68 = arith.muli %add3A_66, %mul3A_67 : i32
      %dma_start3A_69 = arith.constant 0 : i32
      %dma_start3A_70 = tpu.memref_slice %arg2[%add3A_5, %mul3A_68, %dma_start3A_69] : memref<4x81920x128xf32, #tpu.memory_space<hbm>> -> memref<1x128x128xf32, #tpu.memory_space<hbm>>
      %dma_start3A_71 = tpu.memref_squeeze %dma_start3A_70 : memref<1x128x128xf32, #tpu.memory_space<hbm>> -> memref<128x128xf32, #tpu.memory_space<hbm>>
      %dma_start3A_72 = arith.constant 0 : i32
      %dma_start3A_73 = tpu.memref_slice %arg2[%add3A_5, %mul3A_68, %dma_start3A_72] : memref<4x81920x128xf32, #tpu.memory_space<hbm>> -> memref<1x128x128xf32, #tpu.memory_space<hbm>>
      %dma_start3A_74 = tpu.memref_squeeze %dma_start3A_73 : memref<1x128x128xf32, #tpu.memory_space<hbm>> -> memref<128x128xf32, #tpu.memory_space<hbm>>
      tpu.enqueue_dma source(%dma_start3A_74 : memref<128x128xf32, #tpu.memory_space<hbm>>) target(%arg9 : memref<128x128xf32, #tpu.memory_space<vmem>>) target_semaphore(%arg11 : memref<!tpu.dma_semaphore, #tpu.memory_space<semaphore_mem>>)
      %dma_wait3A = arith.constant 0 : i32
      %dma_wait3A_75 = arith.constant 0 : i32
      %dma_wait3A_76 = arith.constant 0 : i32
      %dma_wait3A_77 = tpu.memref_slice %arg2[%dma_wait3A, %dma_wait3A_75, %dma_wait3A_76] : memref<4x81920x128xf32, #tpu.memory_space<hbm>> -> memref<1x128x128xf32, #tpu.memory_space<hbm>>
      %dma_wait3A_78 = tpu.memref_squeeze %dma_wait3A_77 : memref<1x128x128xf32, #tpu.memory_space<hbm>> -> memref<128x128xf32, #tpu.memory_space<hbm>>
      %dma_wait3A_79 = arith.constant 0 : i32
      %dma_wait3A_80 = arith.constant 0 : i32
      %dma_wait3A_81 = tpu.memref_slice %arg2[%dma_wait3A, %dma_wait3A_79, %dma_wait3A_80] : memref<4x81920x128xf32, #tpu.memory_space<hbm>> -> memref<1x128x128xf32, #tpu.memory_space<hbm>>
      %dma_wait3A_82 = tpu.memref_squeeze %dma_wait3A_81 : memref<1x128x128xf32, #tpu.memory_space<hbm>> -> memref<128x128xf32, #tpu.memory_space<hbm>>
      tpu.wait_dma2 semaphore(%arg10 : memref<!tpu.dma_semaphore, #tpu.memory_space<semaphore_mem>>) src(%dma_wait3A_82 : memref<128x128xf32, #tpu.memory_space<hbm>>) dst(%arg8 : memref<128x128xf32, #tpu.memory_space<vmem>>)
      %run_scoped3A = arith.constant 0 : i32
      "tpu.region"() ({
        %run_scoped3A_102 = tpu.sem_alloc : memref<!tpu.dma_semaphore, #tpu.memory_space<semaphore_mem>>
        %dma_start3A_103 = arith.constant 0 : i32
        %dma_start3A_104 = tpu.memref_slice %arg7[%add3A_63, %run_scoped3A, %dma_start3A_103] : memref<40x1x128xi32, #tpu.memory_space<vmem>> -> memref<1x1x128xi32, #tpu.memory_space<vmem>>
        %dma_start3A_105 = tpu.memref_squeeze %dma_start3A_104 : memref<1x1x128xi32, #tpu.memory_space<vmem>> -> memref<128xi32, #tpu.memory_space<vmem>>
        %dma_start3A_106 = arith.constant 0 : i32
        %dma_start3A_107 = arith.constant 0 : i32
        %dma_start3A_108 = tpu.memref_slice %arg6[%dma_start3A_106, %dma_start3A_107] : memref<10112x128xf32, #tpu.memory_space<vmem_shared>> -> memref<10112x128xf32, #tpu.memory_space<vmem_shared>>
        tpu.enqueue_indirect_dma source(%arg8 : memref<128x128xf32, #tpu.memory_space<vmem>>) target(%dma_start3A_108 : memref<10112x128xf32, #tpu.memory_space<vmem_shared>>) offsets(%dma_start3A_105 : memref<128xi32, #tpu.memory_space<vmem>>) semaphore(%run_scoped3A_102 : memref<!tpu.dma_semaphore, #tpu.memory_space<semaphore_mem>>) {add = true}
        %dma_wait3A_109 = arith.constant 0 : i32
        %dma_wait3A_110 = tpu.memref_slice %arg7[%add3A_63, %run_scoped3A, %dma_wait3A_109] : memref<40x1x128xi32, #tpu.memory_space<vmem>> -> memref<1x1x128xi32, #tpu.memory_space<vmem>>
        %dma_wait3A_111 = tpu.memref_squeeze %dma_wait3A_110 : memref<1x1x128xi32, #tpu.memory_space<vmem>> -> memref<128xi32, #tpu.memory_space<vmem>>
        %dma_wait3A_112 = arith.constant 0 : i32
        %dma_wait3A_113 = arith.constant 0 : i32
        %dma_wait3A_114 = tpu.memref_slice %arg6[%dma_wait3A_112, %dma_wait3A_113] : memref<10112x128xf32, #tpu.memory_space<vmem_shared>> -> memref<10112x128xf32, #tpu.memory_space<vmem_shared>>
        tpu.wait_indirect_dma semaphore(%run_scoped3A_102 : memref<!tpu.dma_semaphore, #tpu.memory_space<semaphore_mem>>) src(%arg8 : memref<128x128xf32, #tpu.memory_space<vmem>>) dst(%dma_wait3A_114 : memref<10112x128xf32, #tpu.memory_space<vmem_shared>>)
        tpu.yield
      }) : () -> ()
      %add3A_83 = arith.constant 2 : i32
      %add3A_84 = arith.addi %add3A_63, %add3A_83 : i32
      %lt3A_85 = arith.constant 40 : i32
      %lt3A_86 = arith.cmpi slt, %add3A_84, %lt3A_85 : i32
      %convert_element_type3A_87 = arith.extui %lt3A_86 : i1 to i32
      %cond3A_88 = arith.constant 0 : i32
      %cond3A_89 = arith.cmpi ne, %convert_element_type3A_87, %cond3A_88 : i32
      scf.if %cond3A_89 {
        %add3A_102 = arith.constant 2 : i32
        %add3A_103 = arith.addi %add3A_63, %add3A_102 : i32
        %add3A_104 = arith.addi %mul3A_0, %add3A_103 : i32
        %mul3A_105 = arith.constant 128 : i32
        %mul3A_106 = arith.muli %add3A_104, %mul3A_105 : i32
        %dma_start3A_107 = arith.constant 0 : i32
        %dma_start3A_108 = tpu.memref_slice %arg2[%add3A_5, %mul3A_106, %dma_start3A_107] : memref<4x81920x128xf32, #tpu.memory_space<hbm>> -> memref<1x128x128xf32, #tpu.memory_space<hbm>>
        %dma_start3A_109 = tpu.memref_squeeze %dma_start3A_108 : memref<1x128x128xf32, #tpu.memory_space<hbm>> -> memref<128x128xf32, #tpu.memory_space<hbm>>
        %dma_start3A_110 = arith.constant 0 : i32
        %dma_start3A_111 = tpu.memref_slice %arg2[%add3A_5, %mul3A_106, %dma_start3A_110] : memref<4x81920x128xf32, #tpu.memory_space<hbm>> -> memref<1x128x128xf32, #tpu.memory_space<hbm>>
        %dma_start3A_112 = tpu.memref_squeeze %dma_start3A_111 : memref<1x128x128xf32, #tpu.memory_space<hbm>> -> memref<128x128xf32, #tpu.memory_space<hbm>>
        tpu.enqueue_dma source(%dma_start3A_112 : memref<128x128xf32, #tpu.memory_space<hbm>>) target(%arg8 : memref<128x128xf32, #tpu.memory_space<vmem>>) target_semaphore(%arg10 : memref<!tpu.dma_semaphore, #tpu.memory_space<semaphore_mem>>)
      } else {
      }
      %add3A_90 = arith.constant 1 : i32
      %add3A_91 = arith.addi %add3A_63, %add3A_90 : i32
      %dma_wait3A_92 = arith.constant 0 : i32
      %dma_wait3A_93 = arith.constant 0 : i32
      %dma_wait3A_94 = arith.constant 0 : i32
      %dma_wait3A_95 = tpu.memref_slice %arg2[%dma_wait3A_92, %dma_wait3A_93, %dma_wait3A_94] : memref<4x81920x128xf32, #tpu.memory_space<hbm>> -> memref<1x128x128xf32, #tpu.memory_space<hbm>>
      %dma_wait3A_96 = tpu.memref_squeeze %dma_wait3A_95 : memref<1x128x128xf32, #tpu.memory_space<hbm>> -> memref<128x128xf32, #tpu.memory_space<hbm>>
      %dma_wait3A_97 = arith.constant 0 : i32
      %dma_wait3A_98 = arith.constant 0 : i32
      %dma_wait3A_99 = tpu.memref_slice %arg2[%dma_wait3A_92, %dma_wait3A_97, %dma_wait3A_98] : memref<4x81920x128xf32, #tpu.memory_space<hbm>> -> memref<1x128x128xf32, #tpu.memory_space<hbm>>
      %dma_wait3A_100 = tpu.memref_squeeze %dma_wait3A_99 : memref<1x128x128xf32, #tpu.memory_space<hbm>> -> memref<128x128xf32, #tpu.memory_space<hbm>>
      tpu.wait_dma2 semaphore(%arg11 : memref<!tpu.dma_semaphore, #tpu.memory_space<semaphore_mem>>) src(%dma_wait3A_100 : memref<128x128xf32, #tpu.memory_space<hbm>>) dst(%arg9 : memref<128x128xf32, #tpu.memory_space<vmem>>)
      %run_scoped3A_101 = arith.constant 0 : i32
      "tpu.region"() ({
        %run_scoped3A_102 = tpu.sem_alloc : memref<!tpu.dma_semaphore, #tpu.memory_space<semaphore_mem>>
        %dma_start3A_103 = arith.constant 0 : i32
        %dma_start3A_104 = tpu.memref_slice %arg7[%add3A_91, %run_scoped3A_101, %dma_start3A_103] : memref<40x1x128xi32, #tpu.memory_space<vmem>> -> memref<1x1x128xi32, #tpu.memory_space<vmem>>
        %dma_start3A_105 = tpu.memref_squeeze %dma_start3A_104 : memref<1x1x128xi32, #tpu.memory_space<vmem>> -> memref<128xi32, #tpu.memory_space<vmem>>
        %dma_start3A_106 = arith.constant 0 : i32
        %dma_start3A_107 = arith.constant 0 : i32
        %dma_start3A_108 = tpu.memref_slice %arg6[%dma_start3A_106, %dma_start3A_107] : memref<10112x128xf32, #tpu.memory_space<vmem_shared>> -> memref<10112x128xf32, #tpu.memory_space<vmem_shared>>
        tpu.enqueue_indirect_dma source(%arg9 : memref<128x128xf32, #tpu.memory_space<vmem>>) target(%dma_start3A_108 : memref<10112x128xf32, #tpu.memory_space<vmem_shared>>) offsets(%dma_start3A_105 : memref<128xi32, #tpu.memory_space<vmem>>) semaphore(%run_scoped3A_102 : memref<!tpu.dma_semaphore, #tpu.memory_space<semaphore_mem>>) {add = true}
        %dma_wait3A_109 = arith.constant 0 : i32
        %dma_wait3A_110 = tpu.memref_slice %arg7[%add3A_91, %run_scoped3A_101, %dma_wait3A_109] : memref<40x1x128xi32, #tpu.memory_space<vmem>> -> memref<1x1x128xi32, #tpu.memory_space<vmem>>
        %dma_wait3A_111 = tpu.memref_squeeze %dma_wait3A_110 : memref<1x1x128xi32, #tpu.memory_space<vmem>> -> memref<128xi32, #tpu.memory_space<vmem>>
        %dma_wait3A_112 = arith.constant 0 : i32
        %dma_wait3A_113 = arith.constant 0 : i32
        %dma_wait3A_114 = tpu.memref_slice %arg6[%dma_wait3A_112, %dma_wait3A_113] : memref<10112x128xf32, #tpu.memory_space<vmem_shared>> -> memref<10112x128xf32, #tpu.memory_space<vmem_shared>>
        tpu.wait_indirect_dma semaphore(%run_scoped3A_102 : memref<!tpu.dma_semaphore, #tpu.memory_space<semaphore_mem>>) src(%arg9 : memref<128x128xf32, #tpu.memory_space<vmem>>) dst(%dma_wait3A_114 : memref<10112x128xf32, #tpu.memory_space<vmem_shared>>)
        tpu.yield
      }) : () -> ()
    }
    %scan3A_18 = arith.constant 20 : i32
    %barrier3A_19 = arith.constant 0 : index
    tpu.barrier barrier_id(%barrier3A_19)
    %lt3A = arith.constant 15 : i32
    %lt3A_20 = arith.cmpi slt, %arg1, %lt3A : i32
    %convert_element_type3A = arith.extui %lt3A_20 : i1 to i32
    %cond3A = arith.constant 0 : i32
    %cond3A_21 = arith.cmpi ne, %convert_element_type3A, %cond3A : i32
    scf.if %cond3A_21 {
      "tpu.region"() ({
        %run_scoped3A = tpu.sem_alloc : memref<!tpu.dma_semaphore, #tpu.memory_space<semaphore_mem>>
        %dma_start3A_59 = arith.constant 0 : i32
        %dma_start3A_60 = tpu.memref_slice %arg5[%add3A_5, %mul3A_2, %dma_start3A_59] : memref<4x10000x128xf32, #tpu.memory_space<hbm>> -> memref<1x632x128xf32, #tpu.memory_space<hbm>>
        %dma_start3A_61 = tpu.memref_squeeze %dma_start3A_60 : memref<1x632x128xf32, #tpu.memory_space<hbm>> -> memref<632x128xf32, #tpu.memory_space<hbm>>
        %dma_start3A_62 = arith.constant 0 : i32
        %dma_start3A_63 = tpu.memref_slice %arg6[%mul3A_2, %dma_start3A_62] : memref<10112x128xf32, #tpu.memory_space<vmem_shared>> -> memref<632x128xf32, #tpu.memory_space<vmem_shared>>
        tpu.enqueue_dma source(%dma_start3A_63 : memref<632x128xf32, #tpu.memory_space<vmem_shared>>) target(%dma_start3A_61 : memref<632x128xf32, #tpu.memory_space<hbm>>) target_semaphore(%run_scoped3A : memref<!tpu.dma_semaphore, #tpu.memory_space<semaphore_mem>>)
        %dma_wait3A = arith.constant 0 : i32
        %dma_wait3A_64 = tpu.memref_slice %arg5[%add3A_5, %mul3A_2, %dma_wait3A] : memref<4x10000x128xf32, #tpu.memory_space<hbm>> -> memref<1x632x128xf32, #tpu.memory_space<hbm>>
        %dma_wait3A_65 = tpu.memref_squeeze %dma_wait3A_64 : memref<1x632x128xf32, #tpu.memory_space<hbm>> -> memref<632x128xf32, #tpu.memory_space<hbm>>
        %dma_wait3A_66 = arith.constant 0 : i32
        %dma_wait3A_67 = tpu.memref_slice %arg6[%mul3A_2, %dma_wait3A_66] : memref<10112x128xf32, #tpu.memory_space<vmem_shared>> -> memref<632x128xf32, #tpu.memory_space<vmem_shared>>
        tpu.wait_dma2 semaphore(%run_scoped3A : memref<!tpu.dma_semaphore, #tpu.memory_space<semaphore_mem>>) src(%dma_wait3A_67 : memref<632x128xf32, #tpu.memory_space<vmem_shared>>) dst(%dma_wait3A_65 : memref<632x128xf32, #tpu.memory_space<hbm>>)
        tpu.yield
      }) : () -> ()
    } else {
    }
    %eq3A = arith.constant 15 : i32
    %eq3A_22 = arith.cmpi eq, %arg1, %eq3A : i32
    %convert_element_type3A_23 = arith.extui %eq3A_22 : i1 to i32
    %cond3A_24 = arith.constant 0 : i32
    %cond3A_25 = arith.cmpi ne, %convert_element_type3A_23, %cond3A_24 : i32
    scf.if %cond3A_25 {
      "tpu.region"() ({
        %run_scoped3A = tpu.sem_alloc : memref<!tpu.dma_semaphore, #tpu.memory_space<semaphore_mem>>
        %dma_start3A_59 = arith.constant 0 : i32
        %dma_start3A_60 = tpu.memref_slice %arg5[%add3A_5, %mul3A_2, %dma_start3A_59] : memref<4x10000x128xf32, #tpu.memory_space<hbm>> -> memref<1x520x128xf32, #tpu.memory_space<hbm>>
        %dma_start3A_61 = tpu.memref_squeeze %dma_start3A_60 : memref<1x520x128xf32, #tpu.memory_space<hbm>> -> memref<520x128xf32, #tpu.memory_space<hbm>>
        %dma_start3A_62 = arith.constant 0 : i32
        %dma_start3A_63 = tpu.memref_slice %arg6[%mul3A_2, %dma_start3A_62] : memref<10112x128xf32, #tpu.memory_space<vmem_shared>> -> memref<520x128xf32, #tpu.memory_space<vmem_shared>>
        tpu.enqueue_dma source(%dma_start3A_63 : memref<520x128xf32, #tpu.memory_space<vmem_shared>>) target(%dma_start3A_61 : memref<520x128xf32, #tpu.memory_space<hbm>>) target_semaphore(%run_scoped3A : memref<!tpu.dma_semaphore, #tpu.memory_space<semaphore_mem>>)
        %dma_wait3A = arith.constant 0 : i32
        %dma_wait3A_64 = tpu.memref_slice %arg5[%add3A_5, %mul3A_2, %dma_wait3A] : memref<4x10000x128xf32, #tpu.memory_space<hbm>> -> memref<1x520x128xf32, #tpu.memory_space<hbm>>
        %dma_wait3A_65 = tpu.memref_squeeze %dma_wait3A_64 : memref<1x520x128xf32, #tpu.memory_space<hbm>> -> memref<520x128xf32, #tpu.memory_space<hbm>>
        %dma_wait3A_66 = arith.constant 0 : i32
        %dma_wait3A_67 = tpu.memref_slice %arg6[%mul3A_2, %dma_wait3A_66] : memref<10112x128xf32, #tpu.memory_space<vmem_shared>> -> memref<520x128xf32, #tpu.memory_space<vmem_shared>>
        tpu.wait_dma2 semaphore(%run_scoped3A : memref<!tpu.dma_semaphore, #tpu.memory_space<semaphore_mem>>) src(%dma_wait3A_67 : memref<520x128xf32, #tpu.memory_space<vmem_shared>>) dst(%dma_wait3A_65 : memref<520x128xf32, #tpu.memory_space<hbm>>)
        tpu.yield
      }) : () -> ()
    } else {
    }
    %barrier3A_26 = arith.constant 0 : index
    tpu.barrier barrier_id(%barrier3A_26)
    %mul3A_27 = arith.constant 2 : i32
    %mul3A_28 = arith.muli %arg0, %mul3A_27 : i32
    %add3A_29 = arith.constant 1 : i32
    %add3A_30 = arith.addi %mul3A_28, %add3A_29 : i32
    "tpu.region"() ({
      %run_scoped3A = tpu.sem_alloc : memref<!tpu.dma_semaphore, #tpu.memory_space<semaphore_mem>>
      %dma_start3A_59 = arith.constant 0 : i32
      %dma_start3A_60 = tpu.memref_slice %arg6[%mul3A_2, %dma_start3A_59] : memref<10112x128xf32, #tpu.memory_space<vmem_shared>> -> memref<632x128xf32, #tpu.memory_space<vmem_shared>>
      tpu.enqueue_dma source(%arg4 : memref<632x128xf32, #tpu.memory_space<hbm>>) target(%dma_start3A_60 : memref<632x128xf32, #tpu.memory_space<vmem_shared>>) target_semaphore(%run_scoped3A : memref<!tpu.dma_semaphore, #tpu.memory_space<semaphore_mem>>)
      %dma_wait3A = arith.constant 0 : i32
      %dma_wait3A_61 = tpu.memref_slice %arg6[%mul3A_2, %dma_wait3A] : memref<10112x128xf32, #tpu.memory_space<vmem_shared>> -> memref<632x128xf32, #tpu.memory_space<vmem_shared>>
      tpu.wait_dma2 semaphore(%run_scoped3A : memref<!tpu.dma_semaphore, #tpu.memory_space<semaphore_mem>>) src(%arg4 : memref<632x128xf32, #tpu.memory_space<hbm>>) dst(%dma_wait3A_61 : memref<632x128xf32, #tpu.memory_space<vmem_shared>>)
      tpu.yield
    }) : () -> ()
    %barrier3A_31 = arith.constant 0 : index
    tpu.barrier barrier_id(%barrier3A_31)
    %add3A_32 = arith.constant 0 : i32
    %add3A_33 = arith.addi %mul3A_0, %add3A_32 : i32
    %mul3A_34 = arith.constant 128 : i32
    %mul3A_35 = arith.muli %add3A_33, %mul3A_34 : i32
    %dma_start3A_36 = arith.constant 0 : i32
    %dma_start3A_37 = tpu.memref_slice %arg2[%add3A_30, %mul3A_35, %dma_start3A_36] : memref<4x81920x128xf32, #tpu.memory_space<hbm>> -> memref<1x128x128xf32, #tpu.memory_space<hbm>>
    %dma_start3A_38 = tpu.memref_squeeze %dma_start3A_37 : memref<1x128x128xf32, #tpu.memory_space<hbm>> -> memref<128x128xf32, #tpu.memory_space<hbm>>
    %dma_start3A_39 = arith.constant 0 : i32
    %dma_start3A_40 = tpu.memref_slice %arg2[%add3A_30, %mul3A_35, %dma_start3A_39] : memref<4x81920x128xf32, #tpu.memory_space<hbm>> -> memref<1x128x128xf32, #tpu.memory_space<hbm>>
    %dma_start3A_41 = tpu.memref_squeeze %dma_start3A_40 : memref<1x128x128xf32, #tpu.memory_space<hbm>> -> memref<128x128xf32, #tpu.memory_space<hbm>>
    tpu.enqueue_dma source(%dma_start3A_41 : memref<128x128xf32, #tpu.memory_space<hbm>>) target(%arg8 : memref<128x128xf32, #tpu.memory_space<vmem>>) target_semaphore(%arg10 : memref<!tpu.dma_semaphore, #tpu.memory_space<semaphore_mem>>)
    %scan3A_42 = arith.constant 0 : i32
    %scan3A_43 = arith.constant 20 : i32
    %scan3A_44 = arith.addi %scan3A_42, %scan3A_43 : i32
    %scan3A_45 = arith.constant 1 : i32
    scf.for %scan3A_59 = %scan3A_42 to %scan3A_44 step %scan3A_45  : i32 {
      %mul3A_60 = arith.constant 2 : i32
      %mul3A_61 = arith.muli %scan3A_59, %mul3A_60 : i32
      %add3A_62 = arith.constant 0 : i32
      %add3A_63 = arith.addi %add3A_62, %mul3A_61 : i32
      %add3A_64 = arith.constant 1 : i32
      %add3A_65 = arith.addi %add3A_63, %add3A_64 : i32
      %add3A_66 = arith.addi %mul3A_0, %add3A_65 : i32
      %mul3A_67 = arith.constant 128 : i32
      %mul3A_68 = arith.muli %add3A_66, %mul3A_67 : i32
      %dma_start3A_69 = arith.constant 0 : i32
      %dma_start3A_70 = tpu.memref_slice %arg2[%add3A_30, %mul3A_68, %dma_start3A_69] : memref<4x81920x128xf32, #tpu.memory_space<hbm>> -> memref<1x128x128xf32, #tpu.memory_space<hbm>>
      %dma_start3A_71 = tpu.memref_squeeze %dma_start3A_70 : memref<1x128x128xf32, #tpu.memory_space<hbm>> -> memref<128x128xf32, #tpu.memory_space<hbm>>
      %dma_start3A_72 = arith.constant 0 : i32
      %dma_start3A_73 = tpu.memref_slice %arg2[%add3A_30, %mul3A_68, %dma_start3A_72] : memref<4x81920x128xf32, #tpu.memory_space<hbm>> -> memref<1x128x128xf32, #tpu.memory_space<hbm>>
      %dma_start3A_74 = tpu.memref_squeeze %dma_start3A_73 : memref<1x128x128xf32, #tpu.memory_space<hbm>> -> memref<128x128xf32, #tpu.memory_space<hbm>>
      tpu.enqueue_dma source(%dma_start3A_74 : memref<128x128xf32, #tpu.memory_space<hbm>>) target(%arg9 : memref<128x128xf32, #tpu.memory_space<vmem>>) target_semaphore(%arg11 : memref<!tpu.dma_semaphore, #tpu.memory_space<semaphore_mem>>)
      %dma_wait3A = arith.constant 0 : i32
      %dma_wait3A_75 = arith.constant 0 : i32
      %dma_wait3A_76 = arith.constant 0 : i32
      %dma_wait3A_77 = tpu.memref_slice %arg2[%dma_wait3A, %dma_wait3A_75, %dma_wait3A_76] : memref<4x81920x128xf32, #tpu.memory_space<hbm>> -> memref<1x128x128xf32, #tpu.memory_space<hbm>>
      %dma_wait3A_78 = tpu.memref_squeeze %dma_wait3A_77 : memref<1x128x128xf32, #tpu.memory_space<hbm>> -> memref<128x128xf32, #tpu.memory_space<hbm>>
      %dma_wait3A_79 = arith.constant 0 : i32
      %dma_wait3A_80 = arith.constant 0 : i32
      %dma_wait3A_81 = tpu.memref_slice %arg2[%dma_wait3A, %dma_wait3A_79, %dma_wait3A_80] : memref<4x81920x128xf32, #tpu.memory_space<hbm>> -> memref<1x128x128xf32, #tpu.memory_space<hbm>>
      %dma_wait3A_82 = tpu.memref_squeeze %dma_wait3A_81 : memref<1x128x128xf32, #tpu.memory_space<hbm>> -> memref<128x128xf32, #tpu.memory_space<hbm>>
      tpu.wait_dma2 semaphore(%arg10 : memref<!tpu.dma_semaphore, #tpu.memory_space<semaphore_mem>>) src(%dma_wait3A_82 : memref<128x128xf32, #tpu.memory_space<hbm>>) dst(%arg8 : memref<128x128xf32, #tpu.memory_space<vmem>>)
      %run_scoped3A = arith.constant 0 : i32
      "tpu.region"() ({
        %run_scoped3A_102 = tpu.sem_alloc : memref<!tpu.dma_semaphore, #tpu.memory_space<semaphore_mem>>
        %dma_start3A_103 = arith.constant 0 : i32
        %dma_start3A_104 = tpu.memref_slice %arg7[%add3A_63, %run_scoped3A, %dma_start3A_103] : memref<40x1x128xi32, #tpu.memory_space<vmem>> -> memref<1x1x128xi32, #tpu.memory_space<vmem>>
        %dma_start3A_105 = tpu.memref_squeeze %dma_start3A_104 : memref<1x1x128xi32, #tpu.memory_space<vmem>> -> memref<128xi32, #tpu.memory_space<vmem>>
        %dma_start3A_106 = arith.constant 0 : i32
        %dma_start3A_107 = arith.constant 0 : i32
        %dma_start3A_108 = tpu.memref_slice %arg6[%dma_start3A_106, %dma_start3A_107] : memref<10112x128xf32, #tpu.memory_space<vmem_shared>> -> memref<10112x128xf32, #tpu.memory_space<vmem_shared>>
        tpu.enqueue_indirect_dma source(%arg8 : memref<128x128xf32, #tpu.memory_space<vmem>>) target(%dma_start3A_108 : memref<10112x128xf32, #tpu.memory_space<vmem_shared>>) offsets(%dma_start3A_105 : memref<128xi32, #tpu.memory_space<vmem>>) semaphore(%run_scoped3A_102 : memref<!tpu.dma_semaphore, #tpu.memory_space<semaphore_mem>>) {add = true}
        %dma_wait3A_109 = arith.constant 0 : i32
        %dma_wait3A_110 = tpu.memref_slice %arg7[%add3A_63, %run_scoped3A, %dma_wait3A_109] : memref<40x1x128xi32, #tpu.memory_space<vmem>> -> memref<1x1x128xi32, #tpu.memory_space<vmem>>
        %dma_wait3A_111 = tpu.memref_squeeze %dma_wait3A_110 : memref<1x1x128xi32, #tpu.memory_space<vmem>> -> memref<128xi32, #tpu.memory_space<vmem>>
        %dma_wait3A_112 = arith.constant 0 : i32
        %dma_wait3A_113 = arith.constant 0 : i32
        %dma_wait3A_114 = tpu.memref_slice %arg6[%dma_wait3A_112, %dma_wait3A_113] : memref<10112x128xf32, #tpu.memory_space<vmem_shared>> -> memref<10112x128xf32, #tpu.memory_space<vmem_shared>>
        tpu.wait_indirect_dma semaphore(%run_scoped3A_102 : memref<!tpu.dma_semaphore, #tpu.memory_space<semaphore_mem>>) src(%arg8 : memref<128x128xf32, #tpu.memory_space<vmem>>) dst(%dma_wait3A_114 : memref<10112x128xf32, #tpu.memory_space<vmem_shared>>)
        tpu.yield
      }) : () -> ()
      %add3A_83 = arith.constant 2 : i32
      %add3A_84 = arith.addi %add3A_63, %add3A_83 : i32
      %lt3A_85 = arith.constant 40 : i32
      %lt3A_86 = arith.cmpi slt, %add3A_84, %lt3A_85 : i32
      %convert_element_type3A_87 = arith.extui %lt3A_86 : i1 to i32
      %cond3A_88 = arith.constant 0 : i32
      %cond3A_89 = arith.cmpi ne, %convert_element_type3A_87, %cond3A_88 : i32
      scf.if %cond3A_89 {
        %add3A_102 = arith.constant 2 : i32
        %add3A_103 = arith.addi %add3A_63, %add3A_102 : i32
        %add3A_104 = arith.addi %mul3A_0, %add3A_103 : i32
        %mul3A_105 = arith.constant 128 : i32
        %mul3A_106 = arith.muli %add3A_104, %mul3A_105 : i32
        %dma_start3A_107 = arith.constant 0 : i32
        %dma_start3A_108 = tpu.memref_slice %arg2[%add3A_30, %mul3A_106, %dma_start3A_107] : memref<4x81920x128xf32, #tpu.memory_space<hbm>> -> memref<1x128x128xf32, #tpu.memory_space<hbm>>
        %dma_start3A_109 = tpu.memref_squeeze %dma_start3A_108 : memref<1x128x128xf32, #tpu.memory_space<hbm>> -> memref<128x128xf32, #tpu.memory_space<hbm>>
        %dma_start3A_110 = arith.constant 0 : i32
        %dma_start3A_111 = tpu.memref_slice %arg2[%add3A_30, %mul3A_106, %dma_start3A_110] : memref<4x81920x128xf32, #tpu.memory_space<hbm>> -> memref<1x128x128xf32, #tpu.memory_space<hbm>>
        %dma_start3A_112 = tpu.memref_squeeze %dma_start3A_111 : memref<1x128x128xf32, #tpu.memory_space<hbm>> -> memref<128x128xf32, #tpu.memory_space<hbm>>
        tpu.enqueue_dma source(%dma_start3A_112 : memref<128x128xf32, #tpu.memory_space<hbm>>) target(%arg8 : memref<128x128xf32, #tpu.memory_space<vmem>>) target_semaphore(%arg10 : memref<!tpu.dma_semaphore, #tpu.memory_space<semaphore_mem>>)
      } else {
      }
      %add3A_90 = arith.constant 1 : i32
      %add3A_91 = arith.addi %add3A_63, %add3A_90 : i32
      %dma_wait3A_92 = arith.constant 0 : i32
      %dma_wait3A_93 = arith.constant 0 : i32
      %dma_wait3A_94 = arith.constant 0 : i32
      %dma_wait3A_95 = tpu.memref_slice %arg2[%dma_wait3A_92, %dma_wait3A_93, %dma_wait3A_94] : memref<4x81920x128xf32, #tpu.memory_space<hbm>> -> memref<1x128x128xf32, #tpu.memory_space<hbm>>
      %dma_wait3A_96 = tpu.memref_squeeze %dma_wait3A_95 : memref<1x128x128xf32, #tpu.memory_space<hbm>> -> memref<128x128xf32, #tpu.memory_space<hbm>>
      %dma_wait3A_97 = arith.constant 0 : i32
      %dma_wait3A_98 = arith.constant 0 : i32
      %dma_wait3A_99 = tpu.memref_slice %arg2[%dma_wait3A_92, %dma_wait3A_97, %dma_wait3A_98] : memref<4x81920x128xf32, #tpu.memory_space<hbm>> -> memref<1x128x128xf32, #tpu.memory_space<hbm>>
      %dma_wait3A_100 = tpu.memref_squeeze %dma_wait3A_99 : memref<1x128x128xf32, #tpu.memory_space<hbm>> -> memref<128x128xf32, #tpu.memory_space<hbm>>
      tpu.wait_dma2 semaphore(%arg11 : memref<!tpu.dma_semaphore, #tpu.memory_space<semaphore_mem>>) src(%dma_wait3A_100 : memref<128x128xf32, #tpu.memory_space<hbm>>) dst(%arg9 : memref<128x128xf32, #tpu.memory_space<vmem>>)
      %run_scoped3A_101 = arith.constant 0 : i32
      "tpu.region"() ({
        %run_scoped3A_102 = tpu.sem_alloc : memref<!tpu.dma_semaphore, #tpu.memory_space<semaphore_mem>>
        %dma_start3A_103 = arith.constant 0 : i32
        %dma_start3A_104 = tpu.memref_slice %arg7[%add3A_91, %run_scoped3A_101, %dma_start3A_103] : memref<40x1x128xi32, #tpu.memory_space<vmem>> -> memref<1x1x128xi32, #tpu.memory_space<vmem>>
        %dma_start3A_105 = tpu.memref_squeeze %dma_start3A_104 : memref<1x1x128xi32, #tpu.memory_space<vmem>> -> memref<128xi32, #tpu.memory_space<vmem>>
        %dma_start3A_106 = arith.constant 0 : i32
        %dma_start3A_107 = arith.constant 0 : i32
        %dma_start3A_108 = tpu.memref_slice %arg6[%dma_start3A_106, %dma_start3A_107] : memref<10112x128xf32, #tpu.memory_space<vmem_shared>> -> memref<10112x128xf32, #tpu.memory_space<vmem_shared>>
        tpu.enqueue_indirect_dma source(%arg9 : memref<128x128xf32, #tpu.memory_space<vmem>>) target(%dma_start3A_108 : memref<10112x128xf32, #tpu.memory_space<vmem_shared>>) offsets(%dma_start3A_105 : memref<128xi32, #tpu.memory_space<vmem>>) semaphore(%run_scoped3A_102 : memref<!tpu.dma_semaphore, #tpu.memory_space<semaphore_mem>>) {add = true}
        %dma_wait3A_109 = arith.constant 0 : i32
        %dma_wait3A_110 = tpu.memref_slice %arg7[%add3A_91, %run_scoped3A_101, %dma_wait3A_109] : memref<40x1x128xi32, #tpu.memory_space<vmem>> -> memref<1x1x128xi32, #tpu.memory_space<vmem>>
        %dma_wait3A_111 = tpu.memref_squeeze %dma_wait3A_110 : memref<1x1x128xi32, #tpu.memory_space<vmem>> -> memref<128xi32, #tpu.memory_space<vmem>>
        %dma_wait3A_112 = arith.constant 0 : i32
        %dma_wait3A_113 = arith.constant 0 : i32
        %dma_wait3A_114 = tpu.memref_slice %arg6[%dma_wait3A_112, %dma_wait3A_113] : memref<10112x128xf32, #tpu.memory_space<vmem_shared>> -> memref<10112x128xf32, #tpu.memory_space<vmem_shared>>
        tpu.wait_indirect_dma semaphore(%run_scoped3A_102 : memref<!tpu.dma_semaphore, #tpu.memory_space<semaphore_mem>>) src(%arg9 : memref<128x128xf32, #tpu.memory_space<vmem>>) dst(%dma_wait3A_114 : memref<10112x128xf32, #tpu.memory_space<vmem_shared>>)
        tpu.yield
      }) : () -> ()
    }
    %scan3A_46 = arith.constant 20 : i32
    %barrier3A_47 = arith.constant 0 : index
    tpu.barrier barrier_id(%barrier3A_47)
    %lt3A_48 = arith.constant 15 : i32
    %lt3A_49 = arith.cmpi slt, %arg1, %lt3A_48 : i32
    %convert_element_type3A_50 = arith.extui %lt3A_49 : i1 to i32
    %cond3A_51 = arith.constant 0 : i32
    %cond3A_52 = arith.cmpi ne, %convert_element_type3A_50, %cond3A_51 : i32
    scf.if %cond3A_52 {
      "tpu.region"() ({
        %run_scoped3A = tpu.sem_alloc : memref<!tpu.dma_semaphore, #tpu.memory_space<semaphore_mem>>
        %dma_start3A_59 = arith.constant 0 : i32
        %dma_start3A_60 = tpu.memref_slice %arg5[%add3A_30, %mul3A_2, %dma_start3A_59] : memref<4x10000x128xf32, #tpu.memory_space<hbm>> -> memref<1x632x128xf32, #tpu.memory_space<hbm>>
        %dma_start3A_61 = tpu.memref_squeeze %dma_start3A_60 : memref<1x632x128xf32, #tpu.memory_space<hbm>> -> memref<632x128xf32, #tpu.memory_space<hbm>>
        %dma_start3A_62 = arith.constant 0 : i32
        %dma_start3A_63 = tpu.memref_slice %arg6[%mul3A_2, %dma_start3A_62] : memref<10112x128xf32, #tpu.memory_space<vmem_shared>> -> memref<632x128xf32, #tpu.memory_space<vmem_shared>>
        tpu.enqueue_dma source(%dma_start3A_63 : memref<632x128xf32, #tpu.memory_space<vmem_shared>>) target(%dma_start3A_61 : memref<632x128xf32, #tpu.memory_space<hbm>>) target_semaphore(%run_scoped3A : memref<!tpu.dma_semaphore, #tpu.memory_space<semaphore_mem>>)
        %dma_wait3A = arith.constant 0 : i32
        %dma_wait3A_64 = tpu.memref_slice %arg5[%add3A_30, %mul3A_2, %dma_wait3A] : memref<4x10000x128xf32, #tpu.memory_space<hbm>> -> memref<1x632x128xf32, #tpu.memory_space<hbm>>
        %dma_wait3A_65 = tpu.memref_squeeze %dma_wait3A_64 : memref<1x632x128xf32, #tpu.memory_space<hbm>> -> memref<632x128xf32, #tpu.memory_space<hbm>>
        %dma_wait3A_66 = arith.constant 0 : i32
        %dma_wait3A_67 = tpu.memref_slice %arg6[%mul3A_2, %dma_wait3A_66] : memref<10112x128xf32, #tpu.memory_space<vmem_shared>> -> memref<632x128xf32, #tpu.memory_space<vmem_shared>>
        tpu.wait_dma2 semaphore(%run_scoped3A : memref<!tpu.dma_semaphore, #tpu.memory_space<semaphore_mem>>) src(%dma_wait3A_67 : memref<632x128xf32, #tpu.memory_space<vmem_shared>>) dst(%dma_wait3A_65 : memref<632x128xf32, #tpu.memory_space<hbm>>)
        tpu.yield
      }) : () -> ()
    } else {
    }
    %eq3A_53 = arith.constant 15 : i32
    %eq3A_54 = arith.cmpi eq, %arg1, %eq3A_53 : i32
    %convert_element_type3A_55 = arith.extui %eq3A_54 : i1 to i32
    %cond3A_56 = arith.constant 0 : i32
    %cond3A_57 = arith.cmpi ne, %convert_element_type3A_55, %cond3A_56 : i32
    scf.if %cond3A_57 {
      "tpu.region"() ({
        %run_scoped3A = tpu.sem_alloc : memref<!tpu.dma_semaphore, #tpu.memory_space<semaphore_mem>>
        %dma_start3A_59 = arith.constant 0 : i32
        %dma_start3A_60 = tpu.memref_slice %arg5[%add3A_30, %mul3A_2, %dma_start3A_59] : memref<4x10000x128xf32, #tpu.memory_space<hbm>> -> memref<1x520x128xf32, #tpu.memory_space<hbm>>
        %dma_start3A_61 = tpu.memref_squeeze %dma_start3A_60 : memref<1x520x128xf32, #tpu.memory_space<hbm>> -> memref<520x128xf32, #tpu.memory_space<hbm>>
        %dma_start3A_62 = arith.constant 0 : i32
        %dma_start3A_63 = tpu.memref_slice %arg6[%mul3A_2, %dma_start3A_62] : memref<10112x128xf32, #tpu.memory_space<vmem_shared>> -> memref<520x128xf32, #tpu.memory_space<vmem_shared>>
        tpu.enqueue_dma source(%dma_start3A_63 : memref<520x128xf32, #tpu.memory_space<vmem_shared>>) target(%dma_start3A_61 : memref<520x128xf32, #tpu.memory_space<hbm>>) target_semaphore(%run_scoped3A : memref<!tpu.dma_semaphore, #tpu.memory_space<semaphore_mem>>)
        %dma_wait3A = arith.constant 0 : i32
        %dma_wait3A_64 = tpu.memref_slice %arg5[%add3A_30, %mul3A_2, %dma_wait3A] : memref<4x10000x128xf32, #tpu.memory_space<hbm>> -> memref<1x520x128xf32, #tpu.memory_space<hbm>>
        %dma_wait3A_65 = tpu.memref_squeeze %dma_wait3A_64 : memref<1x520x128xf32, #tpu.memory_space<hbm>> -> memref<520x128xf32, #tpu.memory_space<hbm>>
        %dma_wait3A_66 = arith.constant 0 : i32
        %dma_wait3A_67 = tpu.memref_slice %arg6[%mul3A_2, %dma_wait3A_66] : memref<10112x128xf32, #tpu.memory_space<vmem_shared>> -> memref<520x128xf32, #tpu.memory_space<vmem_shared>>
        tpu.wait_dma2 semaphore(%run_scoped3A : memref<!tpu.dma_semaphore, #tpu.memory_space<semaphore_mem>>) src(%dma_wait3A_67 : memref<520x128xf32, #tpu.memory_space<vmem_shared>>) dst(%dma_wait3A_65 : memref<520x128xf32, #tpu.memory_space<hbm>>)
        tpu.yield
      }) : () -> ()
    } else {
    }
    %barrier3A_58 = arith.constant 0 : index
    tpu.barrier barrier_id(%barrier3A_58)
    return
  }
}

module attributes {stable_mosaic.version = 14 : i64} {
  func.func @body(%arg0: i32, %arg1: memref<2048x128xf32, #tpu.memory_space<vmem>>, %arg2: memref<2048x3xf32, #tpu.memory_space<vmem>>, %arg3: memref<2048x16xf32, #tpu.memory_space<vmem>>, %arg4: memref<16x64xf32, #tpu.memory_space<vmem>>, %arg5: memref<1x64xf32, #tpu.memory_space<vmem>>, %arg6: memref<64x256xf32, #tpu.memory_space<vmem>>, %arg7: memref<1x256xf32, #tpu.memory_space<vmem>>, %arg8: memref<4x2048x128xf32, #tpu.memory_space<vmem>>) attributes {dimension_semantics = [#tpu.dimension_semantics<arbitrary>], iteration_bounds = array<i64: 40>, scalar_prefetch = 0 : i64, scratch_operands = 0 : i64, tpu.core_type = #tpu.core_type<tc>, window_params = [{transform_indices = @transform_0, window_bounds = array<i64: 2048, 128>}, {transform_indices = @transform_1, window_bounds = array<i64: 2048, 3>}, {transform_indices = @transform_2, window_bounds = array<i64: 2048, 16>}, {pipeline_mode = #tpu.pipeline_mode<synchronous>, transform_indices = @transform_3, window_bounds = array<i64: 16, 64>}, {pipeline_mode = #tpu.pipeline_mode<synchronous>, transform_indices = @transform_4, window_bounds = array<i64: 1, 64>}, {pipeline_mode = #tpu.pipeline_mode<synchronous>, transform_indices = @transform_5, window_bounds = array<i64: 64, 256>}, {pipeline_mode = #tpu.pipeline_mode<synchronous>, transform_indices = @transform_6, window_bounds = array<i64: 1, 256>}, {transform_indices = @transform_7, window_bounds = array<i64: 4, 2048, 128>}]} {
    %get3A = arith.constant 0 : index
    %get3A_0 = arith.constant 0 : index
    %get3A_1 = vector.load %arg2[%get3A, %get3A_0] : memref<2048x3xf32, #tpu.memory_space<vmem>>, vector<2048x3xf32>
    %mul3A = arith.mulf %get3A_1, %get3A_1 : vector<2048x3xf32>
    %reduce_sum3A = arith.constant dense<0.000000e+00> : vector<2048xf32>
    %reduce_sum3A_2 = vector.multi_reduction <add>, %mul3A, %reduce_sum3A [1] : vector<2048x3xf32> to vector<2048xf32>
    %broadcast_in_dim3A = vector.shape_cast %reduce_sum3A_2 : vector<2048xf32> to vector<2048x1xf32>
    %sqrt3A = math.sqrt %broadcast_in_dim3A : vector<2048x1xf32>
    %add3A = arith.constant 9.99999996E-13 : f32
    %add3A_3 = vector.broadcast %add3A : f32 to vector<2048x1xf32>
    %add3A_4 = arith.addf %sqrt3A, %add3A_3 : vector<2048x1xf32>
    %div3A = vector.broadcast %add3A_4 : vector<2048x1xf32> to vector<2048x3xf32>
    %div3A_5 = arith.divf %get3A_1, %div3A : vector<2048x3xf32>
    %mul3A_6 = arith.constant 2.000000e+00 : f32
    %mul3A_7 = vector.broadcast %mul3A_6 : f32 to vector<2048x1xf32>
    %mul3A_8 = arith.mulf %sqrt3A, %mul3A_7 : vector<2048x1xf32>
    %tanh3A = math.tanh %mul3A_8 : vector<2048x1xf32>
    %mul3A_9 = arith.constant 2.000000e-01 : f32
    %mul3A_10 = vector.broadcast %mul3A_9 : f32 to vector<2048x1xf32>
    %mul3A_11 = arith.mulf %sqrt3A, %mul3A_10 : vector<2048x1xf32>
    %min3A = arith.constant 1.000000e+00 : f32
    %min3A_12 = vector.broadcast %min3A : f32 to vector<2048x1xf32>
    %min3A_13 = arith.minimumf %mul3A_11, %min3A_12 : vector<2048x1xf32>
    %mul3A_14 = arith.mulf %min3A_13, %min3A_13 : vector<2048x1xf32>
    %mul3A_15 = arith.constant 9.19260259E-4 : f32
    %mul3A_16 = vector.broadcast %mul3A_15 : f32 to vector<2048x1xf32>
    %mul3A_17 = arith.mulf %mul3A_14, %mul3A_16 : vector<2048x1xf32>
    %add3A_18 = arith.constant -0.0208634809 : f32
    %add3A_19 = vector.broadcast %add3A_18 : f32 to vector<2048x1xf32>
    %add3A_20 = arith.addf %add3A_19, %mul3A_17 : vector<2048x1xf32>
    %mul3A_21 = arith.mulf %mul3A_14, %add3A_20 : vector<2048x1xf32>
    %add3A_22 = arith.constant 0.2536695 : f32
    %add3A_23 = vector.broadcast %add3A_22 : f32 to vector<2048x1xf32>
    %add3A_24 = arith.addf %add3A_23, %mul3A_21 : vector<2048x1xf32>
    %mul3A_25 = arith.mulf %mul3A_14, %add3A_24 : vector<2048x1xf32>
    %add3A_26 = arith.constant -1.23370051 : f32
    %add3A_27 = vector.broadcast %add3A_26 : f32 to vector<2048x1xf32>
    %add3A_28 = arith.addf %add3A_27, %mul3A_25 : vector<2048x1xf32>
    %mul3A_29 = arith.mulf %mul3A_14, %add3A_28 : vector<2048x1xf32>
    %add3A_30 = arith.constant 1.000000e+00 : f32
    %add3A_31 = vector.broadcast %add3A_30 : f32 to vector<2048x1xf32>
    %add3A_32 = arith.addf %add3A_31, %mul3A_29 : vector<2048x1xf32>
    %get3A_33 = arith.constant 0 : index
    %get3A_34 = arith.constant 0 : index
    %get3A_35 = vector.load %arg3[%get3A_33, %get3A_34] : memref<2048x16xf32, #tpu.memory_space<vmem>>, vector<2048x16xf32>
    %get3A_36 = arith.constant 0 : index
    %get3A_37 = arith.constant 0 : index
    %get3A_38 = vector.load %arg4[%get3A_36, %get3A_37] : memref<16x64xf32, #tpu.memory_space<vmem>>, vector<16x64xf32>
    %dot_general3A = arith.constant dense<0.000000e+00> : vector<2048x64xf32>
    %dot_general3A_39 = tpu.matmul %get3A_35, %get3A_38, %dot_general3A {dimension_numbers = #tpu.dot_dimension_numbers<[1], [0], [0], [1], [0, 0, 1, 1], [], []>, transpose_lhs_hint = false} : vector<2048x16xf32>, vector<16x64xf32>, vector<2048x64xf32> -> vector<2048x64xf32>
    %get3A_40 = arith.constant 0 : index
    %get3A_41 = arith.constant 0 : index
    %get3A_42 = vector.load %arg5[%get3A_40, %get3A_41] : memref<1x64xf32, #tpu.memory_space<vmem>>, vector<1x64xf32>
    %add3A_43 = vector.broadcast %get3A_42 : vector<1x64xf32> to vector<2048x64xf32>
    %add3A_44 = arith.addf %dot_general3A_39, %add3A_43 : vector<2048x64xf32>
    %logistic3A = arith.negf %add3A_44 : vector<2048x64xf32>
    %logistic3A_45 = math.exp %logistic3A : vector<2048x64xf32>
    %logistic3A_46 = arith.constant 1.000000e+00 : f32
    %logistic3A_47 = vector.broadcast %logistic3A_46 : f32 to vector<2048x64xf32>
    %logistic3A_48 = arith.addf %logistic3A_47, %logistic3A_45 : vector<2048x64xf32>
    %logistic3A_49 = arith.divf %logistic3A_47, %logistic3A_48 : vector<2048x64xf32>
    %mul3A_50 = arith.mulf %add3A_44, %logistic3A_49 : vector<2048x64xf32>
    %get3A_51 = arith.constant 0 : index
    %get3A_52 = arith.constant 0 : index
    %get3A_53 = vector.load %arg6[%get3A_51, %get3A_52] : memref<64x256xf32, #tpu.memory_space<vmem>>, vector<64x256xf32>
    %dot_general3A_54 = arith.constant dense<0.000000e+00> : vector<2048x256xf32>
    %dot_general3A_55 = tpu.matmul %mul3A_50, %get3A_53, %dot_general3A_54 {dimension_numbers = #tpu.dot_dimension_numbers<[1], [0], [0], [1], [0, 0, 1, 1], [], []>, transpose_lhs_hint = false} : vector<2048x64xf32>, vector<64x256xf32>, vector<2048x256xf32> -> vector<2048x256xf32>
    %get3A_56 = arith.constant 0 : index
    %get3A_57 = arith.constant 0 : index
    %get3A_58 = vector.load %arg7[%get3A_56, %get3A_57] : memref<1x256xf32, #tpu.memory_space<vmem>>, vector<1x256xf32>
    %add3A_59 = vector.broadcast %get3A_58 : vector<1x256xf32> to vector<2048x256xf32>
    %add3A_60 = arith.addf %dot_general3A_55, %add3A_59 : vector<2048x256xf32>
    %get3A_61 = arith.constant 0 : index
    %get3A_62 = arith.constant 0 : index
    %get3A_63 = vector.load %arg1[%get3A_61, %get3A_62] : memref<2048x128xf32, #tpu.memory_space<vmem>>, vector<2048x128xf32>
    %slice3A = vector.extract_strided_slice %add3A_60 {offsets = [0, 0], sizes = [2048, 128], strides = [1, 1]} : vector<2048x256xf32> to vector<2048x128xf32>
    %mul3A_64 = arith.constant 2.500000e-01 : f32
    %mul3A_65 = vector.broadcast %mul3A_64 : f32 to vector<2048x1xf32>
    %mul3A_66 = arith.mulf %add3A_32, %mul3A_65 : vector<2048x1xf32>
    %mul3A_67 = vector.broadcast %mul3A_66 : vector<2048x1xf32> to vector<2048x128xf32>
    %mul3A_68 = arith.mulf %slice3A, %mul3A_67 : vector<2048x128xf32>
    %mul3A_69 = arith.mulf %mul3A_68, %get3A_63 : vector<2048x128xf32>
    %swap3A = arith.constant 0 : index
    %swap3A_70 = arith.constant 0 : index
    %swap3A_71 = arith.constant 0 : index
    %swap3A_72 = vector.load %arg8[%swap3A, %swap3A_70, %swap3A_71] : memref<4x2048x128xf32, #tpu.memory_space<vmem>>, vector<1x2048x128xf32>
    %swap3A_73 = vector.shape_cast %swap3A_72 : vector<1x2048x128xf32> to vector<2048x128xf32>
    %swap3A_74 = vector.shape_cast %mul3A_69 : vector<2048x128xf32> to vector<1x2048x128xf32>
    tpu.vector_store %arg8[%swap3A, %swap3A_70, %swap3A_71], %swap3A_74 {strides = array<i32>} : memref<4x2048x128xf32, #tpu.memory_space<vmem>>, vector<1x2048x128xf32>,
    %slice3A_75 = vector.extract_strided_slice %add3A_60 {offsets = [0, 128], sizes = [2048, 128], strides = [1, 1]} : vector<2048x256xf32> to vector<2048x128xf32>
    %mul3A_76 = arith.mulf %tanh3A, %add3A_32 : vector<2048x1xf32>
    %mul3A_77 = arith.constant 2.500000e-01 : f32
    %mul3A_78 = vector.broadcast %mul3A_77 : f32 to vector<2048x1xf32>
    %mul3A_79 = arith.mulf %mul3A_76, %mul3A_78 : vector<2048x1xf32>
    %mul3A_80 = vector.broadcast %mul3A_79 : vector<2048x1xf32> to vector<2048x128xf32>
    %mul3A_81 = arith.mulf %slice3A_75, %mul3A_80 : vector<2048x128xf32>
    %mul3A_82 = arith.mulf %mul3A_81, %get3A_63 : vector<2048x128xf32>
    %slice3A_83 = vector.extract_strided_slice %div3A_5 {offsets = [0, 0], sizes = [2048, 1], strides = [1, 1]} : vector<2048x3xf32> to vector<2048x1xf32>
    %mul3A_84 = vector.broadcast %slice3A_83 : vector<2048x1xf32> to vector<2048x128xf32>
    %mul3A_85 = arith.mulf %mul3A_82, %mul3A_84 : vector<2048x128xf32>
    %swap3A_86 = arith.constant 1 : index
    %swap3A_87 = arith.constant 0 : index
    %swap3A_88 = arith.constant 0 : index
    %swap3A_89 = vector.load %arg8[%swap3A_86, %swap3A_87, %swap3A_88] : memref<4x2048x128xf32, #tpu.memory_space<vmem>>, vector<1x2048x128xf32>
    %swap3A_90 = vector.shape_cast %swap3A_89 : vector<1x2048x128xf32> to vector<2048x128xf32>
    %swap3A_91 = vector.shape_cast %mul3A_85 : vector<2048x128xf32> to vector<1x2048x128xf32>
    tpu.vector_store %arg8[%swap3A_86, %swap3A_87, %swap3A_88], %swap3A_91 {strides = array<i32>} : memref<4x2048x128xf32, #tpu.memory_space<vmem>>, vector<1x2048x128xf32>,
    %slice3A_92 = vector.extract_strided_slice %div3A_5 {offsets = [0, 1], sizes = [2048, 1], strides = [1, 1]} : vector<2048x3xf32> to vector<2048x1xf32>
    %mul3A_93 = vector.broadcast %slice3A_92 : vector<2048x1xf32> to vector<2048x128xf32>
    %mul3A_94 = arith.mulf %mul3A_82, %mul3A_93 : vector<2048x128xf32>
    %swap3A_95 = arith.constant 2 : index
    %swap3A_96 = arith.constant 0 : index
    %swap3A_97 = arith.constant 0 : index
    %swap3A_98 = vector.load %arg8[%swap3A_95, %swap3A_96, %swap3A_97] : memref<4x2048x128xf32, #tpu.memory_space<vmem>>, vector<1x2048x128xf32>
    %swap3A_99 = vector.shape_cast %swap3A_98 : vector<1x2048x128xf32> to vector<2048x128xf32>
    %swap3A_100 = vector.shape_cast %mul3A_94 : vector<2048x128xf32> to vector<1x2048x128xf32>
    tpu.vector_store %arg8[%swap3A_95, %swap3A_96, %swap3A_97], %swap3A_100 {strides = array<i32>} : memref<4x2048x128xf32, #tpu.memory_space<vmem>>, vector<1x2048x128xf32>,
    %slice3A_101 = vector.extract_strided_slice %div3A_5 {offsets = [0, 2], sizes = [2048, 1], strides = [1, 1]} : vector<2048x3xf32> to vector<2048x1xf32>
    %mul3A_102 = vector.broadcast %slice3A_101 : vector<2048x1xf32> to vector<2048x128xf32>
    %mul3A_103 = arith.mulf %mul3A_82, %mul3A_102 : vector<2048x128xf32>
    %swap3A_104 = arith.constant 3 : index
    %swap3A_105 = arith.constant 0 : index
    %swap3A_106 = arith.constant 0 : index
    %swap3A_107 = vector.load %arg8[%swap3A_104, %swap3A_105, %swap3A_106] : memref<4x2048x128xf32, #tpu.memory_space<vmem>>, vector<1x2048x128xf32>
    %swap3A_108 = vector.shape_cast %swap3A_107 : vector<1x2048x128xf32> to vector<2048x128xf32>
    %swap3A_109 = vector.shape_cast %mul3A_103 : vector<2048x128xf32> to vector<1x2048x128xf32>
    tpu.vector_store %arg8[%swap3A_104, %swap3A_105, %swap3A_106], %swap3A_109 {strides = array<i32>} : memref<4x2048x128xf32, #tpu.memory_space<vmem>>, vector<1x2048x128xf32>,
    return
  }
  func.func @transform_0(%arg0: i32) -> (i32, i32) {
    %c0_i32 = arith.constant 0 : i32
    %c0_i32_0 = arith.constant 0 : i32
    return %arg0, %c0_i32 : i32, i32
  }
  func.func @transform_1(%arg0: i32) -> (i32, i32) {
    %c0_i32 = arith.constant 0 : i32
    %c0_i32_0 = arith.constant 0 : i32
    return %arg0, %c0_i32 : i32, i32
  }
  func.func @transform_2(%arg0: i32) -> (i32, i32) {
    %c0_i32 = arith.constant 0 : i32
    %c0_i32_0 = arith.constant 0 : i32
    return %arg0, %c0_i32 : i32, i32
  }
  func.func @transform_3(%arg0: i32) -> (i32, i32) {
    %c0_i32 = arith.constant 0 : i32
    %c0_i32_0 = arith.constant 0 : i32
    %c0_i32_1 = arith.constant 0 : i32
    return %c0_i32, %c0_i32_0 : i32, i32
  }
  func.func @transform_4(%arg0: i32) -> (i32, i32) {
    %c0_i32 = arith.constant 0 : i32
    %c0_i32_0 = arith.constant 0 : i32
    %c0_i32_1 = arith.constant 0 : i32
    return %c0_i32, %c0_i32_0 : i32, i32
  }
  func.func @transform_5(%arg0: i32) -> (i32, i32) {
    %c0_i32 = arith.constant 0 : i32
    %c0_i32_0 = arith.constant 0 : i32
    %c0_i32_1 = arith.constant 0 : i32
    return %c0_i32, %c0_i32_0 : i32, i32
  }
  func.func @transform_6(%arg0: i32) -> (i32, i32) {
    %c0_i32 = arith.constant 0 : i32
    %c0_i32_0 = arith.constant 0 : i32
    %c0_i32_1 = arith.constant 0 : i32
    return %c0_i32, %c0_i32_0 : i32, i32
  }
  func.func @transform_7(%arg0: i32) -> (i32, i32, i32) {
    %c0_i32 = arith.constant 0 : i32
    %c0_i32_0 = arith.constant 0 : i32
    %c0_i32_1 = arith.constant 0 : i32
    return %c0_i32, %arg0, %c0_i32_0 : i32, i32, i32
  }
}

module attributes {stable_mosaic.version = 14 : i64} {
  func.func @body(%arg0: i32, %arg1: memref<1000x128xf32, #tpu.memory_space<vmem>>, %arg2: memref<4x1000x128xf32, #tpu.memory_space<vmem>>, %arg3: memref<4x1000x128xf32, #tpu.memory_space<vmem>>, %arg4: memref<256x128xf32, #tpu.memory_space<vmem>>, %arg5: memref<128x128xf32, #tpu.memory_space<vmem>>, %arg6: memref<1000x128xf32, #tpu.memory_space<vmem>>, %arg7: memref<3x1000x128xf32, #tpu.memory_space<vmem>>) attributes {dimension_semantics = [#tpu.dimension_semantics<arbitrary>], iteration_bounds = array<i64: 10>, scalar_prefetch = 0 : i64, scratch_operands = 0 : i64, tpu.core_type = #tpu.core_type<tc>, window_params = [{transform_indices = @transform_0, window_bounds = array<i64: 1000, 128>}, {transform_indices = @transform_1, window_bounds = array<i64: 4, 1000, 128>}, {transform_indices = @transform_2, window_bounds = array<i64: 4, 1000, 128>}, {pipeline_mode = #tpu.pipeline_mode<synchronous>, transform_indices = @transform_3, window_bounds = array<i64: 256, 128>}, {pipeline_mode = #tpu.pipeline_mode<synchronous>, transform_indices = @transform_4, window_bounds = array<i64: 128, 128>}, {transform_indices = @transform_5, window_bounds = array<i64: 1000, 128>}, {transform_indices = @transform_6, window_bounds = array<i64: 3, 1000, 128>}]} {
    %get3A = arith.constant 0 : index
    %get3A_0 = arith.constant 0 : index
    %get3A_1 = vector.load %arg1[%get3A, %get3A_0] : memref<1000x128xf32, #tpu.memory_space<vmem>>, vector<1000x128xf32>
    %get3A_2 = arith.constant 0 : index
    %get3A_3 = arith.constant 0 : index
    %get3A_4 = arith.constant 0 : index
    %get3A_5 = vector.load %arg2[%get3A_2, %get3A_3, %get3A_4] : memref<4x1000x128xf32, #tpu.memory_space<vmem>>, vector<1x1000x128xf32>
    %get3A_6 = vector.shape_cast %get3A_5 : vector<1x1000x128xf32> to vector<1000x128xf32>
    %get3A_7 = arith.constant 0 : index
    %get3A_8 = arith.constant 0 : index
    %get3A_9 = arith.constant 0 : index
    %get3A_10 = vector.load %arg3[%get3A_7, %get3A_8, %get3A_9] : memref<4x1000x128xf32, #tpu.memory_space<vmem>>, vector<1x1000x128xf32>
    %get3A_11 = vector.shape_cast %get3A_10 : vector<1x1000x128xf32> to vector<1000x128xf32>
    %add3A = arith.addf %get3A_6, %get3A_11 : vector<1000x128xf32>
    %get3A_12 = arith.constant 0 : index
    %get3A_13 = arith.constant 0 : index
    %get3A_14 = vector.load %arg4[%get3A_12, %get3A_13] : memref<256x128xf32, #tpu.memory_space<vmem>>, vector<128x128xf32>
    %dot_general3A = arith.constant dense<0.000000e+00> : vector<1000x128xf32>
    %dot_general3A_15 = tpu.matmul %get3A_1, %get3A_14, %dot_general3A {dimension_numbers = #tpu.dot_dimension_numbers<[1], [0], [0], [1], [0, 0, 1, 1], [], []>, transpose_lhs_hint = false} : vector<1000x128xf32>, vector<128x128xf32>, vector<1000x128xf32> -> vector<1000x128xf32>
    %get3A_16 = arith.constant 128 : index
    %get3A_17 = arith.constant 0 : index
    %get3A_18 = vector.load %arg4[%get3A_16, %get3A_17] : memref<256x128xf32, #tpu.memory_space<vmem>>, vector<128x128xf32>
    %dot_general3A_19 = arith.constant dense<0.000000e+00> : vector<1000x128xf32>
    %dot_general3A_20 = tpu.matmul %add3A, %get3A_18, %dot_general3A_19 {dimension_numbers = #tpu.dot_dimension_numbers<[1], [0], [0], [1], [0, 0, 1, 1], [], []>, transpose_lhs_hint = false} : vector<1000x128xf32>, vector<128x128xf32>, vector<1000x128xf32> -> vector<1000x128xf32>
    %add3A_21 = arith.addf %dot_general3A_15, %dot_general3A_20 : vector<1000x128xf32>
    %tanh3A = math.tanh %add3A_21 : vector<1000x128xf32>
    %add3A_22 = arith.addf %tanh3A, %get3A_1 : vector<1000x128xf32>
    %swap3A = arith.constant 0 : index
    %swap3A_23 = arith.constant 0 : index
    %swap3A_24 = vector.load %arg6[%swap3A, %swap3A_23] : memref<1000x128xf32, #tpu.memory_space<vmem>>, vector<1000x128xf32>
    tpu.vector_store %arg6[%swap3A, %swap3A_23], %add3A_22 {strides = array<i32>} : memref<1000x128xf32, #tpu.memory_space<vmem>>, vector<1000x128xf32>,
    %get3A_25 = arith.constant 0 : index
    %get3A_26 = arith.constant 0 : index
    %get3A_27 = vector.load %arg5[%get3A_25, %get3A_26] : memref<128x128xf32, #tpu.memory_space<vmem>>, vector<128x128xf32>
    %get3A_28 = arith.constant 1 : index
    %get3A_29 = arith.constant 0 : index
    %get3A_30 = arith.constant 0 : index
    %get3A_31 = vector.load %arg2[%get3A_28, %get3A_29, %get3A_30] : memref<4x1000x128xf32, #tpu.memory_space<vmem>>, vector<1x1000x128xf32>
    %get3A_32 = vector.shape_cast %get3A_31 : vector<1x1000x128xf32> to vector<1000x128xf32>
    %get3A_33 = arith.constant 1 : index
    %get3A_34 = arith.constant 0 : index
    %get3A_35 = arith.constant 0 : index
    %get3A_36 = vector.load %arg3[%get3A_33, %get3A_34, %get3A_35] : memref<4x1000x128xf32, #tpu.memory_space<vmem>>, vector<1x1000x128xf32>
    %get3A_37 = vector.shape_cast %get3A_36 : vector<1x1000x128xf32> to vector<1000x128xf32>
    %add3A_38 = arith.addf %get3A_32, %get3A_37 : vector<1000x128xf32>
    %dot_general3A_39 = arith.constant dense<0.000000e+00> : vector<1000x128xf32>
    %dot_general3A_40 = tpu.matmul %add3A_38, %get3A_27, %dot_general3A_39 {dimension_numbers = #tpu.dot_dimension_numbers<[1], [0], [0], [1], [0, 0, 1, 1], [], []>, transpose_lhs_hint = false} : vector<1000x128xf32>, vector<128x128xf32>, vector<1000x128xf32> -> vector<1000x128xf32>
    %get3A_41 = arith.constant 2 : index
    %get3A_42 = arith.constant 0 : index
    %get3A_43 = arith.constant 0 : index
    %get3A_44 = vector.load %arg2[%get3A_41, %get3A_42, %get3A_43] : memref<4x1000x128xf32, #tpu.memory_space<vmem>>, vector<1x1000x128xf32>
    %get3A_45 = vector.shape_cast %get3A_44 : vector<1x1000x128xf32> to vector<1000x128xf32>
    %get3A_46 = arith.constant 2 : index
    %get3A_47 = arith.constant 0 : index
    %get3A_48 = arith.constant 0 : index
    %get3A_49 = vector.load %arg3[%get3A_46, %get3A_47, %get3A_48] : memref<4x1000x128xf32, #tpu.memory_space<vmem>>, vector<1x1000x128xf32>
    %get3A_50 = vector.shape_cast %get3A_49 : vector<1x1000x128xf32> to vector<1000x128xf32>
    %add3A_51 = arith.addf %get3A_45, %get3A_50 : vector<1000x128xf32>
    %dot_general3A_52 = arith.constant dense<0.000000e+00> : vector<1000x128xf32>
    %dot_general3A_53 = tpu.matmul %add3A_51, %get3A_27, %dot_general3A_52 {dimension_numbers = #tpu.dot_dimension_numbers<[1], [0], [0], [1], [0, 0, 1, 1], [], []>, transpose_lhs_hint = false} : vector<1000x128xf32>, vector<128x128xf32>, vector<1000x128xf32> -> vector<1000x128xf32>
    %get3A_54 = arith.constant 3 : index
    %get3A_55 = arith.constant 0 : index
    %get3A_56 = arith.constant 0 : index
    %get3A_57 = vector.load %arg2[%get3A_54, %get3A_55, %get3A_56] : memref<4x1000x128xf32, #tpu.memory_space<vmem>>, vector<1x1000x128xf32>
    %get3A_58 = vector.shape_cast %get3A_57 : vector<1x1000x128xf32> to vector<1000x128xf32>
    %get3A_59 = arith.constant 3 : index
    %get3A_60 = arith.constant 0 : index
    %get3A_61 = arith.constant 0 : index
    %get3A_62 = vector.load %arg3[%get3A_59, %get3A_60, %get3A_61] : memref<4x1000x128xf32, #tpu.memory_space<vmem>>, vector<1x1000x128xf32>
    %get3A_63 = vector.shape_cast %get3A_62 : vector<1x1000x128xf32> to vector<1000x128xf32>
    %add3A_64 = arith.addf %get3A_58, %get3A_63 : vector<1000x128xf32>
    %dot_general3A_65 = arith.constant dense<0.000000e+00> : vector<1000x128xf32>
    %dot_general3A_66 = tpu.matmul %add3A_64, %get3A_27, %dot_general3A_65 {dimension_numbers = #tpu.dot_dimension_numbers<[1], [0], [0], [1], [0, 0, 1, 1], [], []>, transpose_lhs_hint = false} : vector<1000x128xf32>, vector<128x128xf32>, vector<1000x128xf32> -> vector<1000x128xf32>
    %mul3A = arith.mulf %dot_general3A_40, %dot_general3A_40 : vector<1000x128xf32>
    %mul3A_67 = arith.mulf %dot_general3A_53, %dot_general3A_53 : vector<1000x128xf32>
    %add3A_68 = arith.addf %mul3A, %mul3A_67 : vector<1000x128xf32>
    %mul3A_69 = arith.mulf %dot_general3A_66, %dot_general3A_66 : vector<1000x128xf32>
    %add3A_70 = arith.addf %add3A_68, %mul3A_69 : vector<1000x128xf32>
    %sqrt3A = math.sqrt %add3A_70 : vector<1000x128xf32>
    %tanh3A_71 = math.tanh %sqrt3A : vector<1000x128xf32>
    %add3A_72 = arith.constant 9.99999996E-13 : f32
    %add3A_73 = vector.broadcast %add3A_72 : f32 to vector<1000x128xf32>
    %add3A_74 = arith.addf %sqrt3A, %add3A_73 : vector<1000x128xf32>
    %div3A = arith.divf %tanh3A_71, %add3A_74 : vector<1000x128xf32>
    %mul3A_75 = arith.mulf %dot_general3A_40, %div3A : vector<1000x128xf32>
    %swap3A_76 = arith.constant 0 : index
    %swap3A_77 = arith.constant 0 : index
    %swap3A_78 = arith.constant 0 : index
    %swap3A_79 = vector.load %arg7[%swap3A_76, %swap3A_77, %swap3A_78] : memref<3x1000x128xf32, #tpu.memory_space<vmem>>, vector<1x1000x128xf32>
    %swap3A_80 = vector.shape_cast %swap3A_79 : vector<1x1000x128xf32> to vector<1000x128xf32>
    %swap3A_81 = vector.shape_cast %mul3A_75 : vector<1000x128xf32> to vector<1x1000x128xf32>
    tpu.vector_store %arg7[%swap3A_76, %swap3A_77, %swap3A_78], %swap3A_81 {strides = array<i32>} : memref<3x1000x128xf32, #tpu.memory_space<vmem>>, vector<1x1000x128xf32>,
    %mul3A_82 = arith.mulf %dot_general3A_53, %div3A : vector<1000x128xf32>
    %swap3A_83 = arith.constant 1 : index
    %swap3A_84 = arith.constant 0 : index
    %swap3A_85 = arith.constant 0 : index
    %swap3A_86 = vector.load %arg7[%swap3A_83, %swap3A_84, %swap3A_85] : memref<3x1000x128xf32, #tpu.memory_space<vmem>>, vector<1x1000x128xf32>
    %swap3A_87 = vector.shape_cast %swap3A_86 : vector<1x1000x128xf32> to vector<1000x128xf32>
    %swap3A_88 = vector.shape_cast %mul3A_82 : vector<1000x128xf32> to vector<1x1000x128xf32>
    tpu.vector_store %arg7[%swap3A_83, %swap3A_84, %swap3A_85], %swap3A_88 {strides = array<i32>} : memref<3x1000x128xf32, #tpu.memory_space<vmem>>, vector<1x1000x128xf32>,
    %mul3A_89 = arith.mulf %dot_general3A_66, %div3A : vector<1000x128xf32>
    %swap3A_90 = arith.constant 2 : index
    %swap3A_91 = arith.constant 0 : index
    %swap3A_92 = arith.constant 0 : index
    %swap3A_93 = vector.load %arg7[%swap3A_90, %swap3A_91, %swap3A_92] : memref<3x1000x128xf32, #tpu.memory_space<vmem>>, vector<1x1000x128xf32>
    %swap3A_94 = vector.shape_cast %swap3A_93 : vector<1x1000x128xf32> to vector<1000x128xf32>
    %swap3A_95 = vector.shape_cast %mul3A_89 : vector<1000x128xf32> to vector<1x1000x128xf32>
    tpu.vector_store %arg7[%swap3A_90, %swap3A_91, %swap3A_92], %swap3A_95 {strides = array<i32>} : memref<3x1000x128xf32, #tpu.memory_space<vmem>>, vector<1x1000x128xf32>,
    return
  }
  func.func @transform_0(%arg0: i32) -> (i32, i32) {
    %c0_i32 = arith.constant 0 : i32
    %c0_i32_0 = arith.constant 0 : i32
    return %arg0, %c0_i32 : i32, i32
  }
  func.func @transform_1(%arg0: i32) -> (i32, i32, i32) {
    %c0_i32 = arith.constant 0 : i32
    %c0_i32_0 = arith.constant 0 : i32
    %c0_i32_1 = arith.constant 0 : i32
    return %c0_i32, %arg0, %c0_i32_0 : i32, i32, i32
  }
  func.func @transform_2(%arg0: i32) -> (i32, i32, i32) {
    %c0_i32 = arith.constant 0 : i32
    %c0_i32_0 = arith.constant 0 : i32
    %c0_i32_1 = arith.constant 0 : i32
    return %c0_i32, %arg0, %c0_i32_0 : i32, i32, i32
  }
  func.func @transform_3(%arg0: i32) -> (i32, i32) {
    %c0_i32 = arith.constant 0 : i32
    %c0_i32_0 = arith.constant 0 : i32
    %c0_i32_1 = arith.constant 0 : i32
    return %c0_i32, %c0_i32_0 : i32, i32
  }
  func.func @transform_4(%arg0: i32) -> (i32, i32) {
    %c0_i32 = arith.constant 0 : i32
    %c0_i32_0 = arith.constant 0 : i32
    %c0_i32_1 = arith.constant 0 : i32
    return %c0_i32, %c0_i32_0 : i32, i32
  }
  func.func @transform_5(%arg0: i32) -> (i32, i32) {
    %c0_i32 = arith.constant 0 : i32
    %c0_i32_0 = arith.constant 0 : i32
    return %arg0, %c0_i32 : i32, i32
  }
  func.func @transform_6(%arg0: i32) -> (i32, i32, i32) {
    %c0_i32 = arith.constant 0 : i32
    %c0_i32_0 = arith.constant 0 : i32
    %c0_i32_1 = arith.constant 0 : i32
    return %c0_i32, %arg0, %c0_i32_0 : i32, i32, i32
  }
}

</mosaic_0001>

<sc_bundles>
// kernel: kernel.12.cloned.1.call-start
scs
__scs_entry_jumppad:
0x0: {  	(pc) =	sbr.rel $0x88, $3  }
0x1: {  	(tag) =	ssettag $0x0;
	lr =	simm.s32 $0x1  }
0x2: {  	[smem:$0x3F97] =	sst lr;
	_ =	strace $0xD0000000  }
0x3: {  	_ = 	snop  }
0x4: {  	_ = 	snop  }
0x5: {  	_ = 	snop  }
0x6: {  	_ = 	snop  }
0x7: {  	_ = 	snop  }
__scs_overlays_trampoline_lowered:
0x8: {  	[smem:$0x3FA6] =	sst s0  }
0x9: {  	[smem:$0x3FA7] =	sst s1  }
0xa: {  	[smem:$0x3FA8] =	sst s2  }
0xb: {  	[smem:$0x3FA9] =	sst s3  }
0xc: {  	[smem:$0x3FAA] =	sst s4  }
0xd: {  	[smem:$0x3FAB] =	sst s5  }
0xe: {  	[smem:$0x3FAC] =	sst s6  }
0xf: {  	[smem:$0x3FAD] =	sst s7  }
0x10: {  	[smem:$0x3FAE] =	sst s8  }
0x11: {  	[smem:$0x3FAF] =	sst s9;
	s0 =	simm.s32 @!p0 $0x0  }
0x12: {  	s1 =	sld [smem:$0x3F95];
	s0 =	simm.s32 @p0 $0x1  }
0x13: {  	[smem:$0x3FB0] =	sst s0;
	s0 =	simm.s32 @!p1 $0x0  }
0x14: {  	s2 =	sld [smem:$0x3F94];
	s0 =	simm.s32 @p1 $0x1  }
0x15: {  	[smem:$0x3FB1] =	sst s0;
	s0 =	simm.s32 @!p2 $0x0  }
0x16: {  	s3 =	sld [smem:$0x3FDB];
	s0 =	simm.s32 @p2 $0x1  }
0x17: {  	s4 =	simm.s32 $0x1BF5;
	[smem:$0x3FB3] =	sst s0  }
0x18: {  	s0 =	sld [smem:$0x3F96];
	_ =	swait.ge [sflag:s4], $0x0  }
0x19: {  	s7 =	sld [smem:$0x3F97]  }
0x1a: {  	s8 =	sadd.s32 $0xFFFFE003, lr  }
0x1b: {  	s9 =	sadd.s32 $0xFFFFFEF7, lr;
	s5 =	simm.s32 $0xFFFFFFFF;
	p2 =	slt.u32 s8, $0xFFFFF086  }
0x1c: {  	p1 =	slt.u32 s9, $0xF7A;
	s5 =	simm.s32 @!p2 $0x0  }
0x1d: {  	s5 =	simm.s32 @p1 $0x1;
	p0 =	seq.s32 s7, s2  }
0x1e: {  	s7 =	smul.u32 @!p0 $0xF7A, s2;
	p2 =	seq.s32 @!p0 s5, $0x0  }
0x1f: {  	s9 =	smul.u32 $0xF7A, s1;
	s8 =	simm.s32 @!p0 $0x1BF5;
	p2 =	por !p2, p0  }
0x20: {  	[sflag:s8] =	ssyncset.s32 @!p0 $0xFFFFF086;
	s6 =	sadd.s32 @!p0 s3, s7;
	s7 =	simm.s32 @!p0 $0x108  }
0x21: {  	s3 =	sadd.s32 s3, s9;
	s6 =	sadd.s32 @!p0 $0x88, s6;
	s7 =	simm.s32 @p2 $0x1082  }
0x22: {  	[simem:s7], [sflag:s8] =	dma.local @!p0 [hbm:s6], $0xF7A  }
0x23: {  	s9 =	sor.u32 $0xD0000000, s2;
	s6 =	simm.s32 $0x108;
	_ =	swait.ge @!p0 [sflag:s8], $0x0  }
0x24: {  	s3 =	sadd.s32 $0x88, s3;
	s6 =	simm.s32 @!p1 $0x1082;
	[sflag:s4] =	ssyncset.s32 $0xFFFFF086  }
0x25: {  	[simem:s6], [sflag:s4] =	dma.local [hbm:s3], $0xF7A  }
0x26: {  	[smem:$0x3F97] =	sst s1;
	(tag) =	ssettag s2;
	_ =	strace s9  }
0x27: {  	s1 =	sld [smem:$0x3FA7]  }
0x28: {  	s2 =	sld [smem:$0x3FA8]  }
0x29: {  	s4 =	sld [smem:$0x3FAA]  }
0x2a: {  	p0 =	seq.s32 s5, $0x0;
	s5 =	sld [smem:$0x3FAB]  }
0x2b: {  	s6 =	sld [smem:$0x3FAC]  }
0x2c: {  	s7 =	sld [smem:$0x3FAD]  }
0x2d: {  	s3 =	simm.s32 $0x108;
	s8 =	sld [smem:$0x3FAE]  }
0x2e: {  	s3 =	simm.s32 @!p0 $0x1082;
	s9 =	sld [smem:$0x3FAF]  }
0x2f: {  	lr =	sadd.s32 s0, s3;
	s0 =	sld [smem:$0x3FA6]  }
0x30: {  	s3 =	sld [smem:$0x3FA9]  }
0x31: {  	[smem:$0x3FB2] =	sst s10  }
0x32: {  	s10 =	sld [smem:$0x3FB0];
	_ =	sdelay $0x3  }
0x33: {  	p0 =	seq.s32 s10, $0x1;
	s10 =	sld [smem:$0x3FB2];
	_ =	sdelay $0x3  }
0x34: {  	[smem:$0x3FB2] =	sst s10  }
0x35: {  	s10 =	sld [smem:$0x3FB1];
	_ =	sdelay $0x3  }
0x36: {  	p1 =	seq.s32 s10, $0x1;
	s10 =	sld [smem:$0x3FB2];
	_ =	sdelay $0x3  }
0x37: {  	[smem:$0x3FB2] =	sst s10  }
0x38: {  	s10 =	sld [smem:$0x3FB3]  }
0x39: {  	_ = 	snop;
	(pc) =	sbr.ind lr, $3  }
0x3a: {  	_ = 	snop  }
0x3b: {  	_ = 	snop  }
0x3c: {  	p2 =	seq.s32 s10, $0x1;
	s10 =	sld [smem:$0x3FB2]  }
0x3d: {  	_ =	shalt  }
0x3e: {  	_ =	shalt  }
0x3f: {  	_ =	shalt  }
0x40: {  	_ =	shalt  }
0x41: {  	_ =	shalt  }
0x42: {  	_ =	shalt  }
0x43: {  	_ =	shalt  }
0x44: {  	_ =	shalt  }
0x45: {  	_ =	shalt  }
0x46: {  	_ =	shalt  }
0x47: {  	_ =	shalt  }
0x48: {  	_ =	shalt  }
0x49: {  	_ =	shalt  }
0x4a: {  	_ =	shalt  }
0x4b: {  	_ =	shalt  }
0x4c: {  	_ =	shalt  }
0x4d: {  	_ =	shalt  }
0x4e: {  	_ =	shalt  }
0x4f: {  	_ =	shalt  }
0x50: {  	_ =	shalt  }
0x51: {  	_ =	shalt  }
0x52: {  	_ =	shalt  }
0x53: {  	_ =	shalt  }
0x54: {  	_ =	shalt  }
0x55: {  	_ =	shalt  }
0x56: {  	_ =	shalt  }
0x57: {  	_ =	shalt  }
0x58: {  	_ =	shalt  }
0x59: {  	_ =	shalt  }
0x5a: {  	_ =	shalt  }
0x5b: {  	_ =	shalt  }
0x5c: {  	_ =	shalt  }
0x5d: {  	_ =	shalt  }
0x5e: {  	_ =	shalt  }
0x5f: {  	_ =	shalt  }
0x60: {  	_ =	shalt  }
0x61: {  	_ =	shalt  }
0x62: {  	_ =	shalt  }
0x63: {  	_ =	shalt  }
0x64: {  	_ =	shalt  }
0x65: {  	_ =	shalt  }
0x66: {  	_ =	shalt  }
0x67: {  	_ =	shalt  }
0x68: {  	_ =	shalt  }
0x69: {  	_ =	shalt  }
0x6a: {  	_ =	shalt  }
0x6b: {  	_ =	shalt  }
0x6c: {  	_ =	shalt  }
0x6d: {  	_ =	shalt  }
0x6e: {  	_ =	shalt  }
0x6f: {  	_ =	shalt  }
0x70: {  	_ =	shalt  }
0x71: {  	_ =	shalt  }
0x72: {  	_ =	shalt  }
0x73: {  	_ =	shalt  }
0x74: {  	_ =	shalt  }
0x75: {  	_ =	shalt  }
0x76: {  	_ =	shalt  }
0x77: {  	_ =	shalt  }
0x78: {  	_ =	shalt  }
0x79: {  	_ =	shalt  }
0x7a: {  	_ =	shalt  }
0x7b: {  	_ =	shalt  }
0x7c: {  	_ =	shalt  }
0x7d: {  	_ =	shalt  }
0x7e: {  	_ =	shalt  }
0x7f: {  	_ =	shalt  }
0x80: {  	_ =	shalt  }
0x81: {  	_ =	shalt  }
0x82: {  	_ =	shalt  }
0x83: {  	_ =	shalt  }
0x84: {  	_ =	shalt  }
0x85: {  	_ =	shalt  }
0x86: {  	_ =	shalt  }
0x87: {  	_ =	shalt  }
.Lfunc_end0:
.L_simem_size_0:
called_computation.1_lowered:
.L_overlay_start_0:
0x88: {  	s2 =	sld [smem:$0x3FD9]  }
0x89: {  	s3 =	sld [smem:$0x3FFE];
	_ =	sdelay $0x1  }
0x8a: {  	s1 =	srdreg.scid  }
0x8b: {  	s0 =	sand.u32 $0x1, s1  }
0x8c: {  	s17 =	sshll.u32 s0, $0xA;
	s2 =	sadd.s32 s3, s2  }
0x8d: {  	s2 =	sadd.s32 s2, s17  }
0x8e: {  	[smem:$0x3FBE] =	sst s2  }
0x8f: {  	_ = 	snop  }
0x90: {  	s2 =	sld [smem:$0x3FC9];
	(tm) =	ssettm $0x1  }
0x91: {  	s18 =	sld [smem:$0x3FFB];
	_ =	sdelay $0x3  }
0x92: {  	_ =	strace s18  }
0x93: {  	s3 =	sld [smem:$0x3FFC];
	_ =	sdelay $0x3  }
0x94: {  	_ =	strace s3  }
0x95: {  	s3 =	sld [smem:$0x3FFD];
	_ =	sdelay $0x3  }
0x96: {  	_ =	strace s3  }
0x97: {  	_ =	strace $0x8FFFFFFF  }
0x98: {  	s19 =	sld [smem:$0x3FDB];
	_ =	sdelay $0x1  }
0x99: {  	s4 =	simm.s32 $_scs_section_size  }
0x9a: {  	s5 =	simm.s32 $_size__tile_overlayer_lowered;
	s6 =	simm.s32 $_tile_overlayer_lowered  }
0x9b: {  	s22 =	simm.s32 $0x1BFF;
	s21 =	sshll.u32 s6, $0x1;
	s3 =	sadd.s32 s4, s19  }
0x9c: {  	s7 =	simm.s32 $0x0;
	s20 =	sshll.u32 s5, $0x1;
	s5 =	sadd.s32 s21, s3  }
0x9d: {  	[timem:s7], [sflag:s22] =	dma.local [hbm:s5], s20  }
0x9e: {  	_ =	swait.ge [sflag:s22], s20  }
0x9f: {  	s4 =	ssub.s32 $0x0, s20;
	[sflag:s22] =	ssyncset.done $0x0  }
0xa0: {  	[sflag:s22] =	ssyncadd.s32 s4;
	_ =	sdelay $0x1  }
0xa1: {  	s23 =	simm.s32 $0x1B8B  }
0xa2: {  	_ =	swait.ge [sflag:s23], $0x1  }
0xa3: {  	[sflag:s23] =	ssyncset.done $0x0  }
0xa4: {  	s25 =	simm.s32 $0x1B8E;
	s24 =	sld [smem:$0x3FFE];
	[sflag:s23] =	ssyncadd.s32 $0xFFFFFFFF  }
0xa5: {  	s26 =	simm.s32 $execute0_lowered;
	[smem:$0x3FD2] =	sst s25  }
0xa6: {  	s5 =	sshll.u32 s26, $0x1;
	_ =	strace $0x80000046;
	[dreg:$0x1] =	wrdreg $0xFFFFFFFF  }
0xa7: {  	s28 =	simm.s32 $_size_execute0_lowered;
	s3 =	sadd.s32 s3, s5;
	[dreg:$0x0] =	wrdreg $0x0  }
0xa8: {  	s5 =	sshll.u32 s28, $0x1;
	[dreg:$0x2] =	wrdreg s3  }
0xa9: {  	[dreg:$0x3] =	wrdreg s5  }
0xaa: {  	[dreg:$0x4] =	wrdreg $0xC0  }
0xab: {  	_ =	task [dreg:s7], $0x5FFFF  }
0xac: {  	[dreg:$0x1] =	wrdreg $0xFFFFFFFF  }
0xad: {  	[dreg:$0x0] =	wrdreg $0x60  }
0xae: {  	[dreg:$0x2] =	wrdreg s2  }
0xaf: {  	[dreg:$0x3] =	wrdreg s24  }
0xb0: {  	[dreg:$0x4] =	wrdreg $0xA  }
0xb1: {  	_ =	task.clear_ibuf [dreg:s7], $0x5FFFF;
	_ =	strace $0x90000046  }
0xb2: {  	s29 =	simm.s32 $0xA;
	_ =	strace $0x80000048  }
0xb3: {  	_ =	swait.ge [sflag:s29], $0x1  }
0xb4: {  	[sflag:s29] =	ssyncadd.s32 $0xFFFFFFFF  }
0xb5: {  	_ =	strace $0x90000048  }
0xb6: {  	_ =	sfence  }
0xb7: {  	s30 =	sld [smem:$0x0];
	_ =	sdelay $0x2  }
0xb8: {  	s31 =	sshll.u32 s1, $0xD;
	s1 =	sshrl.u32 s1, $0x2  }
0xb9: {  	s3 =	sand.u32 $0x4000, s31;
	s1 =	sadd.s32 s1, s30  }
0xba: {  	s0 =	sor.u32 s3, s0;
	s1 =	sshll.u32 s1, $0x11  }
0xbb: {  	s0 =	sor.u32 s1, s0  }
0xbc: {  	s0 =	sadd.s32 $0x8F2B, s0  }
0xbd: {  	[sflag:s0] =	ssyncadd.remote.s32 $0x1  }
0xbe: {  	_ =	sfence.sel $0xFFFF  }
0xbf: {  	[dreg:$0x0] =	wrdreg $0xFFFFFFFF;
	(pc) =	sbr.abs _section_cstart, $3  }
0xc0: {  	[dreg:$0x1] =	wrdreg $0xFFFFFFFF  }
0xc1: {  	_ =	task.clear_ibuf [dreg:s7], $0x2FFFF;
	_ =	strace $0x9FFFFFFF  }
0xc2: {  	(tm) =	ssettm $0x7FFFFFFF  }
0xc3: {  	_ =	shalt  }
tec
execute0_lowered:
.L_overlay_start_1:
0x0: {  	(tag) =	ssettag $0x1  }
0x1: {  	s1 =	srdreg.scid;
	s0 =	stileid.u32  }
0x2: {  	s29 =	sand.u32 $0x1, s1;
	s31 =	sshll.u32 s0, $0x1  }
0x3: {  	s2 =	rddreg [dreg:$0x0];
	s8 =	sor.u32 s29, s31  }
0x4: {  	s10 =	rddreg [dreg:$0x1];
	s4 =	smul.u32 $0x140, s8  }
0x5: {  	s3 =	simm.s32 $0x0;
	s1 =	rddreg [dreg:$0x2]  }
0x6: {  	[smem:$0x7FF] =	sst s3;
	s4 =	sadd.s32 s4, s10  }
0x7: {  	_ =	strace $0x80000047;
	s5 =	sadd.s32 $0x3400, s4;
	s4 =	simm.s32 $0x3  }
0x8: {  	[tilespmem:s3], [sflag:$0x3] =	stream.linear.gather [hbm4b:s5+s3], $0xA00, $0x38;
	[tilespmem:$0x10A00] =	vst v63  }
0x9: {  	_ =	swait.ge [sflag:s4], $0xA00  }
0xa: {  	[sflag:s4] =	ssyncset.done $0x0  }
0xb: {  	s6 =	simm.s32 $0x100;
	s7 =	simm.s32 $0xA00;
	[sflag:s4] =	ssyncadd.s32 $0xFFFFF600  }
0xc: {  	[tilespmem:s7], [sflag:$0x1] =	stream.indirect.gather [hbm4b:s2+s6], $0x80, s3, s6, $0xb8;
	[tilespmem:$0x10A00] =	vst v63  }
0xd: {  	s9 =	simm.s32 $0x1;
	s11 =	smul.u32 $0x50000, s8;
	s8 =	simm.s32 $0x8A00  }
0xe: {  	[tilespmem:s8], [sflag:$0x2] =	stream.indirect.gather [hbm4b:s2+s6], $0x80, s6, s6, $0xb8;
	[tilespmem:$0x10A00] =	vst v63  }
0xf: {  	s11 =	sshrl.u32 s11, $0x3;
	_ =	swait.ge [sflag:s9], $0x8000  }
0x10: {  	s30 =	sadd.s32 s11, s10;
	[sflag:s9] =	ssyncset.done $0x0  }
0x11: {  	s10 =	sadd.s32 $0x5C00, s30;
	[sflag:s9] =	ssyncadd.s32 $0xFFFF8000  }
0x12: {  	[hbm4b:s10+s3] =	stream.linear.scatter [tilespmem:s7], [sflag:$0x3], $0x8000, $0x38;
	[tilespmem:$0x10A00] =	vst v63  }
0x13: {  	_ =	swait.ge [sflag:s4], $0x8000  }
0x14: {  	[sflag:s4] =	ssyncset.done $0x0  }
0x15: {  	s12 =	simm.s32 $0x2;
	s11 =	simm.s32 $0x200;
	[sflag:s4] =	ssyncadd.s32 $0xFFFF8000  }
0x16: {  	[tilespmem:s7], [sflag:$0x1] =	stream.indirect.gather [hbm4b:s2+s6], $0x80, s11, s6, $0xb8;
	[tilespmem:$0x10A00] =	vst v63  }
0x17: {  	_ =	swait.ge [sflag:s12], $0x8000  }
0x18: {  	[sflag:s12] =	ssyncset.done $0x0  }
0x19: {  	s13 =	sadd.s32 $0x6C00, s30;
	[sflag:s12] =	ssyncadd.s32 $0xFFFF8000  }
0x1a: {  	[hbm4b:s13+s3] =	stream.linear.scatter [tilespmem:s8], [sflag:$0x3], $0x8000, $0x38;
	[tilespmem:$0x10A00] =	vst v63  }
0x1b: {  	_ =	swait.ge [sflag:s4], $0x8000  }
0x1c: {  	[sflag:s4] =	ssyncset.done $0x0  }
0x1d: {  	s14 =	simm.s32 $0x300;
	[sflag:s4] =	ssyncadd.s32 $0xFFFF8000  }
0x1e: {  	[tilespmem:s8], [sflag:$0x2] =	stream.indirect.gather [hbm4b:s2+s6], $0x80, s14, s6, $0xb8;
	[tilespmem:$0x10A00] =	vst v63  }
0x1f: {  	_ =	swait.ge [sflag:s9], $0x8000  }
0x20: {  	[sflag:s9] =	ssyncset.done $0x0  }
0x21: {  	s15 =	sadd.s32 $0x7C00, s30;
	[sflag:s9] =	ssyncadd.s32 $0xFFFF8000  }
0x22: {  	[hbm4b:s15+s3] =	stream.linear.scatter [tilespmem:s7], [sflag:$0x3], $0x8000, $0x38;
	[tilespmem:$0x10A00] =	vst v63  }
0x23: {  	_ =	swait.ge [sflag:s4], $0x8000  }
0x24: {  	[sflag:s4] =	ssyncset.done $0x0  }
0x25: {  	s16 =	simm.s32 $0x400;
	[sflag:s4] =	ssyncadd.s32 $0xFFFF8000  }
0x26: {  	[tilespmem:s7], [sflag:$0x1] =	stream.indirect.gather [hbm4b:s2+s6], $0x80, s16, s6, $0xb8;
	[tilespmem:$0x10A00] =	vst v63  }
0x27: {  	_ =	swait.ge [sflag:s12], $0x8000  }
0x28: {  	[sflag:s12] =	ssyncset.done $0x0  }
0x29: {  	s17 =	sadd.s32 $0x8C00, s30;
	[sflag:s12] =	ssyncadd.s32 $0xFFFF8000  }
0x2a: {  	[hbm4b:s17+s3] =	stream.linear.scatter [tilespmem:s8], [sflag:$0x3], $0x8000, $0x38;
	[tilespmem:$0x10A00] =	vst v63  }
0x2b: {  	_ =	swait.ge [sflag:s4], $0x8000  }
0x2c: {  	[sflag:s4] =	ssyncset.done $0x0  }
0x2d: {  	s18 =	simm.s32 $0x500;
	[sflag:s4] =	ssyncadd.s32 $0xFFFF8000  }
0x2e: {  	[tilespmem:s8], [sflag:$0x2] =	stream.indirect.gather [hbm4b:s2+s6], $0x80, s18, s6, $0xb8;
	[tilespmem:$0x10A00] =	vst v63  }
0x2f: {  	_ =	swait.ge [sflag:s9], $0x8000  }
0x30: {  	[sflag:s9] =	ssyncset.done $0x0  }
0x31: {  	s19 =	sadd.s32 $0x9C00, s30;
	[sflag:s9] =	ssyncadd.s32 $0xFFFF8000  }
0x32: {  	[hbm4b:s19+s3] =	stream.linear.scatter [tilespmem:s7], [sflag:$0x3], $0x8000, $0x38;
	[tilespmem:$0x10A00] =	vst v63  }
0x33: {  	_ =	swait.ge [sflag:s4], $0x8000  }
0x34: {  	[sflag:s4] =	ssyncset.done $0x0  }
0x35: {  	s20 =	simm.s32 $0x600;
	[sflag:s4] =	ssyncadd.s32 $0xFFFF8000  }
0x36: {  	[tilespmem:s7], [sflag:$0x1] =	stream.indirect.gather [hbm4b:s2+s6], $0x80, s20, s6, $0xb8;
	[tilespmem:$0x10A00] =	vst v63  }
0x37: {  	_ =	swait.ge [sflag:s12], $0x8000  }
0x38: {  	[sflag:s12] =	ssyncset.done $0x0  }
0x39: {  	s21 =	sadd.s32 $0xAC00, s30;
	[sflag:s12] =	ssyncadd.s32 $0xFFFF8000  }
0x3a: {  	[hbm4b:s21+s3] =	stream.linear.scatter [tilespmem:s8], [sflag:$0x3], $0x8000, $0x38;
	[tilespmem:$0x10A00] =	vst v63  }
0x3b: {  	_ =	swait.ge [sflag:s4], $0x8000  }
0x3c: {  	[sflag:s4] =	ssyncset.done $0x0  }
0x3d: {  	s22 =	simm.s32 $0x700;
	[sflag:s4] =	ssyncadd.s32 $0xFFFF8000  }
0x3e: {  	[tilespmem:s8], [sflag:$0x2] =	stream.indirect.gather [hbm4b:s2+s6], $0x80, s22, s6, $0xb8;
	[tilespmem:$0x10A00] =	vst v63  }
0x3f: {  	_ =	swait.ge [sflag:s9], $0x8000  }
0x40: {  	[sflag:s9] =	ssyncset.done $0x0  }
0x41: {  	s23 =	sadd.s32 $0xBC00, s30;
	[sflag:s9] =	ssyncadd.s32 $0xFFFF8000  }
0x42: {  	[hbm4b:s23+s3] =	stream.linear.scatter [tilespmem:s7], [sflag:$0x3], $0x8000, $0x38;
	[tilespmem:$0x10A00] =	vst v63  }
0x43: {  	_ =	swait.ge [sflag:s4], $0x8000  }
0x44: {  	[sflag:s4] =	ssyncset.done $0x0  }
0x45: {  	s24 =	simm.s32 $0x800;
	[sflag:s4] =	ssyncadd.s32 $0xFFFF8000  }
0x46: {  	[tilespmem:s7], [sflag:$0x1] =	stream.indirect.gather [hbm4b:s2+s6], $0x80, s24, s6, $0xb8;
	[tilespmem:$0x10A00] =	vst v63  }
0x47: {  	_ =	swait.ge [sflag:s12], $0x8000  }
0x48: {  	[sflag:s12] =	ssyncset.done $0x0  }
0x49: {  	s25 =	sadd.s32 $0xCC00, s30;
	[sflag:s12] =	ssyncadd.s32 $0xFFFF8000  }
0x4a: {  	[hbm4b:s25+s3] =	stream.linear.scatter [tilespmem:s8], [sflag:$0x3], $0x8000, $0x38;
	[tilespmem:$0x10A00] =	vst v63  }
0x4b: {  	_ =	swait.ge [sflag:s4], $0x8000  }
0x4c: {  	[sflag:s4] =	ssyncset.done $0x0  }
0x4d: {  	s26 =	simm.s32 $0x900;
	[sflag:s4] =	ssyncadd.s32 $0xFFFF8000  }
0x4e: {  	[tilespmem:s8], [sflag:$0x2] =	stream.indirect.gather [hbm4b:s2+s6], $0x80, s26, s6, $0xb8;
	[tilespmem:$0x10A00] =	vst v63  }
0x4f: {  	_ =	swait.ge [sflag:s9], $0x8000  }
0x50: {  	[sflag:s9] =	ssyncset.done $0x0  }
0x51: {  	s29 =	ssub.s32 $0x2, s29;
	s28 =	sadd.s32 $0xDC00, s30;
	[sflag:s9] =	ssyncadd.s32 $0xFFFF8000  }
0x52: {  	[hbm4b:s28+s3] =	stream.linear.scatter [tilespmem:s7], [sflag:$0x3], $0x8000, $0x38;
	[tilespmem:$0x10A00] =	vst v63  }
0x53: {  	s31 =	sshrl.u32 s29, $0x1;
	_ =	swait.ge [sflag:s4], $0x8000  }
0x54: {  	s29 =	ssub.s32 s29, s31;
	[sflag:s4] =	ssyncset.done $0x0  }
0x55: {  	s31 =	smax.u32 s29, $0x1;
	[sflag:s4] =	ssyncadd.s32 $0xFFFF8000  }
0x56: {  	p0 =	sne.s32 s31, $0x1;
	_ =	swait.ge [sflag:s12], $0x8000  }
.Ltmp0:
0x57: {  	[sflag:s12] =	ssyncset.done $0x0;
	(pc) =	sbr.rel @!p0 .LBB2_2-.Ltmp0, $4  }
0x58: {  	s29 =	sadd.s32 $0xEC00, s30;
	[sflag:s12] =	ssyncadd.s32 $0xFFFF8000  }
0x59: {  	[hbm4b:s29+s3] =	stream.linear.scatter [tilespmem:s8], [sflag:$0x3], $0x8000, $0x38;
	[tilespmem:$0x10A00] =	vst v63  }
0x5a: {  	_ =	swait.ge [sflag:s4], $0x8000  }
0x5b: {  	s30 =	sadd.s32 $0xFFFFFFFF, s31;
	[sflag:s4] =	ssyncset.done $0x0  }
.LBB2_1:
0x5c: {  	p0 =	sne.s32 s30, $0x1;
	s30 =	sadd.s32 $0xFFFFFFFF, s30;
	[sflag:s4] =	ssyncadd.s32 $0xFFFF8000  }
0x5d: {  	[tilespmem:s3], [sflag:$0x3] =	stream.linear.gather [hbm4b:s5+s3], $0xA00, $0x38;
	[tilespmem:$0x10A00] =	vst v63  }
0x5e: {  	_ =	swait.ge [sflag:s4], $0xA00  }
0x5f: {  	[sflag:s4] =	ssyncset.done $0x0  }
0x60: {  	[sflag:s4] =	ssyncadd.s32 $0xFFFFF600  }
0x61: {  	[tilespmem:s7], [sflag:$0x1] =	stream.indirect.gather [hbm4b:s2+s6], $0x80, s3, s6, $0xb8;
	[tilespmem:$0x10A00] =	vst v63  }
0x62: {  	_ = 	snop  }
0x63: {  	[tilespmem:s8], [sflag:$0x2] =	stream.indirect.gather [hbm4b:s2+s6], $0x80, s6, s6, $0xb8;
	[tilespmem:$0x10A00] =	vst v63  }
0x64: {  	_ =	swait.ge [sflag:s9], $0x8000  }
0x65: {  	[sflag:s9] =	ssyncset.done $0x0  }
0x66: {  	[sflag:s9] =	ssyncadd.s32 $0xFFFF8000  }
0x67: {  	[hbm4b:s10+s3] =	stream.linear.scatter [tilespmem:s7], [sflag:$0x3], $0x8000, $0x38;
	[tilespmem:$0x10A00] =	vst v63  }
0x68: {  	_ =	swait.ge [sflag:s4], $0x8000  }
0x69: {  	[sflag:s4] =	ssyncset.done $0x0  }
0x6a: {  	[sflag:s4] =	ssyncadd.s32 $0xFFFF8000  }
0x6b: {  	[tilespmem:s7], [sflag:$0x1] =	stream.indirect.gather [hbm4b:s2+s6], $0x80, s11, s6, $0xb8;
	[tilespmem:$0x10A00] =	vst v63  }
0x6c: {  	_ =	swait.ge [sflag:s12], $0x8000  }
0x6d: {  	[sflag:s12] =	ssyncset.done $0x0  }
0x6e: {  	[sflag:s12] =	ssyncadd.s32 $0xFFFF8000  }
0x6f: {  	[hbm4b:s13+s3] =	stream.linear.scatter [tilespmem:s8], [sflag:$0x3], $0x8000, $0x38;
	[tilespmem:$0x10A00] =	vst v63  }
0x70: {  	_ =	swait.ge [sflag:s4], $0x8000  }
0x71: {  	[sflag:s4] =	ssyncset.done $0x0  }
0x72: {  	[sflag:s4] =	ssyncadd.s32 $0xFFFF8000  }
0x73: {  	[tilespmem:s8], [sflag:$0x2] =	stream.indirect.gather [hbm4b:s2+s6], $0x80, s14, s6, $0xb8;
	[tilespmem:$0x10A00] =	vst v63  }
0x74: {  	_ =	swait.ge [sflag:s9], $0x8000  }
0x75: {  	[sflag:s9] =	ssyncset.done $0x0  }
0x76: {  	[sflag:s9] =	ssyncadd.s32 $0xFFFF8000  }
0x77: {  	[hbm4b:s15+s3] =	stream.linear.scatter [tilespmem:s7], [sflag:$0x3], $0x8000, $0x38;
	[tilespmem:$0x10A00] =	vst v63  }
0x78: {  	_ =	swait.ge [sflag:s4], $0x8000  }
0x79: {  	[sflag:s4] =	ssyncset.done $0x0  }
0x7a: {  	[sflag:s4] =	ssyncadd.s32 $0xFFFF8000  }
0x7b: {  	[tilespmem:s7], [sflag:$0x1] =	stream.indirect.gather [hbm4b:s2+s6], $0x80, s16, s6, $0xb8;
	[tilespmem:$0x10A00] =	vst v63  }
0x7c: {  	_ =	swait.ge [sflag:s12], $0x8000  }
0x7d: {  	[sflag:s12] =	ssyncset.done $0x0  }
0x7e: {  	[sflag:s12] =	ssyncadd.s32 $0xFFFF8000  }
0x7f: {  	[hbm4b:s17+s3] =	stream.linear.scatter [tilespmem:s8], [sflag:$0x3], $0x8000, $0x38;
	[tilespmem:$0x10A00] =	vst v63  }
0x80: {  	_ =	swait.ge [sflag:s4], $0x8000  }
0x81: {  	[sflag:s4] =	ssyncset.done $0x0  }
0x82: {  	[sflag:s4] =	ssyncadd.s32 $0xFFFF8000  }
0x83: {  	[tilespmem:s8], [sflag:$0x2] =	stream.indirect.gather [hbm4b:s2+s6], $0x80, s18, s6, $0xb8;
	[tilespmem:$0x10A00] =	vst v63  }
0x84: {  	_ =	swait.ge [sflag:s9], $0x8000  }
0x85: {  	[sflag:s9] =	ssyncset.done $0x0  }
0x86: {  	[sflag:s9] =	ssyncadd.s32 $0xFFFF8000  }
0x87: {  	[hbm4b:s19+s3] =	stream.linear.scatter [tilespmem:s7], [sflag:$0x3], $0x8000, $0x38;
	[tilespmem:$0x10A00] =	vst v63  }
0x88: {  	_ =	swait.ge [sflag:s4], $0x8000  }
0x89: {  	[sflag:s4] =	ssyncset.done $0x0  }
0x8a: {  	[sflag:s4] =	ssyncadd.s32 $0xFFFF8000  }
0x8b: {  	[tilespmem:s7], [sflag:$0x1] =	stream.indirect.gather [hbm4b:s2+s6], $0x80, s20, s6, $0xb8;
	[tilespmem:$0x10A00] =	vst v63  }
0x8c: {  	_ =	swait.ge [sflag:s12], $0x8000  }
0x8d: {  	[sflag:s12] =	ssyncset.done $0x0  }
0x8e: {  	[sflag:s12] =	ssyncadd.s32 $0xFFFF8000  }
0x8f: {  	[hbm4b:s21+s3] =	stream.linear.scatter [tilespmem:s8], [sflag:$0x3], $0x8000, $0x38;
	[tilespmem:$0x10A00] =	vst v63  }
0x90: {  	_ =	swait.ge [sflag:s4], $0x8000  }
0x91: {  	[sflag:s4] =	ssyncset.done $0x0  }
0x92: {  	[sflag:s4] =	ssyncadd.s32 $0xFFFF8000  }
0x93: {  	[tilespmem:s8], [sflag:$0x2] =	stream.indirect.gather [hbm4b:s2+s6], $0x80, s22, s6, $0xb8;
	[tilespmem:$0x10A00] =	vst v63  }
0x94: {  	_ =	swait.ge [sflag:s9], $0x8000  }
0x95: {  	[sflag:s9] =	ssyncset.done $0x0  }
0x96: {  	[sflag:s9] =	ssyncadd.s32 $0xFFFF8000  }
0x97: {  	[hbm4b:s23+s3] =	stream.linear.scatter [tilespmem:s7], [sflag:$0x3], $0x8000, $0x38;
	[tilespmem:$0x10A00] =	vst v63  }
0x98: {  	_ =	swait.ge [sflag:s4], $0x8000  }
0x99: {  	[sflag:s4] =	ssyncset.done $0x0  }
0x9a: {  	[sflag:s4] =	ssyncadd.s32 $0xFFFF8000  }
0x9b: {  	[tilespmem:s7], [sflag:$0x1] =	stream.indirect.gather [hbm4b:s2+s6], $0x80, s24, s6, $0xb8;
	[tilespmem:$0x10A00] =	vst v63  }
0x9c: {  	_ =	swait.ge [sflag:s12], $0x8000  }
0x9d: {  	[sflag:s12] =	ssyncset.done $0x0  }
0x9e: {  	[sflag:s12] =	ssyncadd.s32 $0xFFFF8000  }
0x9f: {  	[hbm4b:s25+s3] =	stream.linear.scatter [tilespmem:s8], [sflag:$0x3], $0x8000, $0x38;
	[tilespmem:$0x10A00] =	vst v63  }
0xa0: {  	_ =	swait.ge [sflag:s4], $0x8000  }
0xa1: {  	[sflag:s4] =	ssyncset.done $0x0  }
0xa2: {  	[sflag:s4] =	ssyncadd.s32 $0xFFFF8000  }
0xa3: {  	[tilespmem:s8], [sflag:$0x2] =	stream.indirect.gather [hbm4b:s2+s6], $0x80, s26, s6, $0xb8;
	[tilespmem:$0x10A00] =	vst v63  }
0xa4: {  	_ =	swait.ge [sflag:s9], $0x8000  }
0xa5: {  	[sflag:s9] =	ssyncset.done $0x0  }
0xa6: {  	[sflag:s9] =	ssyncadd.s32 $0xFFFF8000  }
0xa7: {  	[hbm4b:s28+s3] =	stream.linear.scatter [tilespmem:s7], [sflag:$0x3], $0x8000, $0x38;
	[tilespmem:$0x10A00] =	vst v63  }
0xa8: {  	_ =	swait.ge [sflag:s4], $0x8000  }
0xa9: {  	[sflag:s4] =	ssyncset.done $0x0  }
0xaa: {  	[sflag:s4] =	ssyncadd.s32 $0xFFFF8000  }
0xab: {  	_ =	swait.ge [sflag:s12], $0x8000  }
.Ltmp1:
0xac: {  	[sflag:s12] =	ssyncset.done $0x0;
	(pc) =	sbr.rel @p0 .LBB2_1-.Ltmp1, $4  }
0xad: {  	[sflag:s12] =	ssyncadd.s32 $0xFFFF8000  }
0xae: {  	[hbm4b:s29+s3] =	stream.linear.scatter [tilespmem:s8], [sflag:$0x3], $0x8000, $0x38;
	[tilespmem:$0x10A00] =	vst v63  }
0xaf: {  	_ =	swait.ge [sflag:s4], $0x8000  }
0xb0: {  	[sflag:s4] =	ssyncset.done $0x0  }
.LBB2_2:
0xb1: {  	[sflag:s4] =	ssyncadd.s32 $0xFFFF8000  }
0xb2: {  	_ =	sfence.sel $0x180000  }
0xb3: {  	[bflag:$0x0] =	sbarrier.arrive $0xFFFF  }
0xb4: {  	p0 =	sne.s32 s0, $0x0;
	_ =	strace $0x90000047  }
0xb5: {  	s0 =	sadd.s32 @!p0 $0x100000, s1;
	[bflag:$0x2] =	sbarrier.arrive $0xFFFF  }
0xb6: {  	[sflag:s0] =	ssyncadd.tile.s32 @!p0 $0x1;
	_ =	shalt  }
.Lfunc_end2:
_tile_overlayer_lowered:
.L_overlay_start_2:
0xb7: {  	(tag) =	ssettag $0x2  }
0xb8: {  	s0 =	rddreg [dreg:$0x0];
	s2 =	stileid.u32  }
0xb9: {  	s1 =	rddreg [dreg:$0x1];
	p0 =	sne.s32 s2, $0x0  }
0xba: {  	s3 =	rddreg [dreg:$0x2];
	[bflag:$0x3] =	sbarrier.arrive $0xFFFF;
	s2 =	simm.s32 @!p0 $0x1C03  }
0xbb: {  	[timem:s3], [sflag:s2] =	dma.local @!p0 [hbm:s0], s1  }
0xbc: {  	s0 =	simm.s32 @!p0 $0x3  }
0xbd: {  	_ =	swait.ge @!p0 [sflag:s0], s1  }
0xbe: {  	s1 =	ssub.s32 @!p0 $0x0, s1;
	[sflag:s0] =	ssyncset.done @!p0 $0x0  }
0xbf: {  	[sflag:s0] =	ssyncadd.s32 @!p0 s1  }
0xc0: {  	[bflag:$0x3] =	sbarrier.arrive $0xFFFF  }
0xc1: {  	_ =	shalt  }

// kernel: kernel.15.cloned.1.call-start
scs
__scs_entry_jumppad:
0x0: {  	(pc) =	sbr.rel $0x88, $3  }
0x1: {  	(tag) =	ssettag $0x0;
	lr =	simm.s32 $0x1  }
0x2: {  	[smem:$0x3F97] =	sst lr;
	_ =	strace $0xD0000000  }
0x3: {  	_ = 	snop  }
0x4: {  	_ = 	snop  }
0x5: {  	_ = 	snop  }
0x6: {  	_ = 	snop  }
0x7: {  	_ = 	snop  }
__scs_overlays_trampoline_lowered:
0x8: {  	[smem:$0x3FA6] =	sst s0  }
0x9: {  	[smem:$0x3FA7] =	sst s1  }
0xa: {  	[smem:$0x3FA8] =	sst s2  }
0xb: {  	[smem:$0x3FA9] =	sst s3  }
0xc: {  	[smem:$0x3FAA] =	sst s4  }
0xd: {  	[smem:$0x3FAB] =	sst s5  }
0xe: {  	[smem:$0x3FAC] =	sst s6  }
0xf: {  	[smem:$0x3FAD] =	sst s7  }
0x10: {  	[smem:$0x3FAE] =	sst s8  }
0x11: {  	[smem:$0x3FAF] =	sst s9;
	s0 =	simm.s32 @!p0 $0x0  }
0x12: {  	s1 =	sld [smem:$0x3F95];
	s0 =	simm.s32 @p0 $0x1  }
0x13: {  	[smem:$0x3FB0] =	sst s0;
	s0 =	simm.s32 @!p1 $0x0  }
0x14: {  	s2 =	sld [smem:$0x3F94];
	s0 =	simm.s32 @p1 $0x1  }
0x15: {  	[smem:$0x3FB1] =	sst s0;
	s0 =	simm.s32 @!p2 $0x0  }
0x16: {  	s3 =	sld [smem:$0x3FDB];
	s0 =	simm.s32 @p2 $0x1  }
0x17: {  	s4 =	simm.s32 $0x1BF5;
	[smem:$0x3FB3] =	sst s0  }
0x18: {  	s0 =	sld [smem:$0x3F96];
	_ =	swait.ge [sflag:s4], $0x0  }
0x19: {  	s7 =	sld [smem:$0x3F97]  }
0x1a: {  	s8 =	sadd.s32 $0xFFFFE003, lr  }
0x1b: {  	s9 =	sadd.s32 $0xFFFFFEF7, lr;
	s5 =	simm.s32 $0xFFFFFFFF;
	p2 =	slt.u32 s8, $0xFFFFF086  }
0x1c: {  	p1 =	slt.u32 s9, $0xF7A;
	s5 =	simm.s32 @!p2 $0x0  }
0x1d: {  	s5 =	simm.s32 @p1 $0x1;
	p0 =	seq.s32 s7, s2  }
0x1e: {  	s7 =	smul.u32 @!p0 $0xF7A, s2;
	p2 =	seq.s32 @!p0 s5, $0x0  }
0x1f: {  	s9 =	smul.u32 $0xF7A, s1;
	s8 =	simm.s32 @!p0 $0x1BF5;
	p2 =	por !p2, p0  }
0x20: {  	[sflag:s8] =	ssyncset.s32 @!p0 $0xFFFFF086;
	s6 =	sadd.s32 @!p0 s3, s7;
	s7 =	simm.s32 @!p0 $0x108  }
0x21: {  	s3 =	sadd.s32 s3, s9;
	s6 =	sadd.s32 @!p0 $0x88, s6;
	s7 =	simm.s32 @p2 $0x1082  }
0x22: {  	[simem:s7], [sflag:s8] =	dma.local @!p0 [hbm:s6], $0xF7A  }
0x23: {  	s9 =	sor.u32 $0xD0000000, s2;
	s6 =	simm.s32 $0x108;
	_ =	swait.ge @!p0 [sflag:s8], $0x0  }
0x24: {  	s3 =	sadd.s32 $0x88, s3;
	s6 =	simm.s32 @!p1 $0x1082;
	[sflag:s4] =	ssyncset.s32 $0xFFFFF086  }
0x25: {  	[simem:s6], [sflag:s4] =	dma.local [hbm:s3], $0xF7A  }
0x26: {  	[smem:$0x3F97] =	sst s1;
	(tag) =	ssettag s2;
	_ =	strace s9  }
0x27: {  	s1 =	sld [smem:$0x3FA7]  }
0x28: {  	s2 =	sld [smem:$0x3FA8]  }
0x29: {  	s4 =	sld [smem:$0x3FAA]  }
0x2a: {  	p0 =	seq.s32 s5, $0x0;
	s5 =	sld [smem:$0x3FAB]  }
0x2b: {  	s6 =	sld [smem:$0x3FAC]  }
0x2c: {  	s7 =	sld [smem:$0x3FAD]  }
0x2d: {  	s3 =	simm.s32 $0x108;
	s8 =	sld [smem:$0x3FAE]  }
0x2e: {  	s3 =	simm.s32 @!p0 $0x1082;
	s9 =	sld [smem:$0x3FAF]  }
0x2f: {  	lr =	sadd.s32 s0, s3;
	s0 =	sld [smem:$0x3FA6]  }
0x30: {  	s3 =	sld [smem:$0x3FA9]  }
0x31: {  	[smem:$0x3FB2] =	sst s10  }
0x32: {  	s10 =	sld [smem:$0x3FB0];
	_ =	sdelay $0x3  }
0x33: {  	p0 =	seq.s32 s10, $0x1;
	s10 =	sld [smem:$0x3FB2];
	_ =	sdelay $0x3  }
0x34: {  	[smem:$0x3FB2] =	sst s10  }
0x35: {  	s10 =	sld [smem:$0x3FB1];
	_ =	sdelay $0x3  }
0x36: {  	p1 =	seq.s32 s10, $0x1;
	s10 =	sld [smem:$0x3FB2];
	_ =	sdelay $0x3  }
0x37: {  	[smem:$0x3FB2] =	sst s10  }
0x38: {  	s10 =	sld [smem:$0x3FB3]  }
0x39: {  	_ = 	snop;
	(pc) =	sbr.ind lr, $3  }
0x3a: {  	_ = 	snop  }
0x3b: {  	_ = 	snop  }
0x3c: {  	p2 =	seq.s32 s10, $0x1;
	s10 =	sld [smem:$0x3FB2]  }
0x3d: {  	_ =	shalt  }
0x3e: {  	_ =	shalt  }
0x3f: {  	_ =	shalt  }
0x40: {  	_ =	shalt  }
0x41: {  	_ =	shalt  }
0x42: {  	_ =	shalt  }
0x43: {  	_ =	shalt  }
0x44: {  	_ =	shalt  }
0x45: {  	_ =	shalt  }
0x46: {  	_ =	shalt  }
0x47: {  	_ =	shalt  }
0x48: {  	_ =	shalt  }
0x49: {  	_ =	shalt  }
0x4a: {  	_ =	shalt  }
0x4b: {  	_ =	shalt  }
0x4c: {  	_ =	shalt  }
0x4d: {  	_ =	shalt  }
0x4e: {  	_ =	shalt  }
0x4f: {  	_ =	shalt  }
0x50: {  	_ =	shalt  }
0x51: {  	_ =	shalt  }
0x52: {  	_ =	shalt  }
0x53: {  	_ =	shalt  }
0x54: {  	_ =	shalt  }
0x55: {  	_ =	shalt  }
0x56: {  	_ =	shalt  }
0x57: {  	_ =	shalt  }
0x58: {  	_ =	shalt  }
0x59: {  	_ =	shalt  }
0x5a: {  	_ =	shalt  }
0x5b: {  	_ =	shalt  }
0x5c: {  	_ =	shalt  }
0x5d: {  	_ =	shalt  }
0x5e: {  	_ =	shalt  }
0x5f: {  	_ =	shalt  }
0x60: {  	_ =	shalt  }
0x61: {  	_ =	shalt  }
0x62: {  	_ =	shalt  }
0x63: {  	_ =	shalt  }
0x64: {  	_ =	shalt  }
0x65: {  	_ =	shalt  }
0x66: {  	_ =	shalt  }
0x67: {  	_ =	shalt  }
0x68: {  	_ =	shalt  }
0x69: {  	_ =	shalt  }
0x6a: {  	_ =	shalt  }
0x6b: {  	_ =	shalt  }
0x6c: {  	_ =	shalt  }
0x6d: {  	_ =	shalt  }
0x6e: {  	_ =	shalt  }
0x6f: {  	_ =	shalt  }
0x70: {  	_ =	shalt  }
0x71: {  	_ =	shalt  }
0x72: {  	_ =	shalt  }
0x73: {  	_ =	shalt  }
0x74: {  	_ =	shalt  }
0x75: {  	_ =	shalt  }
0x76: {  	_ =	shalt  }
0x77: {  	_ =	shalt  }
0x78: {  	_ =	shalt  }
0x79: {  	_ =	shalt  }
0x7a: {  	_ =	shalt  }
0x7b: {  	_ =	shalt  }
0x7c: {  	_ =	shalt  }
0x7d: {  	_ =	shalt  }
0x7e: {  	_ =	shalt  }
0x7f: {  	_ =	shalt  }
0x80: {  	_ =	shalt  }
0x81: {  	_ =	shalt  }
0x82: {  	_ =	shalt  }
0x83: {  	_ =	shalt  }
0x84: {  	_ =	shalt  }
0x85: {  	_ =	shalt  }
0x86: {  	_ =	shalt  }
0x87: {  	_ =	shalt  }
.Lfunc_end0:
.L_simem_size_0:
called_computation.2_lowered:
.L_overlay_start_0:
0x88: {  	s2 =	sld [smem:$0x3FD9]  }
0x89: {  	s3 =	sld [smem:$0x3FFE];
	_ =	sdelay $0x1  }
0x8a: {  	s1 =	srdreg.scid  }
0x8b: {  	s0 =	sand.u32 $0x1, s1  }
0x8c: {  	s17 =	sshll.u32 s0, $0xA;
	s2 =	sadd.s32 s3, s2  }
0x8d: {  	s2 =	sadd.s32 s2, s17  }
0x8e: {  	[smem:$0x3FBE] =	sst s2  }
0x8f: {  	_ = 	snop  }
0x90: {  	s18 =	sld [smem:$0x3FD0];
	(tm) =	ssettm $0x1  }
0x91: {  	s19 =	sld [smem:$0x3FFB];
	_ =	sdelay $0x3  }
0x92: {  	_ =	strace s19  }
0x93: {  	s2 =	sld [smem:$0x3FFC];
	_ =	sdelay $0x3  }
0x94: {  	_ =	strace s2  }
0x95: {  	s2 =	sld [smem:$0x3FFD];
	_ =	sdelay $0x3  }
0x96: {  	_ =	strace s2  }
0x97: {  	_ =	strace $0x8FFFFFFF  }
0x98: {  	s20 =	sld [smem:$0x3FDB];
	_ =	sdelay $0x1  }
0x99: {  	s4 =	simm.s32 $_scs_section_size  }
0x9a: {  	s5 =	simm.s32 $_size__tile_overlayer_lowered;
	s6 =	simm.s32 $_tile_overlayer_lowered  }
0x9b: {  	s7 =	simm.s32 $0x1BFF;
	s21 =	sshll.u32 s6, $0x1;
	s4 =	sadd.s32 s4, s20  }
0x9c: {  	s22 =	simm.s32 $0x0;
	s5 =	sshll.u32 s5, $0x1;
	s6 =	sadd.s32 s21, s4  }
0x9d: {  	[timem:s22], [sflag:s7] =	dma.local [hbm:s6], s5  }
0x9e: {  	_ =	swait.ge [sflag:s7], s5  }
0x9f: {  	s5 =	ssub.s32 $0x0, s5;
	[sflag:s7] =	ssyncset.done $0x0  }
0xa0: {  	[sflag:s7] =	ssyncadd.s32 s5;
	_ =	sdelay $0x1  }
0xa1: {  	s23 =	simm.s32 $0x1B8B  }
0xa2: {  	_ =	swait.ge [sflag:s23], $0x1  }
0xa3: {  	[sflag:s23] =	ssyncset.done $0x0  }
0xa4: {  	[sflag:s23] =	ssyncadd.s32 $0xFFFFFFFF  }
0xa5: {  	s5 =	sld [smem:$0x0]  }
0xa6: {  	s6 =	sand.u32 $0xFFFFFFFE, s1  }
0xa7: {  	p0 =	sne.s32 s1, s6  }
0xa8: {  	s6 =	sshll.u32 @p0 s6, $0xE  }
0xa9: {  	s6 =	sadd.s32 @p0 $0x11B8D, s6;
	s7 =	sshll.u32 @p0 s5, $0x11  }
0xaa: {  	s6 =	sor.u32 @p0 s7, s6  }
0xab: {  	[sflag:s6] =	ssyncadd.remote.s32 @p0 $0x1;
	_ =	sdelay $0x1  }
0xac: {  	s6 =	simm.s32 @p0 $0x1B8D  }
0xad: {  	_ =	swait.eq @p0 [sflag:s6], $0x1  }
0xae: {  	[sflag:s6] =	ssyncadd.s32 @p0 $0xFFFFFFFF  }
0xaf: {  	s7 =	sshll.u32 @!p0 s1, $0xE  }
0xb0: {  	s7 =	sor.u32 @!p0 $0x4000, s7;
	s6 =	simm.s32 @!p0 $0x1B8D  }
0xb1: {  	s5 =	sshll.u32 @!p0 s5, $0x11;
	s7 =	sadd.s32 @!p0 $0x11B8D, s7;
	_ =	swait.eq @!p0 [sflag:s6], $0x1  }
0xb2: {  	s5 =	sor.u32 @!p0 s5, s7;
	[sflag:s6] =	ssyncadd.s32 @!p0 $0xFFFFFFFF  }
0xb3: {  	s25 =	simm.s32 $0x1B8E;
	s24 =	sld [smem:$0x3FFE];
	[sflag:s5] =	ssyncadd.remote.s32 @!p0 $0x1  }
0xb4: {  	s26 =	simm.s32 $execute0_lowered;
	[smem:$0x3FD2] =	sst s25  }
0xb5: {  	s6 =	sshll.u32 s26, $0x1;
	_ =	strace $0x8000004F;
	[dreg:$0x1] =	wrdreg $0xFFFFFFFF  }
0xb6: {  	s28 =	simm.s32 $_size_execute0_lowered;
	s4 =	sadd.s32 s4, s6;
	[dreg:$0x0] =	wrdreg $0x0  }
0xb7: {  	s6 =	sshll.u32 s28, $0x1;
	[dreg:$0x2] =	wrdreg s4  }
0xb8: {  	[dreg:$0x3] =	wrdreg s6  }
0xb9: {  	[dreg:$0x4] =	wrdreg $0xC0  }
0xba: {  	_ =	task [dreg:s22], $0x5FFFF  }
0xbb: {  	[dreg:$0x1] =	wrdreg $0xFFFFFFFF  }
0xbc: {  	[dreg:$0x0] =	wrdreg $0x60  }
0xbd: {  	[dreg:$0x2] =	wrdreg s24  }
0xbe: {  	[dreg:$0x3] =	wrdreg s18  }
0xbf: {  	[dreg:$0x4] =	wrdreg $0x0  }
0xc0: {  	[dreg:$0x5] =	wrdreg $0x9  }
0xc1: {  	_ =	task.clear_ibuf [dreg:s22], $0x6FFFF;
	_ =	strace $0x9000004F  }
0xc2: {  	s29 =	simm.s32 $0x9;
	_ =	strace $0x80000051  }
0xc3: {  	_ =	swait.ge [sflag:s29], $0x1  }
0xc4: {  	[sflag:s29] =	ssyncadd.s32 $0xFFFFFFFF  }
0xc5: {  	_ =	strace $0x90000051  }
0xc6: {  	_ =	sfence  }
0xc7: {  	s30 =	sld [smem:$0x0];
	_ =	sdelay $0x2  }
0xc8: {  	s31 =	sshll.u32 s1, $0xD;
	s1 =	sshrl.u32 s1, $0x2  }
0xc9: {  	s4 =	sand.u32 $0x4000, s31;
	s1 =	sadd.s32 s1, s30  }
0xca: {  	s0 =	sor.u32 s4, s0;
	s1 =	sshll.u32 s1, $0x11  }
0xcb: {  	s0 =	sor.u32 s1, s0  }
0xcc: {  	s0 =	sadd.s32 $0x8F2B, s0  }
0xcd: {  	[sflag:s0] =	ssyncadd.remote.s32 $0x1  }
0xce: {  	_ =	sfence.sel $0xFFFF  }
0xcf: {  	[dreg:$0x0] =	wrdreg $0xFFFFFFFF;
	(pc) =	sbr.abs _section_cstart, $3  }
0xd0: {  	[dreg:$0x1] =	wrdreg $0xFFFFFFFF  }
0xd1: {  	_ =	task.clear_ibuf [dreg:s22], $0x2FFFF;
	_ =	strace $0x9FFFFFFF  }
0xd2: {  	(tm) =	ssettm $0x7FFFFFFF  }
0xd3: {  	_ =	shalt  }
tec
execute0_lowered:
.L_overlay_start_1:
0x0: {  	(tag) =	ssettag $0x1  }
0x1: {  	s0 =	rddreg [dreg:$0x0]  }
0x2: {  	s1 =	rddreg [dreg:$0x1]  }
0x3: {  	s2 =	rddreg [dreg:$0x2];
	s3 =	simm.s32 $0x0;
	s26 =	stileid.u32  }
0x4: {  	s5 =	srdreg.scid;
	s28 =	simm.s32 $0x14F80;
	s4 =	smul.u32 $0x280, s26  }
0x5: {  	s29 =	simm.s32 $0x0;
	[smem:$0x7FF] =	sst s3;
	s6 =	smul.u32 $0x4F000, s26  }
0x6: {  	s7 =	sadd.s32 $0xC6CC00, s0;
	s5 =	sand.u32 $0x1, s5;
	s12 =	smul.u32 $0xA0000, s26  }
0x7: {  	s10 =	smul.u32 $0x13C00, s26;
	p0 =	seq.s32 s26, $0xF;
	s26 =	simm.s32 $0x14F00  }
0x8: {  	_ =	strace $0x80000050;
	s9 =	ssub.s32 $0x2, s5;
	s14 =	smul.u32 $0x1400000, s5  }
0x9: {  	s22 =	smul.u32 $0x271000, s5;
	s5 =	sshllo.u32 s5, $0x1;
	s8 =	sadd.s32 s4, s0  }
0xa: {  	s4 =	sadd.s32 $0x3400, s0;
	s21 =	sshrl.u32 s9, $0x1;
	s15 =	smul.u32 $0xA00000, s5  }
0xb: {  	s6 =	sshrl.u32 s6, $0x2;
	s5 =	smul.u32 $0x138800, s5;
	s16 =	sadd.s32 $0x9C000, s12  }
0xc: {  	s0 =	ssub.s32 s9, s21;
	s8 =	sadd.s32 $0x148400, s8;
	s17 =	sadd.s32 s12, s14  }
0xd: {  	s6 =	sadd.s32 s6, s2;
	s24 =	sadd.s32 s10, s22;
	s11 =	sshrl.u32 s22, $0x3  }
0xe: {  	s18 =	sadd.s32 s14, s16;
	[dreg:$0x4] =	wrdreg s8;
	s23 =	sshrl.u32 s17, $0x3  }
0xf: {  	s30 =	sadd.s32 s1, s11;
	s31 =	sadd.s32 s12, s15;
	s13 =	sadd.s32 s10, s5  }
0x10: {  	s5 =	sshrl.u32 s5, $0x3;
	s19 =	sadd.s32 s15, s16;
	s20 =	sor.u32 $0x8000, s17  }
0x11: {  	s9 =	sadd.s32 s7, s23;
	s11 =	sshrl.u32 s31, $0x3;
	s13 =	sshrl.u32 s13, $0x3  }
0x12: {  	s21 =	sshrl.u32 s19, $0x3;
	s22 =	sshrl.u32 s20, $0x3;
	s23 =	sor.u32 $0x4000, s17  }
0x13: {  	s20 =	simm.s32 $0x3;
	[dreg:$0x5] =	wrdreg s9;
	s9 =	sshrl.u32 s24, $0x3  }
0x14: {  	s11 =	sadd.s32 s7, s11;
	s15 =	sadd.s32 s7, s21;
	s16 =	sadd.s32 s22, s7  }
0x15: {  	s24 =	sadd.s32 $0xA08000, s17;
	s21 =	simm.s32 $0x15000;
	s22 =	simm.s32 $0x19000  }
0x16: {  	s25 =	sadd.s32 s1, s9;
	s9 =	sadd.s32 $0x25080, s30;
	[dreg:$0x8] =	wrdreg s11  }
0x17: {  	s11 =	sadd.s32 s1, s13;
	s1 =	sadd.s32 s1, s5;
	s13 =	smax.u32 s0, $0x1  }
0x18: {  	s0 =	sshrl.u32 s18, $0x3;
	s30 =	sshrl.u32 s24, $0x3;
	[dreg:$0x6] =	wrdreg s25  }
0x19: {  	s24 =	simm.s32 $0x80;
	[dreg:$0x7] =	wrdreg s9;
	s12 =	sadd.s32 $0x25080, s1  }
0x1a: {  	s14 =	sadd.s32 s7, s0;
	s0 =	sshrl.u32 s23, $0x3;
	s25 =	sadd.s32 $0xA04000, s17  }
0x1b: {  	s18 =	sadd.s32 s30, s7;
	s23 =	simm.s32 $0x1;
	s31 =	sshrl.u32 s25, $0x3  }
0x1c: {  	s17 =	sadd.s32 s0, s7;
	s25 =	simm.s32 $0x2;
	s19 =	sadd.s32 s31, s7  }
.LBB2_1:
0x1d: {  	s1 =	simm.s32 $0x13C00;
	s0 =	rddreg [dreg:$0x4]  }
0x1e: {  	[tilespmem:s1], [sflag:$0x3] =	stream.linear.gather [hbm4b:s0+s3], $0x1400, $0x38;
	[tilespmem:$0x1D000] =	vst v63  }
0x1f: {  	s7 =	stileid.u32;
	_ =	swait.ge [sflag:s20], $0x1400  }
0x20: {  	s0 =	sshll.u32 s7, $0x6;
	[sflag:s20] =	ssyncset.done $0x0  }
0x21: {  	s30 =	sor.u32 $0x1C03, s0;
	s0 =	sshrl.u32 s6, $0x3;
	[sflag:s20] =	ssyncadd.s32 $0xFFFFEC00  }
0x22: {  	[spmem:s0], [sflag:s30] =	dma.local [hbm:s4], $0x2780  }
0x23: {  	_ =	swait.ge [sflag:s20], $0x2780  }
0x24: {  	[sflag:s20] =	ssyncset.done $0x0  }
0x25: {  	[sflag:s20] =	ssyncadd.s32 $0xFFFFD880  }
0x26: {  	[bflag:$0x0] =	sbarrier.arrive $0xFFFF  }
0x27: {  	s5 =	rddreg [dreg:$0x5]  }
0x28: {  	[tilespmem:s21], [sflag:$0x1] =	stream.linear.gather [hbm4b:s5+s3], $0x4000, $0x38;
	[tilespmem:$0x1D000] =	vst v63  }
0x29: {  	s8 =	sadd.s32 $0x0, s17  }
0x2a: {  	[tilespmem:s22], [sflag:$0x2] =	stream.linear.gather [hbm4b:s8+s3], $0x4000, $0x38;
	[tilespmem:$0x1D000] =	vst v63  }
0x2b: {  	_ =	swait.ge [sflag:s23], $0x4000  }
0x2c: {  	[sflag:s23] =	ssyncset.done $0x0  }
0x2d: {  	[sflag:s23] =	ssyncadd.s32 $0xFFFFC000  }
0x2e: {  	[spmem:s2] =	stream.indirect.scatter.add.f32 [tilespmem:s21], [sflag:$0x3], $0x80, s1, s24, $0xb8;
	[tilespmem:$0x1D000] =	vst v63  }
0x2f: {  	_ =	swait.ge [sflag:s20], $0x4000  }
0x30: {  	[sflag:s20] =	ssyncset.done $0x0  }
0x31: {  	s9 =	sadd.s32 $0x0, s16;
	[sflag:s20] =	ssyncadd.s32 $0xFFFFC000  }
0x32: {  	[tilespmem:s21], [sflag:$0x1] =	stream.linear.gather [hbm4b:s9+s3], $0x4000, $0x38;
	[tilespmem:$0x1D000] =	vst v63  }
0x33: {  	_ =	swait.ge [sflag:s25], $0x4000  }
0x34: {  	[sflag:s25] =	ssyncset.done $0x0  }
0x35: {  	s10 =	simm.s32 $0x13C80;
	[sflag:s25] =	ssyncadd.s32 $0xFFFFC000  }
0x36: {  	[spmem:s2] =	stream.indirect.scatter.add.f32 [tilespmem:s22], [sflag:$0x3], $0x80, s10, s24, $0xb8;
	[tilespmem:$0x1D000] =	vst v63  }
0x37: {  	s31 =	simm.s32 $0x1000;
	_ =	swait.ge [sflag:s20], $0x4000  }
0x38: {  	s5 =	simm.s32 $0x2000;
	s1 =	simm.s32 $0x13D00;
	[sflag:s20] =	ssyncset.done $0x0  }
.LBB2_2:
0x39: {  	s7 =	sadd.s32 s31, s17  }
0x3a: {  	[sflag:s20] =	ssyncadd.s32 $0xFFFFC000;
	s8 =	smov.u32 s5;
	s9 =	sadd.s32 $0x1000, s5  }
0x3b: {  	[tilespmem:s22], [sflag:$0x2] =	stream.linear.gather [hbm4b:s7+s3], $0x4000, $0x38;
	[tilespmem:$0x1D000] =	vst v63  }
0x3c: {  	p1 =	sne.s32 s5, $0x12000;
	_ =	swait.ge [sflag:s23], $0x4000  }
0x3d: {  	[sflag:s23] =	ssyncset.done $0x0  }
0x3e: {  	[sflag:s23] =	ssyncadd.s32 $0xFFFFC000  }
0x3f: {  	[spmem:s2] =	stream.indirect.scatter.add.f32 [tilespmem:s21], [sflag:$0x3], $0x80, s1, s24, $0xb8;
	[tilespmem:$0x1D000] =	vst v63  }
0x40: {  	_ =	swait.ge [sflag:s20], $0x4000  }
0x41: {  	[sflag:s20] =	ssyncset.done $0x0  }
0x42: {  	s5 =	sadd.s32 s31, s16;
	s31 =	smov.u32 s8;
	[sflag:s20] =	ssyncadd.s32 $0xFFFFC000  }
0x43: {  	[tilespmem:s21], [sflag:$0x1] =	stream.linear.gather [hbm4b:s5+s3], $0x4000, $0x38;
	[tilespmem:$0x1D000] =	vst v63  }
0x44: {  	_ =	swait.ge [sflag:s25], $0x4000  }
.Ltmp0:
0x45: {  	[sflag:s25] =	ssyncset.done $0x0;
	(pc) =	sbr.rel @p1 .LBB2_2-.Ltmp0, $4  }
0x46: {  	s5 =	sadd.s32 $0x80, s1;
	[sflag:s25] =	ssyncadd.s32 $0xFFFFC000  }
0x47: {  	[spmem:s2] =	stream.indirect.scatter.add.f32 [tilespmem:s22], [sflag:$0x3], $0x80, s5, s24, $0xb8;
	[tilespmem:$0x1D000] =	vst v63  }
0x48: {  	_ =	swait.ge [sflag:s20], $0x4000  }
0x49: {  	s1 =	sadd.s32 $0x100, s1;
	s5 =	smov.u32 s9;
	[sflag:s20] =	ssyncset.done $0x0  }
0x4a: {  	s5 =	sadd.s32 s31, s17;
	[sflag:s20] =	ssyncadd.s32 $0xFFFFC000  }
0x4b: {  	[tilespmem:s22], [sflag:$0x2] =	stream.linear.gather [hbm4b:s5+s3], $0x4000, $0x38;
	[tilespmem:$0x1D000] =	vst v63  }
0x4c: {  	_ =	swait.ge [sflag:s23], $0x4000  }
0x4d: {  	[sflag:s23] =	ssyncset.done $0x0  }
0x4e: {  	[sflag:s23] =	ssyncadd.s32 $0xFFFFC000  }
0x4f: {  	[spmem:s2] =	stream.indirect.scatter.add.f32 [tilespmem:s21], [sflag:$0x3], $0x80, s1, s24, $0xb8;
	[tilespmem:$0x1D000] =	vst v63  }
0x50: {  	_ =	swait.ge [sflag:s20], $0x4000  }
0x51: {  	[sflag:s20] =	ssyncset.done $0x0  }
0x52: {  	s7 =	sadd.s32 s31, s16;
	[sflag:s20] =	ssyncadd.s32 $0xFFFFC000  }
0x53: {  	[tilespmem:s21], [sflag:$0x1] =	stream.linear.gather [hbm4b:s7+s3], $0x4000, $0x38;
	[tilespmem:$0x1D000] =	vst v63  }
0x54: {  	_ =	swait.ge [sflag:s25], $0x4000  }
0x55: {  	[sflag:s25] =	ssyncset.done $0x0  }
0x56: {  	s8 =	sadd.s32 $0x80, s1;
	[sflag:s25] =	ssyncadd.s32 $0xFFFFC000  }
0x57: {  	[spmem:s2] =	stream.indirect.scatter.add.f32 [tilespmem:s22], [sflag:$0x3], $0x80, s8, s24, $0xb8;
	[tilespmem:$0x1D000] =	vst v63  }
0x58: {  	_ =	swait.ge [sflag:s20], $0x4000  }
0x59: {  	[sflag:s20] =	ssyncset.done $0x0  }
0x5a: {  	[sflag:s20] =	ssyncadd.s32 $0xFFFFC000  }
0x5b: {  	[tilespmem:s22], [sflag:$0x2] =	stream.linear.gather [hbm4b:s14+s3], $0x4000, $0x38;
	[tilespmem:$0x1D000] =	vst v63  }
0x5c: {  	_ =	swait.ge [sflag:s23], $0x4000  }
0x5d: {  	[sflag:s23] =	ssyncset.done $0x0  }
0x5e: {  	[sflag:s23] =	ssyncadd.s32 $0xFFFFC000  }
0x5f: {  	[spmem:s2] =	stream.indirect.scatter.add.f32 [tilespmem:s21], [sflag:$0x3], $0x80, s26, s24, $0xb8;
	[tilespmem:$0x1D000] =	vst v63  }
0x60: {  	_ =	swait.ge [sflag:s20], $0x4000  }
0x61: {  	[sflag:s20] =	ssyncset.done $0x0  }
0x62: {  	[sflag:s20] =	ssyncadd.s32 $0xFFFFC000  }
0x63: {  	_ =	swait.ge [sflag:s25], $0x4000  }
0x64: {  	[sflag:s25] =	ssyncset.done $0x0  }
0x65: {  	[sflag:s25] =	ssyncadd.s32 $0xFFFFC000  }
0x66: {  	[spmem:s2] =	stream.indirect.scatter.add.f32 [tilespmem:s22], [sflag:$0x3], $0x80, s28, s24, $0xb8;
	[tilespmem:$0x1D000] =	vst v63  }
0x67: {  	_ =	swait.ge [sflag:s20], $0x4000  }
0x68: {  	[sflag:s20] =	ssyncset.done $0x0  }
0x69: {  	[sflag:s20] =	ssyncadd.s32 $0xFFFFC000  }
0x6a: {  	[bflag:$0x0] =	sbarrier.arrive $0xFFFF  }
0x6b: {  	s31 =	sshrl.u32 @p0 s6, $0x3;
	s1 =	rddreg [dreg:$0x7]  }
0x6c: {  	[hbm:s1], [sflag:s30] =	dma.local @p0 [spmem:s31], $0x2080  }
0x6d: {  	s1 =	simm.s32 @p0 $0x3  }
0x6e: {  	_ =	swait.ge @p0 [sflag:s1], $0x2080  }
0x6f: {  	[sflag:s1] =	ssyncset.done @p0 $0x0  }
0x70: {  	s5 =	rddreg [dreg:$0x6];
	[sflag:s1] =	ssyncadd.s32 @p0 $0xFFFFDF80;
	s1 =	sshrl.u32 @!p0 s6, $0x3  }
0x71: {  	[hbm:s5], [sflag:s30] =	dma.local @!p0 [spmem:s1], $0x2780  }
0x72: {  	s5 =	simm.s32 @!p0 $0x3  }
0x73: {  	_ =	swait.ge @!p0 [sflag:s5], $0x2780  }
0x74: {  	[sflag:s5] =	ssyncset.done @!p0 $0x0  }
0x75: {  	[sflag:s5] =	ssyncadd.s32 @!p0 $0xFFFFD880  }
0x76: {  	[bflag:$0x0] =	sbarrier.arrive $0xFFFF  }
0x77: {  	[spmem:s0], [sflag:s30] =	dma.local [hbm:s4], $0x2780  }
0x78: {  	_ =	swait.ge [sflag:s20], $0x2780  }
0x79: {  	[sflag:s20] =	ssyncset.done $0x0  }
0x7a: {  	[sflag:s20] =	ssyncadd.s32 $0xFFFFD880  }
0x7b: {  	[bflag:$0x0] =	sbarrier.arrive $0xFFFF  }
0x7c: {  	s9 =	simm.s32 $0x0;
	s10 =	rddreg [dreg:$0x8]  }
0x7d: {  	[tilespmem:s21], [sflag:$0x1] =	stream.linear.gather [hbm4b:s10+s9], $0x4000, $0x38;
	[tilespmem:$0x1D000] =	vst v63  }
0x7e: {  	s7 =	sadd.s32 $0x0, s19  }
0x7f: {  	[tilespmem:s22], [sflag:$0x2] =	stream.linear.gather [hbm4b:s7+s3], $0x4000, $0x38;
	[tilespmem:$0x1D000] =	vst v63  }
0x80: {  	_ =	swait.ge [sflag:s23], $0x4000  }
0x81: {  	[sflag:s23] =	ssyncset.done $0x0  }
0x82: {  	s8 =	simm.s32 $0x13C00;
	[sflag:s23] =	ssyncadd.s32 $0xFFFFC000  }
0x83: {  	[spmem:s2] =	stream.indirect.scatter.add.f32 [tilespmem:s21], [sflag:$0x3], $0x80, s8, s24, $0xb8;
	[tilespmem:$0x1D000] =	vst v63  }
0x84: {  	_ =	swait.ge [sflag:s20], $0x4000  }
0x85: {  	[sflag:s20] =	ssyncset.done $0x0  }
0x86: {  	s9 =	sadd.s32 $0x0, s18;
	[sflag:s20] =	ssyncadd.s32 $0xFFFFC000  }
0x87: {  	[tilespmem:s21], [sflag:$0x1] =	stream.linear.gather [hbm4b:s9+s3], $0x4000, $0x38;
	[tilespmem:$0x1D000] =	vst v63  }
0x88: {  	_ =	swait.ge [sflag:s25], $0x4000  }
0x89: {  	[sflag:s25] =	ssyncset.done $0x0  }
0x8a: {  	s10 =	simm.s32 $0x13C80;
	[sflag:s25] =	ssyncadd.s32 $0xFFFFC000  }
0x8b: {  	[spmem:s2] =	stream.indirect.scatter.add.f32 [tilespmem:s22], [sflag:$0x3], $0x80, s10, s24, $0xb8;
	[tilespmem:$0x1D000] =	vst v63  }
0x8c: {  	s5 =	simm.s32 $0x1000;
	_ =	swait.ge [sflag:s20], $0x4000  }
0x8d: {  	s0 =	simm.s32 $0x13D00;
	s7 =	simm.s32 $0x2000;
	[sflag:s20] =	ssyncset.done $0x0  }
.LBB2_4:
0x8e: {  	s8 =	sadd.s32 s5, s19  }
0x8f: {  	[sflag:s20] =	ssyncadd.s32 $0xFFFFC000;
	s9 =	smov.u32 s7;
	s10 =	sadd.s32 $0x1000, s7  }
0x90: {  	[tilespmem:s22], [sflag:$0x2] =	stream.linear.gather [hbm4b:s8+s3], $0x4000, $0x38;
	[tilespmem:$0x1D000] =	vst v63  }
0x91: {  	p1 =	sne.s32 s7, $0x12000;
	_ =	swait.ge [sflag:s23], $0x4000  }
0x92: {  	[sflag:s23] =	ssyncset.done $0x0  }
0x93: {  	[sflag:s23] =	ssyncadd.s32 $0xFFFFC000  }
0x94: {  	[spmem:s2] =	stream.indirect.scatter.add.f32 [tilespmem:s21], [sflag:$0x3], $0x80, s0, s24, $0xb8;
	[tilespmem:$0x1D000] =	vst v63  }
0x95: {  	_ =	swait.ge [sflag:s20], $0x4000  }
0x96: {  	[sflag:s20] =	ssyncset.done $0x0  }
0x97: {  	s7 =	sadd.s32 s5, s18;
	s5 =	smov.u32 s9;
	[sflag:s20] =	ssyncadd.s32 $0xFFFFC000  }
0x98: {  	[tilespmem:s21], [sflag:$0x1] =	stream.linear.gather [hbm4b:s7+s3], $0x4000, $0x38;
	[tilespmem:$0x1D000] =	vst v63  }
0x99: {  	_ =	swait.ge [sflag:s25], $0x4000  }
.Ltmp1:
0x9a: {  	[sflag:s25] =	ssyncset.done $0x0;
	(pc) =	sbr.rel @p1 .LBB2_4-.Ltmp1, $4  }
0x9b: {  	s7 =	sadd.s32 $0x80, s0;
	[sflag:s25] =	ssyncadd.s32 $0xFFFFC000  }
0x9c: {  	[spmem:s2] =	stream.indirect.scatter.add.f32 [tilespmem:s22], [sflag:$0x3], $0x80, s7, s24, $0xb8;
	[tilespmem:$0x1D000] =	vst v63  }
0x9d: {  	_ =	swait.ge [sflag:s20], $0x4000  }
0x9e: {  	s0 =	sadd.s32 $0x100, s0;
	s7 =	smov.u32 s10;
	[sflag:s20] =	ssyncset.done $0x0  }
0x9f: {  	s7 =	sadd.s32 s5, s19;
	[sflag:s20] =	ssyncadd.s32 $0xFFFFC000  }
0xa0: {  	[tilespmem:s22], [sflag:$0x2] =	stream.linear.gather [hbm4b:s7+s3], $0x4000, $0x38;
	[tilespmem:$0x1D000] =	vst v63  }
0xa1: {  	_ =	swait.ge [sflag:s23], $0x4000  }
0xa2: {  	[sflag:s23] =	ssyncset.done $0x0  }
0xa3: {  	[sflag:s23] =	ssyncadd.s32 $0xFFFFC000  }
0xa4: {  	[spmem:s2] =	stream.indirect.scatter.add.f32 [tilespmem:s21], [sflag:$0x3], $0x80, s0, s24, $0xb8;
	[tilespmem:$0x1D000] =	vst v63  }
0xa5: {  	_ =	swait.ge [sflag:s20], $0x4000  }
0xa6: {  	[sflag:s20] =	ssyncset.done $0x0  }
0xa7: {  	s9 =	sadd.s32 s5, s18;
	[sflag:s20] =	ssyncadd.s32 $0xFFFFC000  }
0xa8: {  	[tilespmem:s21], [sflag:$0x1] =	stream.linear.gather [hbm4b:s9+s3], $0x4000, $0x38;
	[tilespmem:$0x1D000] =	vst v63  }
0xa9: {  	_ =	swait.ge [sflag:s25], $0x4000  }
0xaa: {  	[sflag:s25] =	ssyncset.done $0x0  }
0xab: {  	s10 =	sadd.s32 $0x80, s0;
	[sflag:s25] =	ssyncadd.s32 $0xFFFFC000  }
0xac: {  	[spmem:s2] =	stream.indirect.scatter.add.f32 [tilespmem:s22], [sflag:$0x3], $0x80, s10, s24, $0xb8;
	[tilespmem:$0x1D000] =	vst v63  }
0xad: {  	_ =	swait.ge [sflag:s20], $0x4000  }
0xae: {  	[sflag:s20] =	ssyncset.done $0x0  }
0xaf: {  	[sflag:s20] =	ssyncadd.s32 $0xFFFFC000  }
0xb0: {  	[tilespmem:s22], [sflag:$0x2] =	stream.linear.gather [hbm4b:s15+s3], $0x4000, $0x38;
	[tilespmem:$0x1D000] =	vst v63  }
0xb1: {  	_ =	swait.ge [sflag:s23], $0x4000  }
0xb2: {  	[sflag:s23] =	ssyncset.done $0x0  }
0xb3: {  	[sflag:s23] =	ssyncadd.s32 $0xFFFFC000  }
0xb4: {  	[spmem:s2] =	stream.indirect.scatter.add.f32 [tilespmem:s21], [sflag:$0x3], $0x80, s26, s24, $0xb8;
	[tilespmem:$0x1D000] =	vst v63  }
0xb5: {  	_ =	swait.ge [sflag:s20], $0x4000  }
0xb6: {  	[sflag:s20] =	ssyncset.done $0x0  }
0xb7: {  	[sflag:s20] =	ssyncadd.s32 $0xFFFFC000  }
0xb8: {  	_ =	swait.ge [sflag:s25], $0x4000  }
0xb9: {  	[sflag:s25] =	ssyncset.done $0x0  }
0xba: {  	[sflag:s25] =	ssyncadd.s32 $0xFFFFC000  }
0xbb: {  	[spmem:s2] =	stream.indirect.scatter.add.f32 [tilespmem:s22], [sflag:$0x3], $0x80, s28, s24, $0xb8;
	[tilespmem:$0x1D000] =	vst v63  }
0xbc: {  	_ =	swait.ge [sflag:s20], $0x4000  }
0xbd: {  	[sflag:s20] =	ssyncset.done $0x0  }
0xbe: {  	[sflag:s20] =	ssyncadd.s32 $0xFFFFC000  }
0xbf: {  	s0 =	simm.s32 @p0 $0x3;
	[bflag:$0x0] =	sbarrier.arrive $0xFFFF  }
0xc0: {  	[hbm:s12], [sflag:s30] =	dma.local @p0 [spmem:s31], $0x2080  }
0xc1: {  	_ =	swait.ge @p0 [sflag:s0], $0x2080  }
0xc2: {  	s29 =	sadd.s32 $0x1, s29;
	[sflag:s0] =	ssyncset.done @p0 $0x0  }
0xc3: {  	p1 =	sne.s32 s29, s13;
	[sflag:s0] =	ssyncadd.s32 @p0 $0xFFFFDF80;
	s0 =	simm.s32 @!p0 $0x3  }
0xc4: {  	[hbm:s11], [sflag:s30] =	dma.local @!p0 [spmem:s1], $0x2780  }
.Ltmp2:
0xc5: {  	_ =	swait.ge @!p0 [sflag:s0], $0x2780;
	(pc) =	sbr.rel @p1 .LBB2_1-.Ltmp2, $3  }
0xc6: {  	[sflag:s0] =	ssyncset.done @!p0 $0x0  }
0xc7: {  	[sflag:s0] =	ssyncadd.s32 @!p0 $0xFFFFD880  }
0xc8: {  	[bflag:$0x0] =	sbarrier.arrive $0xFFFF;
	_ =	sdelay $0x1  }
0xc9: {  	_ =	sfence.sel $0x180000  }
0xca: {  	[bflag:$0x0] =	sbarrier.arrive $0xFFFF  }
0xcb: {  	_ =	strace $0x90000050  }
0xcc: {  	s0 =	stileid.u32;
	[bflag:$0x2] =	sbarrier.arrive $0xFFFF  }
0xcd: {  	p0 =	sne.s32 s0, $0x0;
	s0 =	rddreg [dreg:$0x3]  }
0xce: {  	s0 =	sadd.s32 @!p0 $0x100000, s0  }
0xcf: {  	[sflag:s0] =	ssyncadd.tile.s32 @!p0 $0x1;
	_ =	shalt  }
.Lfunc_end2:
_tile_overlayer_lowered:
.L_overlay_start_2:
0xd0: {  	(tag) =	ssettag $0x2  }
0xd1: {  	s0 =	rddreg [dreg:$0x0];
	s2 =	stileid.u32  }
0xd2: {  	s1 =	rddreg [dreg:$0x1];
	p0 =	sne.s32 s2, $0x0  }
0xd3: {  	s3 =	rddreg [dreg:$0x2];
	[bflag:$0x3] =	sbarrier.arrive $0xFFFF;
	s2 =	simm.s32 @!p0 $0x1C03  }
0xd4: {  	[timem:s3], [sflag:s2] =	dma.local @!p0 [hbm:s0], s1  }
0xd5: {  	s0 =	simm.s32 @!p0 $0x3  }
0xd6: {  	_ =	swait.ge @!p0 [sflag:s0], s1  }
0xd7: {  	s1 =	ssub.s32 @!p0 $0x0, s1;
	[sflag:s0] =	ssyncset.done @!p0 $0x0  }
0xd8: {  	[sflag:s0] =	ssyncadd.s32 @!p0 s1  }
0xd9: {  	[bflag:$0x3] =	sbarrier.arrive $0xFFFF  }
0xda: {  	_ =	shalt  }

// kernel: kernel.18.cloned.1.call-start
scs
__scs_entry_jumppad:
0x0: {  	(pc) =	sbr.rel $0x88, $3  }
0x1: {  	(tag) =	ssettag $0x0;
	lr =	simm.s32 $0x1  }
0x2: {  	[smem:$0x3F97] =	sst lr;
	_ =	strace $0xD0000000  }
0x3: {  	_ = 	snop  }
0x4: {  	_ = 	snop  }
0x5: {  	_ = 	snop  }
0x6: {  	_ = 	snop  }
0x7: {  	_ = 	snop  }
__scs_overlays_trampoline_lowered:
0x8: {  	[smem:$0x3FA6] =	sst s0  }
0x9: {  	[smem:$0x3FA7] =	sst s1  }
0xa: {  	[smem:$0x3FA8] =	sst s2  }
0xb: {  	[smem:$0x3FA9] =	sst s3  }
0xc: {  	[smem:$0x3FAA] =	sst s4  }
0xd: {  	[smem:$0x3FAB] =	sst s5  }
0xe: {  	[smem:$0x3FAC] =	sst s6  }
0xf: {  	[smem:$0x3FAD] =	sst s7  }
0x10: {  	[smem:$0x3FAE] =	sst s8  }
0x11: {  	[smem:$0x3FAF] =	sst s9;
	s0 =	simm.s32 @!p0 $0x0  }
0x12: {  	s1 =	sld [smem:$0x3F95];
	s0 =	simm.s32 @p0 $0x1  }
0x13: {  	[smem:$0x3FB0] =	sst s0;
	s0 =	simm.s32 @!p1 $0x0  }
0x14: {  	s2 =	sld [smem:$0x3F94];
	s0 =	simm.s32 @p1 $0x1  }
0x15: {  	[smem:$0x3FB1] =	sst s0;
	s0 =	simm.s32 @!p2 $0x0  }
0x16: {  	s3 =	sld [smem:$0x3FDB];
	s0 =	simm.s32 @p2 $0x1  }
0x17: {  	s4 =	simm.s32 $0x1BF5;
	[smem:$0x3FB3] =	sst s0  }
0x18: {  	s0 =	sld [smem:$0x3F96];
	_ =	swait.ge [sflag:s4], $0x0  }
0x19: {  	s7 =	sld [smem:$0x3F97]  }
0x1a: {  	s8 =	sadd.s32 $0xFFFFE003, lr  }
0x1b: {  	s9 =	sadd.s32 $0xFFFFFEF7, lr;
	s5 =	simm.s32 $0xFFFFFFFF;
	p2 =	slt.u32 s8, $0xFFFFF086  }
0x1c: {  	p1 =	slt.u32 s9, $0xF7A;
	s5 =	simm.s32 @!p2 $0x0  }
0x1d: {  	s5 =	simm.s32 @p1 $0x1;
	p0 =	seq.s32 s7, s2  }
0x1e: {  	s7 =	smul.u32 @!p0 $0xF7A, s2;
	p2 =	seq.s32 @!p0 s5, $0x0  }
0x1f: {  	s9 =	smul.u32 $0xF7A, s1;
	s8 =	simm.s32 @!p0 $0x1BF5;
	p2 =	por !p2, p0  }
0x20: {  	[sflag:s8] =	ssyncset.s32 @!p0 $0xFFFFF086;
	s6 =	sadd.s32 @!p0 s3, s7;
	s7 =	simm.s32 @!p0 $0x108  }
0x21: {  	s3 =	sadd.s32 s3, s9;
	s6 =	sadd.s32 @!p0 $0x88, s6;
	s7 =	simm.s32 @p2 $0x1082  }
0x22: {  	[simem:s7], [sflag:s8] =	dma.local @!p0 [hbm:s6], $0xF7A  }
0x23: {  	s9 =	sor.u32 $0xD0000000, s2;
	s6 =	simm.s32 $0x108;
	_ =	swait.ge @!p0 [sflag:s8], $0x0  }
0x24: {  	s3 =	sadd.s32 $0x88, s3;
	s6 =	simm.s32 @!p1 $0x1082;
	[sflag:s4] =	ssyncset.s32 $0xFFFFF086  }
0x25: {  	[simem:s6], [sflag:s4] =	dma.local [hbm:s3], $0xF7A  }
0x26: {  	[smem:$0x3F97] =	sst s1;
	(tag) =	ssettag s2;
	_ =	strace s9  }
0x27: {  	s1 =	sld [smem:$0x3FA7]  }
0x28: {  	s2 =	sld [smem:$0x3FA8]  }
0x29: {  	s4 =	sld [smem:$0x3FAA]  }
0x2a: {  	p0 =	seq.s32 s5, $0x0;
	s5 =	sld [smem:$0x3FAB]  }
0x2b: {  	s6 =	sld [smem:$0x3FAC]  }
0x2c: {  	s7 =	sld [smem:$0x3FAD]  }
0x2d: {  	s3 =	simm.s32 $0x108;
	s8 =	sld [smem:$0x3FAE]  }
0x2e: {  	s3 =	simm.s32 @!p0 $0x1082;
	s9 =	sld [smem:$0x3FAF]  }
0x2f: {  	lr =	sadd.s32 s0, s3;
	s0 =	sld [smem:$0x3FA6]  }
0x30: {  	s3 =	sld [smem:$0x3FA9]  }
0x31: {  	[smem:$0x3FB2] =	sst s10  }
0x32: {  	s10 =	sld [smem:$0x3FB0];
	_ =	sdelay $0x3  }
0x33: {  	p0 =	seq.s32 s10, $0x1;
	s10 =	sld [smem:$0x3FB2];
	_ =	sdelay $0x3  }
0x34: {  	[smem:$0x3FB2] =	sst s10  }
0x35: {  	s10 =	sld [smem:$0x3FB1];
	_ =	sdelay $0x3  }
0x36: {  	p1 =	seq.s32 s10, $0x1;
	s10 =	sld [smem:$0x3FB2];
	_ =	sdelay $0x3  }
0x37: {  	[smem:$0x3FB2] =	sst s10  }
0x38: {  	s10 =	sld [smem:$0x3FB3]  }
0x39: {  	_ = 	snop;
	(pc) =	sbr.ind lr, $3  }
0x3a: {  	_ = 	snop  }
0x3b: {  	_ = 	snop  }
0x3c: {  	p2 =	seq.s32 s10, $0x1;
	s10 =	sld [smem:$0x3FB2]  }
0x3d: {  	_ =	shalt  }
0x3e: {  	_ =	shalt  }
0x3f: {  	_ =	shalt  }
0x40: {  	_ =	shalt  }
0x41: {  	_ =	shalt  }
0x42: {  	_ =	shalt  }
0x43: {  	_ =	shalt  }
0x44: {  	_ =	shalt  }
0x45: {  	_ =	shalt  }
0x46: {  	_ =	shalt  }
0x47: {  	_ =	shalt  }
0x48: {  	_ =	shalt  }
0x49: {  	_ =	shalt  }
0x4a: {  	_ =	shalt  }
0x4b: {  	_ =	shalt  }
0x4c: {  	_ =	shalt  }
0x4d: {  	_ =	shalt  }
0x4e: {  	_ =	shalt  }
0x4f: {  	_ =	shalt  }
0x50: {  	_ =	shalt  }
0x51: {  	_ =	shalt  }
0x52: {  	_ =	shalt  }
0x53: {  	_ =	shalt  }
0x54: {  	_ =	shalt  }
0x55: {  	_ =	shalt  }
0x56: {  	_ =	shalt  }
0x57: {  	_ =	shalt  }
0x58: {  	_ =	shalt  }
0x59: {  	_ =	shalt  }
0x5a: {  	_ =	shalt  }
0x5b: {  	_ =	shalt  }
0x5c: {  	_ =	shalt  }
0x5d: {  	_ =	shalt  }
0x5e: {  	_ =	shalt  }
0x5f: {  	_ =	shalt  }
0x60: {  	_ =	shalt  }
0x61: {  	_ =	shalt  }
0x62: {  	_ =	shalt  }
0x63: {  	_ =	shalt  }
0x64: {  	_ =	shalt  }
0x65: {  	_ =	shalt  }
0x66: {  	_ =	shalt  }
0x67: {  	_ =	shalt  }
0x68: {  	_ =	shalt  }
0x69: {  	_ =	shalt  }
0x6a: {  	_ =	shalt  }
0x6b: {  	_ =	shalt  }
0x6c: {  	_ =	shalt  }
0x6d: {  	_ =	shalt  }
0x6e: {  	_ =	shalt  }
0x6f: {  	_ =	shalt  }
0x70: {  	_ =	shalt  }
0x71: {  	_ =	shalt  }
0x72: {  	_ =	shalt  }
0x73: {  	_ =	shalt  }
0x74: {  	_ =	shalt  }
0x75: {  	_ =	shalt  }
0x76: {  	_ =	shalt  }
0x77: {  	_ =	shalt  }
0x78: {  	_ =	shalt  }
0x79: {  	_ =	shalt  }
0x7a: {  	_ =	shalt  }
0x7b: {  	_ =	shalt  }
0x7c: {  	_ =	shalt  }
0x7d: {  	_ =	shalt  }
0x7e: {  	_ =	shalt  }
0x7f: {  	_ =	shalt  }
0x80: {  	_ =	shalt  }
0x81: {  	_ =	shalt  }
0x82: {  	_ =	shalt  }
0x83: {  	_ =	shalt  }
0x84: {  	_ =	shalt  }
0x85: {  	_ =	shalt  }
0x86: {  	_ =	shalt  }
0x87: {  	_ =	shalt  }
.Lfunc_end0:
.L_simem_size_0:
called_computation.3_lowered:
.L_overlay_start_0:
0x88: {  	s2 =	sld [smem:$0x3FD9]  }
0x89: {  	s3 =	sld [smem:$0x3FFE];
	_ =	sdelay $0x1  }
0x8a: {  	s1 =	srdreg.scid  }
0x8b: {  	s0 =	sand.u32 $0x1, s1  }
0x8c: {  	s17 =	sshll.u32 s0, $0xA;
	s2 =	sadd.s32 s3, s2  }
0x8d: {  	s2 =	sadd.s32 s2, s17  }
0x8e: {  	[smem:$0x3FBE] =	sst s2  }
0x8f: {  	_ = 	snop  }
0x90: {  	(tm) =	ssettm $0x1  }
0x91: {  	s18 =	sld [smem:$0x3FFB];
	_ =	sdelay $0x3  }
0x92: {  	_ =	strace s18  }
0x93: {  	s2 =	sld [smem:$0x3FFC];
	_ =	sdelay $0x3  }
0x94: {  	_ =	strace s2  }
0x95: {  	s2 =	sld [smem:$0x3FFD];
	_ =	sdelay $0x3  }
0x96: {  	_ =	strace s2  }
0x97: {  	_ =	strace $0x8FFFFFFF  }
0x98: {  	s19 =	sld [smem:$0x3FDB];
	_ =	sdelay $0x1  }
0x99: {  	s20 =	simm.s32 $_scs_section_size  }
0x9a: {  	s4 =	simm.s32 $_size__tile_overlayer_lowered;
	s5 =	simm.s32 $_tile_overlayer_lowered  }
0x9b: {  	s6 =	simm.s32 $0x1BFF;
	s21 =	sshll.u32 s5, $0x1;
	s3 =	sadd.s32 s20, s19  }
0x9c: {  	s22 =	simm.s32 $0x0;
	s4 =	sshll.u32 s4, $0x1;
	s5 =	sadd.s32 s21, s3  }
0x9d: {  	[timem:s22], [sflag:s6] =	dma.local [hbm:s5], s4  }
0x9e: {  	_ =	swait.ge [sflag:s6], s4  }
0x9f: {  	s4 =	ssub.s32 $0x0, s4;
	[sflag:s6] =	ssyncset.done $0x0  }
0xa0: {  	[sflag:s6] =	ssyncadd.s32 s4;
	_ =	sdelay $0x1  }
0xa1: {  	s23 =	simm.s32 $0x1B8B  }
0xa2: {  	_ =	swait.ge [sflag:s23], $0x1  }
0xa3: {  	[sflag:s23] =	ssyncset.done $0x0  }
0xa4: {  	[sflag:s23] =	ssyncadd.s32 $0xFFFFFFFF  }
0xa5: {  	s4 =	sld [smem:$0x0]  }
0xa6: {  	s5 =	sand.u32 $0xFFFFFFFE, s1  }
0xa7: {  	p0 =	sne.s32 s1, s5  }
0xa8: {  	s5 =	sshll.u32 @p0 s5, $0xE  }
0xa9: {  	s5 =	sadd.s32 @p0 $0x11B8D, s5;
	s6 =	sshll.u32 @p0 s4, $0x11  }
0xaa: {  	s5 =	sor.u32 @p0 s6, s5  }
0xab: {  	[sflag:s5] =	ssyncadd.remote.s32 @p0 $0x1;
	_ =	sdelay $0x1  }
0xac: {  	s5 =	simm.s32 @p0 $0x1B8D  }
0xad: {  	_ =	swait.eq @p0 [sflag:s5], $0x1  }
0xae: {  	[sflag:s5] =	ssyncadd.s32 @p0 $0xFFFFFFFF  }
0xaf: {  	s6 =	sshll.u32 @!p0 s1, $0xE  }
0xb0: {  	s6 =	sor.u32 @!p0 $0x4000, s6;
	s5 =	simm.s32 @!p0 $0x1B8D  }
0xb1: {  	s4 =	sshll.u32 @!p0 s4, $0x11;
	s6 =	sadd.s32 @!p0 $0x11B8D, s6;
	_ =	swait.eq @!p0 [sflag:s5], $0x1  }
0xb2: {  	s4 =	sor.u32 @!p0 s4, s6;
	[sflag:s5] =	ssyncadd.s32 @!p0 $0xFFFFFFFF  }
0xb3: {  	s25 =	simm.s32 $0x1B8E;
	s24 =	sld [smem:$0x3FFE];
	[sflag:s4] =	ssyncadd.remote.s32 @!p0 $0x1  }
0xb4: {  	s26 =	simm.s32 $execute0_lowered;
	[smem:$0x3FD2] =	sst s25  }
0xb5: {  	s5 =	sshll.u32 s26, $0x1;
	_ =	strace $0x8000004C;
	[dreg:$0x1] =	wrdreg $0xFFFFFFFF  }
0xb6: {  	s28 =	simm.s32 $_size_execute0_lowered;
	s3 =	sadd.s32 s3, s5;
	[dreg:$0x0] =	wrdreg $0x0  }
0xb7: {  	s5 =	sshll.u32 s28, $0x1;
	[dreg:$0x2] =	wrdreg s3  }
0xb8: {  	[dreg:$0x3] =	wrdreg s5  }
0xb9: {  	[dreg:$0x4] =	wrdreg $0xC0  }
0xba: {  	_ =	task [dreg:s22], $0x5FFFF  }
0xbb: {  	[dreg:$0x1] =	wrdreg $0xFFFFFFFF  }
0xbc: {  	[dreg:$0x0] =	wrdreg $0x60  }
0xbd: {  	[dreg:$0x2] =	wrdreg s24  }
0xbe: {  	[dreg:$0x3] =	wrdreg $0x0  }
0xbf: {  	[dreg:$0x4] =	wrdreg $0xA  }
0xc0: {  	_ =	task.clear_ibuf [dreg:s22], $0x5FFFF;
	_ =	strace $0x9000004C  }
0xc1: {  	s29 =	simm.s32 $0xA;
	_ =	strace $0x8000004E  }
0xc2: {  	_ =	swait.ge [sflag:s29], $0x1  }
0xc3: {  	[sflag:s29] =	ssyncadd.s32 $0xFFFFFFFF  }
0xc4: {  	_ =	strace $0x9000004E  }
0xc5: {  	_ =	sfence  }
0xc6: {  	s30 =	sld [smem:$0x0];
	_ =	sdelay $0x2  }
0xc7: {  	s31 =	sshll.u32 s1, $0xD;
	s1 =	sshrl.u32 s1, $0x2  }
0xc8: {  	s4 =	sand.u32 $0x4000, s31;
	s1 =	sadd.s32 s1, s30  }
0xc9: {  	s0 =	sor.u32 s4, s0;
	s1 =	sshll.u32 s1, $0x11  }
0xca: {  	s0 =	sor.u32 s1, s0  }
0xcb: {  	s0 =	sadd.s32 $0x8F2B, s0  }
0xcc: {  	[sflag:s0] =	ssyncadd.remote.s32 $0x1  }
0xcd: {  	_ =	sfence.sel $0xFFFF  }
0xce: {  	[dreg:$0x0] =	wrdreg $0xFFFFFFFF;
	(pc) =	sbr.abs _section_cstart, $3  }
0xcf: {  	[dreg:$0x1] =	wrdreg $0xFFFFFFFF  }
0xd0: {  	_ =	task.clear_ibuf [dreg:s22], $0x2FFFF;
	_ =	strace $0x9FFFFFFF  }
0xd1: {  	(tm) =	ssettm $0x7FFFFFFF  }
tec
execute0_lowered:
.L_overlay_start_1:
0x0: {  	(tag) =	ssettag $0x1  }
0x1: {  	s0 =	rddreg [dreg:$0x0]  }
0x2: {  	s2 =	rddreg [dreg:$0x1]  }
0x3: {  	s3 =	simm.s32 $0x0;
	s26 =	stileid.u32;
	s4 =	srdreg.scid  }
0x4: {  	s28 =	simm.s32 $0x14F80;
	s29 =	simm.s32 $0x0;
	s1 =	smul.u32 $0x280, s26  }
0x5: {  	[smem:$0x7FF] =	sst s3;
	s5 =	sadd.s32 $0x76CC00, s0;
	s6 =	smul.u32 $0x4F000, s26  }
0x6: {  	s7 =	sand.u32 $0x1, s4;
	s4 =	sadd.s32 $0x3400, s0;
	s12 =	smul.u32 $0xA0000, s26  }
0x7: {  	s10 =	smul.u32 $0x13C00, s26;
	p0 =	seq.s32 s26, $0xF;
	s26 =	simm.s32 $0x14F00  }
0x8: {  	_ =	strace $0x8000004D;
	s8 =	ssub.s32 $0x2, s7;
	s14 =	smul.u32 $0x1400000, s7  }
0x9: {  	s25 =	smul.u32 $0x271000, s7;
	s7 =	sshllo.u32 s7, $0x1;
	s1 =	sadd.s32 s1, s0  }
0xa: {  	s0 =	sadd.s32 $0x5C00, s0;
	s9 =	sshrl.u32 s8, $0x1;
	s15 =	smul.u32 $0xA00000, s7  }
0xb: {  	s6 =	sshrl.u32 s6, $0x2;
	s7 =	smul.u32 $0x138800, s7;
	s18 =	sadd.s32 $0x9C000, s12  }
0xc: {  	s13 =	ssub.s32 s8, s9;
	s1 =	sadd.s32 $0x28AC00, s1;
	s17 =	sadd.s32 s12, s14  }
0xd: {  	s6 =	sadd.s32 s6, s2;
	s31 =	sadd.s32 s10, s25;
	s19 =	sadd.s32 s14, s18  }
0xe: {  	[dreg:$0x3] =	wrdreg s1;
	s30 =	sshrl.u32 s17, $0x3;
	s1 =	sshrl.u32 s25, $0x3  }
0xf: {  	s11 =	sadd.s32 s12, s15;
	s10 =	sadd.s32 s10, s7;
	s7 =	sshrl.u32 s7, $0x3  }
0x10: {  	s13 =	smax.u32 s13, $0x1;
	s20 =	sor.u32 $0x8000, s17;
	s23 =	sor.u32 $0x4000, s17  }
0x11: {  	s24 =	sadd.s32 $0xA08000, s17;
	s25 =	sadd.s32 $0xA04000, s17;
	s8 =	sadd.s32 s5, s30  }
0x12: {  	s1 =	sadd.s32 s0, s1;
	s9 =	sshrl.u32 s11, $0x3;
	s16 =	sshrl.u32 s10, $0x3  }
0x13: {  	s22 =	sshrl.u32 s20, $0x3;
	s30 =	sshrl.u32 s24, $0x3;
	s20 =	simm.s32 $0x3  }
0x14: {  	s24 =	simm.s32 $0x80;
	[dreg:$0x4] =	wrdreg s8;
	s8 =	sshrl.u32 s31, $0x3  }
0x15: {  	s1 =	sadd.s32 $0x25080, s1;
	s11 =	sadd.s32 s0, s16;
	s16 =	sadd.s32 s22, s5  }
0x16: {  	s31 =	sshrl.u32 s25, $0x3;
	s8 =	sadd.s32 s0, s8;
	[dreg:$0x6] =	wrdreg s1  }
0x17: {  	s22 =	simm.s32 $0x19000;
	s1 =	sadd.s32 s5, s9;
	[dreg:$0x5] =	wrdreg s8  }
0x18: {  	s25 =	simm.s32 $0x2;
	s0 =	sadd.s32 s0, s7;
	[dreg:$0x7] =	wrdreg s1  }
0x19: {  	s12 =	sadd.s32 $0x25080, s0;
	s0 =	sshrl.u32 s19, $0x3;
	s1 =	sadd.s32 s15, s18  }
0x1a: {  	s18 =	sadd.s32 s30, s5;
	s19 =	sadd.s32 s31, s5;
	s14 =	sadd.s32 s5, s0  }
0x1b: {  	s21 =	sshrl.u32 s1, $0x3;
	s0 =	sshrl.u32 s23, $0x3;
	s23 =	simm.s32 $0x1  }
0x1c: {  	s15 =	sadd.s32 s5, s21;
	s17 =	sadd.s32 s0, s5;
	s21 =	simm.s32 $0x15000  }
.LBB2_1:
0x1d: {  	s1 =	simm.s32 $0x13C00;
	s0 =	rddreg [dreg:$0x3]  }
0x1e: {  	[tilespmem:s1], [sflag:$0x3] =	stream.linear.gather [hbm4b:s0+s3], $0x1400, $0x38;
	[tilespmem:$0x1D000] =	vst v63  }
0x1f: {  	s7 =	stileid.u32;
	_ =	swait.ge [sflag:s20], $0x1400  }
0x20: {  	s0 =	sshll.u32 s7, $0x6;
	[sflag:s20] =	ssyncset.done $0x0  }
0x21: {  	s30 =	sor.u32 $0x1C03, s0;
	s0 =	sshrl.u32 s6, $0x3;
	[sflag:s20] =	ssyncadd.s32 $0xFFFFEC00  }
0x22: {  	[spmem:s0], [sflag:s30] =	dma.local [hbm:s4], $0x2780  }
0x23: {  	_ =	swait.ge [sflag:s20], $0x2780  }
0x24: {  	[sflag:s20] =	ssyncset.done $0x0  }
0x25: {  	[sflag:s20] =	ssyncadd.s32 $0xFFFFD880  }
0x26: {  	[bflag:$0x0] =	sbarrier.arrive $0xFFFF  }
0x27: {  	s5 =	rddreg [dreg:$0x4]  }
0x28: {  	[tilespmem:s21], [sflag:$0x1] =	stream.linear.gather [hbm4b:s5+s3], $0x4000, $0x38;
	[tilespmem:$0x1D000] =	vst v63  }
0x29: {  	s8 =	sadd.s32 $0x0, s17  }
0x2a: {  	[tilespmem:s22], [sflag:$0x2] =	stream.linear.gather [hbm4b:s8+s3], $0x4000, $0x38;
	[tilespmem:$0x1D000] =	vst v63  }
0x2b: {  	_ =	swait.ge [sflag:s23], $0x4000  }
0x2c: {  	[sflag:s23] =	ssyncset.done $0x0  }
0x2d: {  	[sflag:s23] =	ssyncadd.s32 $0xFFFFC000  }
0x2e: {  	[spmem:s2] =	stream.indirect.scatter.add.f32 [tilespmem:s21], [sflag:$0x3], $0x80, s1, s24, $0xb8;
	[tilespmem:$0x1D000] =	vst v63  }
0x2f: {  	_ =	swait.ge [sflag:s20], $0x4000  }
0x30: {  	[sflag:s20] =	ssyncset.done $0x0  }
0x31: {  	s9 =	sadd.s32 $0x0, s16;
	[sflag:s20] =	ssyncadd.s32 $0xFFFFC000  }
0x32: {  	[tilespmem:s21], [sflag:$0x1] =	stream.linear.gather [hbm4b:s9+s3], $0x4000, $0x38;
	[tilespmem:$0x1D000] =	vst v63  }
0x33: {  	_ =	swait.ge [sflag:s25], $0x4000  }
0x34: {  	[sflag:s25] =	ssyncset.done $0x0  }
0x35: {  	s10 =	simm.s32 $0x13C80;
	[sflag:s25] =	ssyncadd.s32 $0xFFFFC000  }
0x36: {  	[spmem:s2] =	stream.indirect.scatter.add.f32 [tilespmem:s22], [sflag:$0x3], $0x80, s10, s24, $0xb8;
	[tilespmem:$0x1D000] =	vst v63  }
0x37: {  	s31 =	simm.s32 $0x1000;
	_ =	swait.ge [sflag:s20], $0x4000  }
0x38: {  	s5 =	simm.s32 $0x2000;
	s1 =	simm.s32 $0x13D00;
	[sflag:s20] =	ssyncset.done $0x0  }
.LBB2_2:
0x39: {  	s7 =	sadd.s32 s31, s17  }
0x3a: {  	[sflag:s20] =	ssyncadd.s32 $0xFFFFC000;
	s8 =	smov.u32 s5;
	s9 =	sadd.s32 $0x1000, s5  }
0x3b: {  	[tilespmem:s22], [sflag:$0x2] =	stream.linear.gather [hbm4b:s7+s3], $0x4000, $0x38;
	[tilespmem:$0x1D000] =	vst v63  }
0x3c: {  	p1 =	sne.s32 s5, $0x12000;
	_ =	swait.ge [sflag:s23], $0x4000  }
0x3d: {  	[sflag:s23] =	ssyncset.done $0x0  }
0x3e: {  	[sflag:s23] =	ssyncadd.s32 $0xFFFFC000  }
0x3f: {  	[spmem:s2] =	stream.indirect.scatter.add.f32 [tilespmem:s21], [sflag:$0x3], $0x80, s1, s24, $0xb8;
	[tilespmem:$0x1D000] =	vst v63  }
0x40: {  	_ =	swait.ge [sflag:s20], $0x4000  }
0x41: {  	[sflag:s20] =	ssyncset.done $0x0  }
0x42: {  	s5 =	sadd.s32 s31, s16;
	s31 =	smov.u32 s8;
	[sflag:s20] =	ssyncadd.s32 $0xFFFFC000  }
0x43: {  	[tilespmem:s21], [sflag:$0x1] =	stream.linear.gather [hbm4b:s5+s3], $0x4000, $0x38;
	[tilespmem:$0x1D000] =	vst v63  }
0x44: {  	_ =	swait.ge [sflag:s25], $0x4000  }
.Ltmp0:
0x45: {  	[sflag:s25] =	ssyncset.done $0x0;
	(pc) =	sbr.rel @p1 .LBB2_2-.Ltmp0, $4  }
0x46: {  	s5 =	sadd.s32 $0x80, s1;
	[sflag:s25] =	ssyncadd.s32 $0xFFFFC000  }
0x47: {  	[spmem:s2] =	stream.indirect.scatter.add.f32 [tilespmem:s22], [sflag:$0x3], $0x80, s5, s24, $0xb8;
	[tilespmem:$0x1D000] =	vst v63  }
0x48: {  	_ =	swait.ge [sflag:s20], $0x4000  }
0x49: {  	s1 =	sadd.s32 $0x100, s1;
	s5 =	smov.u32 s9;
	[sflag:s20] =	ssyncset.done $0x0  }
0x4a: {  	s5 =	sadd.s32 s31, s17;
	[sflag:s20] =	ssyncadd.s32 $0xFFFFC000  }
0x4b: {  	[tilespmem:s22], [sflag:$0x2] =	stream.linear.gather [hbm4b:s5+s3], $0x4000, $0x38;
	[tilespmem:$0x1D000] =	vst v63  }
0x4c: {  	_ =	swait.ge [sflag:s23], $0x4000  }
0x4d: {  	[sflag:s23] =	ssyncset.done $0x0  }
0x4e: {  	[sflag:s23] =	ssyncadd.s32 $0xFFFFC000  }
0x4f: {  	[spmem:s2] =	stream.indirect.scatter.add.f32 [tilespmem:s21], [sflag:$0x3], $0x80, s1, s24, $0xb8;
	[tilespmem:$0x1D000] =	vst v63  }
0x50: {  	_ =	swait.ge [sflag:s20], $0x4000  }
0x51: {  	[sflag:s20] =	ssyncset.done $0x0  }
0x52: {  	s7 =	sadd.s32 s31, s16;
	[sflag:s20] =	ssyncadd.s32 $0xFFFFC000  }
0x53: {  	[tilespmem:s21], [sflag:$0x1] =	stream.linear.gather [hbm4b:s7+s3], $0x4000, $0x38;
	[tilespmem:$0x1D000] =	vst v63  }
0x54: {  	_ =	swait.ge [sflag:s25], $0x4000  }
0x55: {  	[sflag:s25] =	ssyncset.done $0x0  }
0x56: {  	s8 =	sadd.s32 $0x80, s1;
	[sflag:s25] =	ssyncadd.s32 $0xFFFFC000  }
0x57: {  	[spmem:s2] =	stream.indirect.scatter.add.f32 [tilespmem:s22], [sflag:$0x3], $0x80, s8, s24, $0xb8;
	[tilespmem:$0x1D000] =	vst v63  }
0x58: {  	_ =	swait.ge [sflag:s20], $0x4000  }
0x59: {  	[sflag:s20] =	ssyncset.done $0x0  }
0x5a: {  	[sflag:s20] =	ssyncadd.s32 $0xFFFFC000  }
0x5b: {  	[tilespmem:s22], [sflag:$0x2] =	stream.linear.gather [hbm4b:s14+s3], $0x4000, $0x38;
	[tilespmem:$0x1D000] =	vst v63  }
0x5c: {  	_ =	swait.ge [sflag:s23], $0x4000  }
0x5d: {  	[sflag:s23] =	ssyncset.done $0x0  }
0x5e: {  	[sflag:s23] =	ssyncadd.s32 $0xFFFFC000  }
0x5f: {  	[spmem:s2] =	stream.indirect.scatter.add.f32 [tilespmem:s21], [sflag:$0x3], $0x80, s26, s24, $0xb8;
	[tilespmem:$0x1D000] =	vst v63  }
0x60: {  	_ =	swait.ge [sflag:s20], $0x4000  }
0x61: {  	[sflag:s20] =	ssyncset.done $0x0  }
0x62: {  	[sflag:s20] =	ssyncadd.s32 $0xFFFFC000  }
0x63: {  	_ =	swait.ge [sflag:s25], $0x4000  }
0x64: {  	[sflag:s25] =	ssyncset.done $0x0  }
0x65: {  	[sflag:s25] =	ssyncadd.s32 $0xFFFFC000  }
0x66: {  	[spmem:s2] =	stream.indirect.scatter.add.f32 [tilespmem:s22], [sflag:$0x3], $0x80, s28, s24, $0xb8;
	[tilespmem:$0x1D000] =	vst v63  }
0x67: {  	_ =	swait.ge [sflag:s20], $0x4000  }
0x68: {  	[sflag:s20] =	ssyncset.done $0x0  }
0x69: {  	[sflag:s20] =	ssyncadd.s32 $0xFFFFC000  }
0x6a: {  	[bflag:$0x0] =	sbarrier.arrive $0xFFFF  }
0x6b: {  	s31 =	sshrl.u32 @p0 s6, $0x3;
	s1 =	rddreg [dreg:$0x6]  }
0x6c: {  	[hbm:s1], [sflag:s30] =	dma.local @p0 [spmem:s31], $0x2080  }
0x6d: {  	s1 =	simm.s32 @p0 $0x3  }
0x6e: {  	_ =	swait.ge @p0 [sflag:s1], $0x2080  }
0x6f: {  	[sflag:s1] =	ssyncset.done @p0 $0x0  }
0x70: {  	s5 =	rddreg [dreg:$0x5];
	[sflag:s1] =	ssyncadd.s32 @p0 $0xFFFFDF80;
	s1 =	sshrl.u32 @!p0 s6, $0x3  }
0x71: {  	[hbm:s5], [sflag:s30] =	dma.local @!p0 [spmem:s1], $0x2780  }
0x72: {  	s5 =	simm.s32 @!p0 $0x3  }
0x73: {  	_ =	swait.ge @!p0 [sflag:s5], $0x2780  }
0x74: {  	[sflag:s5] =	ssyncset.done @!p0 $0x0  }
0x75: {  	[sflag:s5] =	ssyncadd.s32 @!p0 $0xFFFFD880  }
0x76: {  	[bflag:$0x0] =	sbarrier.arrive $0xFFFF  }
0x77: {  	[spmem:s0], [sflag:s30] =	dma.local [hbm:s4], $0x2780  }
0x78: {  	_ =	swait.ge [sflag:s20], $0x2780  }
0x79: {  	[sflag:s20] =	ssyncset.done $0x0  }
0x7a: {  	[sflag:s20] =	ssyncadd.s32 $0xFFFFD880  }
0x7b: {  	[bflag:$0x0] =	sbarrier.arrive $0xFFFF  }
0x7c: {  	s9 =	simm.s32 $0x0;
	s10 =	rddreg [dreg:$0x7]  }
0x7d: {  	[tilespmem:s21], [sflag:$0x1] =	stream.linear.gather [hbm4b:s10+s9], $0x4000, $0x38;
	[tilespmem:$0x1D000] =	vst v63  }
0x7e: {  	s7 =	sadd.s32 $0x0, s19  }
0x7f: {  	[tilespmem:s22], [sflag:$0x2] =	stream.linear.gather [hbm4b:s7+s3], $0x4000, $0x38;
	[tilespmem:$0x1D000] =	vst v63  }
0x80: {  	_ =	swait.ge [sflag:s23], $0x4000  }
0x81: {  	[sflag:s23] =	ssyncset.done $0x0  }
0x82: {  	s8 =	simm.s32 $0x13C00;
	[sflag:s23] =	ssyncadd.s32 $0xFFFFC000  }
0x83: {  	[spmem:s2] =	stream.indirect.scatter.add.f32 [tilespmem:s21], [sflag:$0x3], $0x80, s8, s24, $0xb8;
	[tilespmem:$0x1D000] =	vst v63  }
0x84: {  	_ =	swait.ge [sflag:s20], $0x4000  }
0x85: {  	[sflag:s20] =	ssyncset.done $0x0  }
0x86: {  	s9 =	sadd.s32 $0x0, s18;
	[sflag:s20] =	ssyncadd.s32 $0xFFFFC000  }
0x87: {  	[tilespmem:s21], [sflag:$0x1] =	stream.linear.gather [hbm4b:s9+s3], $0x4000, $0x38;
	[tilespmem:$0x1D000] =	vst v63  }
0x88: {  	_ =	swait.ge [sflag:s25], $0x4000  }
0x89: {  	[sflag:s25] =	ssyncset.done $0x0  }
0x8a: {  	s10 =	simm.s32 $0x13C80;
	[sflag:s25] =	ssyncadd.s32 $0xFFFFC000  }
0x8b: {  	[spmem:s2] =	stream.indirect.scatter.add.f32 [tilespmem:s22], [sflag:$0x3], $0x80, s10, s24, $0xb8;
	[tilespmem:$0x1D000] =	vst v63  }
0x8c: {  	s5 =	simm.s32 $0x1000;
	_ =	swait.ge [sflag:s20], $0x4000  }
0x8d: {  	s0 =	simm.s32 $0x13D00;
	s7 =	simm.s32 $0x2000;
	[sflag:s20] =	ssyncset.done $0x0  }
.LBB2_4:
0x8e: {  	s8 =	sadd.s32 s5, s19  }
0x8f: {  	[sflag:s20] =	ssyncadd.s32 $0xFFFFC000;
	s9 =	smov.u32 s7;
	s10 =	sadd.s32 $0x1000, s7  }
0x90: {  	[tilespmem:s22], [sflag:$0x2] =	stream.linear.gather [hbm4b:s8+s3], $0x4000, $0x38;
	[tilespmem:$0x1D000] =	vst v63  }
0x91: {  	p1 =	sne.s32 s7, $0x12000;
	_ =	swait.ge [sflag:s23], $0x4000  }
0x92: {  	[sflag:s23] =	ssyncset.done $0x0  }
0x93: {  	[sflag:s23] =	ssyncadd.s32 $0xFFFFC000  }
0x94: {  	[spmem:s2] =	stream.indirect.scatter.add.f32 [tilespmem:s21], [sflag:$0x3], $0x80, s0, s24, $0xb8;
	[tilespmem:$0x1D000] =	vst v63  }
0x95: {  	_ =	swait.ge [sflag:s20], $0x4000  }
0x96: {  	[sflag:s20] =	ssyncset.done $0x0  }
0x97: {  	s7 =	sadd.s32 s5, s18;
	s5 =	smov.u32 s9;
	[sflag:s20] =	ssyncadd.s32 $0xFFFFC000  }
0x98: {  	[tilespmem:s21], [sflag:$0x1] =	stream.linear.gather [hbm4b:s7+s3], $0x4000, $0x38;
	[tilespmem:$0x1D000] =	vst v63  }
0x99: {  	_ =	swait.ge [sflag:s25], $0x4000  }
.Ltmp1:
0x9a: {  	[sflag:s25] =	ssyncset.done $0x0;
	(pc) =	sbr.rel @p1 .LBB2_4-.Ltmp1, $4  }
0x9b: {  	s7 =	sadd.s32 $0x80, s0;
	[sflag:s25] =	ssyncadd.s32 $0xFFFFC000  }
0x9c: {  	[spmem:s2] =	stream.indirect.scatter.add.f32 [tilespmem:s22], [sflag:$0x3], $0x80, s7, s24, $0xb8;
	[tilespmem:$0x1D000] =	vst v63  }
0x9d: {  	_ =	swait.ge [sflag:s20], $0x4000  }
0x9e: {  	s0 =	sadd.s32 $0x100, s0;
	s7 =	smov.u32 s10;
	[sflag:s20] =	ssyncset.done $0x0  }
0x9f: {  	s7 =	sadd.s32 s5, s19;
	[sflag:s20] =	ssyncadd.s32 $0xFFFFC000  }
0xa0: {  	[tilespmem:s22], [sflag:$0x2] =	stream.linear.gather [hbm4b:s7+s3], $0x4000, $0x38;
	[tilespmem:$0x1D000] =	vst v63  }
0xa1: {  	_ =	swait.ge [sflag:s23], $0x4000  }
0xa2: {  	[sflag:s23] =	ssyncset.done $0x0  }
0xa3: {  	[sflag:s23] =	ssyncadd.s32 $0xFFFFC000  }
0xa4: {  	[spmem:s2] =	stream.indirect.scatter.add.f32 [tilespmem:s21], [sflag:$0x3], $0x80, s0, s24, $0xb8;
	[tilespmem:$0x1D000] =	vst v63  }
0xa5: {  	_ =	swait.ge [sflag:s20], $0x4000  }
0xa6: {  	[sflag:s20] =	ssyncset.done $0x0  }
0xa7: {  	s9 =	sadd.s32 s5, s18;
	[sflag:s20] =	ssyncadd.s32 $0xFFFFC000  }
0xa8: {  	[tilespmem:s21], [sflag:$0x1] =	stream.linear.gather [hbm4b:s9+s3], $0x4000, $0x38;
	[tilespmem:$0x1D000] =	vst v63  }
0xa9: {  	_ =	swait.ge [sflag:s25], $0x4000  }
0xaa: {  	[sflag:s25] =	ssyncset.done $0x0  }
0xab: {  	s10 =	sadd.s32 $0x80, s0;
	[sflag:s25] =	ssyncadd.s32 $0xFFFFC000  }
0xac: {  	[spmem:s2] =	stream.indirect.scatter.add.f32 [tilespmem:s22], [sflag:$0x3], $0x80, s10, s24, $0xb8;
	[tilespmem:$0x1D000] =	vst v63  }
0xad: {  	_ =	swait.ge [sflag:s20], $0x4000  }
0xae: {  	[sflag:s20] =	ssyncset.done $0x0  }
0xaf: {  	[sflag:s20] =	ssyncadd.s32 $0xFFFFC000  }
0xb0: {  	[tilespmem:s22], [sflag:$0x2] =	stream.linear.gather [hbm4b:s15+s3], $0x4000, $0x38;
	[tilespmem:$0x1D000] =	vst v63  }
0xb1: {  	_ =	swait.ge [sflag:s23], $0x4000  }
0xb2: {  	[sflag:s23] =	ssyncset.done $0x0  }
0xb3: {  	[sflag:s23] =	ssyncadd.s32 $0xFFFFC000  }
0xb4: {  	[spmem:s2] =	stream.indirect.scatter.add.f32 [tilespmem:s21], [sflag:$0x3], $0x80, s26, s24, $0xb8;
	[tilespmem:$0x1D000] =	vst v63  }
0xb5: {  	_ =	swait.ge [sflag:s20], $0x4000  }
0xb6: {  	[sflag:s20] =	ssyncset.done $0x0  }
0xb7: {  	[sflag:s20] =	ssyncadd.s32 $0xFFFFC000  }
0xb8: {  	_ =	swait.ge [sflag:s25], $0x4000  }
0xb9: {  	[sflag:s25] =	ssyncset.done $0x0  }
0xba: {  	[sflag:s25] =	ssyncadd.s32 $0xFFFFC000  }
0xbb: {  	[spmem:s2] =	stream.indirect.scatter.add.f32 [tilespmem:s22], [sflag:$0x3], $0x80, s28, s24, $0xb8;
	[tilespmem:$0x1D000] =	vst v63  }
0xbc: {  	_ =	swait.ge [sflag:s20], $0x4000  }
0xbd: {  	[sflag:s20] =	ssyncset.done $0x0  }
0xbe: {  	[sflag:s20] =	ssyncadd.s32 $0xFFFFC000  }
0xbf: {  	s0 =	simm.s32 @p0 $0x3;
	[bflag:$0x0] =	sbarrier.arrive $0xFFFF  }
0xc0: {  	[hbm:s12], [sflag:s30] =	dma.local @p0 [spmem:s31], $0x2080  }
0xc1: {  	_ =	swait.ge @p0 [sflag:s0], $0x2080  }
0xc2: {  	s29 =	sadd.s32 $0x1, s29;
	[sflag:s0] =	ssyncset.done @p0 $0x0  }
0xc3: {  	p1 =	sne.s32 s29, s13;
	[sflag:s0] =	ssyncadd.s32 @p0 $0xFFFFDF80;
	s0 =	simm.s32 @!p0 $0x3  }
0xc4: {  	[hbm:s11], [sflag:s30] =	dma.local @!p0 [spmem:s1], $0x2780  }
.Ltmp2:
0xc5: {  	_ =	swait.ge @!p0 [sflag:s0], $0x2780;
	(pc) =	sbr.rel @p1 .LBB2_1-.Ltmp2, $3  }
0xc6: {  	[sflag:s0] =	ssyncset.done @!p0 $0x0  }
0xc7: {  	[sflag:s0] =	ssyncadd.s32 @!p0 $0xFFFFD880  }
0xc8: {  	[bflag:$0x0] =	sbarrier.arrive $0xFFFF;
	_ =	sdelay $0x1  }
0xc9: {  	_ =	sfence.sel $0x180000  }
0xca: {  	[bflag:$0x0] =	sbarrier.arrive $0xFFFF  }
0xcb: {  	_ =	strace $0x9000004D  }
0xcc: {  	s0 =	stileid.u32;
	[bflag:$0x2] =	sbarrier.arrive $0xFFFF  }
0xcd: {  	p0 =	sne.s32 s0, $0x0;
	s0 =	rddreg [dreg:$0x2]  }
0xce: {  	s0 =	sadd.s32 @!p0 $0x100000, s0  }
0xcf: {  	[sflag:s0] =	ssyncadd.tile.s32 @!p0 $0x1;
	_ =	shalt  }
.Lfunc_end2:
_tile_overlayer_lowered:
.L_overlay_start_2:
0xd0: {  	(tag) =	ssettag $0x2  }
0xd1: {  	s0 =	rddreg [dreg:$0x0];
	s2 =	stileid.u32  }
0xd2: {  	s1 =	rddreg [dreg:$0x1];
	p0 =	sne.s32 s2, $0x0  }
0xd3: {  	s3 =	rddreg [dreg:$0x2];
	[bflag:$0x3] =	sbarrier.arrive $0xFFFF;
	s2 =	simm.s32 @!p0 $0x1C03  }
0xd4: {  	[timem:s3], [sflag:s2] =	dma.local @!p0 [hbm:s0], s1  }
0xd5: {  	s0 =	simm.s32 @!p0 $0x3  }
0xd6: {  	_ =	swait.ge @!p0 [sflag:s0], s1  }
0xd7: {  	s1 =	ssub.s32 @!p0 $0x0, s1;
	[sflag:s0] =	ssyncset.done @!p0 $0x0  }
0xd8: {  	[sflag:s0] =	ssyncadd.s32 @!p0 s1  }
0xd9: {  	[bflag:$0x3] =	sbarrier.arrive $0xFFFF  }
0xda: {  	_ =	shalt  }

// kernel: kernel.9.cloned.1.call-start
scs
__scs_entry_jumppad:
0x0: {  	(pc) =	sbr.rel $0x88, $3  }
0x1: {  	(tag) =	ssettag $0x0;
	lr =	simm.s32 $0x1  }
0x2: {  	[smem:$0x3F97] =	sst lr;
	_ =	strace $0xD0000000  }
0x3: {  	_ = 	snop  }
0x4: {  	_ = 	snop  }
0x5: {  	_ = 	snop  }
0x6: {  	_ = 	snop  }
0x7: {  	_ = 	snop  }
__scs_overlays_trampoline_lowered:
0x8: {  	[smem:$0x3FA6] =	sst s0  }
0x9: {  	[smem:$0x3FA7] =	sst s1  }
0xa: {  	[smem:$0x3FA8] =	sst s2  }
0xb: {  	[smem:$0x3FA9] =	sst s3  }
0xc: {  	[smem:$0x3FAA] =	sst s4  }
0xd: {  	[smem:$0x3FAB] =	sst s5  }
0xe: {  	[smem:$0x3FAC] =	sst s6  }
0xf: {  	[smem:$0x3FAD] =	sst s7  }
0x10: {  	[smem:$0x3FAE] =	sst s8  }
0x11: {  	[smem:$0x3FAF] =	sst s9;
	s0 =	simm.s32 @!p0 $0x0  }
0x12: {  	s1 =	sld [smem:$0x3F95];
	s0 =	simm.s32 @p0 $0x1  }
0x13: {  	[smem:$0x3FB0] =	sst s0;
	s0 =	simm.s32 @!p1 $0x0  }
0x14: {  	s2 =	sld [smem:$0x3F94];
	s0 =	simm.s32 @p1 $0x1  }
0x15: {  	[smem:$0x3FB1] =	sst s0;
	s0 =	simm.s32 @!p2 $0x0  }
0x16: {  	s3 =	sld [smem:$0x3FDB];
	s0 =	simm.s32 @p2 $0x1  }
0x17: {  	s4 =	simm.s32 $0x1BF5;
	[smem:$0x3FB3] =	sst s0  }
0x18: {  	s0 =	sld [smem:$0x3F96];
	_ =	swait.ge [sflag:s4], $0x0  }
0x19: {  	s7 =	sld [smem:$0x3F97]  }
0x1a: {  	s8 =	sadd.s32 $0xFFFFE003, lr  }
0x1b: {  	s9 =	sadd.s32 $0xFFFFFEF7, lr;
	s5 =	simm.s32 $0xFFFFFFFF;
	p2 =	slt.u32 s8, $0xFFFFF086  }
0x1c: {  	p1 =	slt.u32 s9, $0xF7A;
	s5 =	simm.s32 @!p2 $0x0  }
0x1d: {  	s5 =	simm.s32 @p1 $0x1;
	p0 =	seq.s32 s7, s2  }
0x1e: {  	s7 =	smul.u32 @!p0 $0xF7A, s2;
	p2 =	seq.s32 @!p0 s5, $0x0  }
0x1f: {  	s9 =	smul.u32 $0xF7A, s1;
	s8 =	simm.s32 @!p0 $0x1BF5;
	p2 =	por !p2, p0  }
0x20: {  	[sflag:s8] =	ssyncset.s32 @!p0 $0xFFFFF086;
	s6 =	sadd.s32 @!p0 s3, s7;
	s7 =	simm.s32 @!p0 $0x108  }
0x21: {  	s3 =	sadd.s32 s3, s9;
	s6 =	sadd.s32 @!p0 $0x88, s6;
	s7 =	simm.s32 @p2 $0x1082  }
0x22: {  	[simem:s7], [sflag:s8] =	dma.local @!p0 [hbm:s6], $0xF7A  }
0x23: {  	s9 =	sor.u32 $0xD0000000, s2;
	s6 =	simm.s32 $0x108;
	_ =	swait.ge @!p0 [sflag:s8], $0x0  }
0x24: {  	s3 =	sadd.s32 $0x88, s3;
	s6 =	simm.s32 @!p1 $0x1082;
	[sflag:s4] =	ssyncset.s32 $0xFFFFF086  }
0x25: {  	[simem:s6], [sflag:s4] =	dma.local [hbm:s3], $0xF7A  }
0x26: {  	[smem:$0x3F97] =	sst s1;
	(tag) =	ssettag s2;
	_ =	strace s9  }
0x27: {  	s1 =	sld [smem:$0x3FA7]  }
0x28: {  	s2 =	sld [smem:$0x3FA8]  }
0x29: {  	s4 =	sld [smem:$0x3FAA]  }
0x2a: {  	p0 =	seq.s32 s5, $0x0;
	s5 =	sld [smem:$0x3FAB]  }
0x2b: {  	s6 =	sld [smem:$0x3FAC]  }
0x2c: {  	s7 =	sld [smem:$0x3FAD]  }
0x2d: {  	s3 =	simm.s32 $0x108;
	s8 =	sld [smem:$0x3FAE]  }
0x2e: {  	s3 =	simm.s32 @!p0 $0x1082;
	s9 =	sld [smem:$0x3FAF]  }
0x2f: {  	lr =	sadd.s32 s0, s3;
	s0 =	sld [smem:$0x3FA6]  }
0x30: {  	s3 =	sld [smem:$0x3FA9]  }
0x31: {  	[smem:$0x3FB2] =	sst s10  }
0x32: {  	s10 =	sld [smem:$0x3FB0];
	_ =	sdelay $0x3  }
0x33: {  	p0 =	seq.s32 s10, $0x1;
	s10 =	sld [smem:$0x3FB2];
	_ =	sdelay $0x3  }
0x34: {  	[smem:$0x3FB2] =	sst s10  }
0x35: {  	s10 =	sld [smem:$0x3FB1];
	_ =	sdelay $0x3  }
0x36: {  	p1 =	seq.s32 s10, $0x1;
	s10 =	sld [smem:$0x3FB2];
	_ =	sdelay $0x3  }
0x37: {  	[smem:$0x3FB2] =	sst s10  }
0x38: {  	s10 =	sld [smem:$0x3FB3]  }
0x39: {  	_ = 	snop;
	(pc) =	sbr.ind lr, $3  }
0x3a: {  	_ = 	snop  }
0x3b: {  	_ = 	snop  }
0x3c: {  	p2 =	seq.s32 s10, $0x1;
	s10 =	sld [smem:$0x3FB2]  }
0x3d: {  	_ =	shalt  }
0x3e: {  	_ =	shalt  }
0x3f: {  	_ =	shalt  }
0x40: {  	_ =	shalt  }
0x41: {  	_ =	shalt  }
0x42: {  	_ =	shalt  }
0x43: {  	_ =	shalt  }
0x44: {  	_ =	shalt  }
0x45: {  	_ =	shalt  }
0x46: {  	_ =	shalt  }
0x47: {  	_ =	shalt  }
0x48: {  	_ =	shalt  }
0x49: {  	_ =	shalt  }
0x4a: {  	_ =	shalt  }
0x4b: {  	_ =	shalt  }
0x4c: {  	_ =	shalt  }
0x4d: {  	_ =	shalt  }
0x4e: {  	_ =	shalt  }
0x4f: {  	_ =	shalt  }
0x50: {  	_ =	shalt  }
0x51: {  	_ =	shalt  }
0x52: {  	_ =	shalt  }
0x53: {  	_ =	shalt  }
0x54: {  	_ =	shalt  }
0x55: {  	_ =	shalt  }
0x56: {  	_ =	shalt  }
0x57: {  	_ =	shalt  }
0x58: {  	_ =	shalt  }
0x59: {  	_ =	shalt  }
0x5a: {  	_ =	shalt  }
0x5b: {  	_ =	shalt  }
0x5c: {  	_ =	shalt  }
0x5d: {  	_ =	shalt  }
0x5e: {  	_ =	shalt  }
0x5f: {  	_ =	shalt  }
0x60: {  	_ =	shalt  }
0x61: {  	_ =	shalt  }
0x62: {  	_ =	shalt  }
0x63: {  	_ =	shalt  }
0x64: {  	_ =	shalt  }
0x65: {  	_ =	shalt  }
0x66: {  	_ =	shalt  }
0x67: {  	_ =	shalt  }
0x68: {  	_ =	shalt  }
0x69: {  	_ =	shalt  }
0x6a: {  	_ =	shalt  }
0x6b: {  	_ =	shalt  }
0x6c: {  	_ =	shalt  }
0x6d: {  	_ =	shalt  }
0x6e: {  	_ =	shalt  }
0x6f: {  	_ =	shalt  }
0x70: {  	_ =	shalt  }
0x71: {  	_ =	shalt  }
0x72: {  	_ =	shalt  }
0x73: {  	_ =	shalt  }
0x74: {  	_ =	shalt  }
0x75: {  	_ =	shalt  }
0x76: {  	_ =	shalt  }
0x77: {  	_ =	shalt  }
0x78: {  	_ =	shalt  }
0x79: {  	_ =	shalt  }
0x7a: {  	_ =	shalt  }
0x7b: {  	_ =	shalt  }
0x7c: {  	_ =	shalt  }
0x7d: {  	_ =	shalt  }
0x7e: {  	_ =	shalt  }
0x7f: {  	_ =	shalt  }
0x80: {  	_ =	shalt  }
0x81: {  	_ =	shalt  }
0x82: {  	_ =	shalt  }
0x83: {  	_ =	shalt  }
0x84: {  	_ =	shalt  }
0x85: {  	_ =	shalt  }
0x86: {  	_ =	shalt  }
0x87: {  	_ =	shalt  }
.Lfunc_end0:
.L_simem_size_0:
called_computation_lowered:
.L_overlay_start_0:
0x88: {  	s2 =	sld [smem:$0x3FD9]  }
0x89: {  	s3 =	sld [smem:$0x3FFE];
	_ =	sdelay $0x1  }
0x8a: {  	s1 =	srdreg.scid  }
0x8b: {  	s0 =	sand.u32 $0x1, s1  }
0x8c: {  	s17 =	sshll.u32 s0, $0xA;
	s2 =	sadd.s32 s3, s2  }
0x8d: {  	s2 =	sadd.s32 s2, s17  }
0x8e: {  	[smem:$0x3FBE] =	sst s2  }
0x8f: {  	_ = 	snop  }
0x90: {  	s18 =	sld [smem:$0x3FC9];
	(tm) =	ssettm $0x1  }
0x91: {  	s19 =	sld [smem:$0x3FFB];
	_ =	sdelay $0x3  }
0x92: {  	_ =	strace s19  }
0x93: {  	s2 =	sld [smem:$0x3FFC];
	_ =	sdelay $0x3  }
0x94: {  	_ =	strace s2  }
0x95: {  	s2 =	sld [smem:$0x3FFD];
	_ =	sdelay $0x3  }
0x96: {  	_ =	strace s2  }
0x97: {  	_ =	strace $0x8FFFFFFF  }
0x98: {  	s20 =	sld [smem:$0x3FDB];
	_ =	sdelay $0x1  }
0x99: {  	s4 =	simm.s32 $_scs_section_size  }
0x9a: {  	s5 =	simm.s32 $_size__tile_overlayer_lowered;
	s6 =	simm.s32 $_tile_overlayer_lowered  }
0x9b: {  	s7 =	simm.s32 $0x1BFF;
	s21 =	sshll.u32 s6, $0x1;
	s4 =	sadd.s32 s4, s20  }
0x9c: {  	s22 =	simm.s32 $0x0;
	s5 =	sshll.u32 s5, $0x1;
	s6 =	sadd.s32 s21, s4  }
0x9d: {  	[timem:s22], [sflag:s7] =	dma.local [hbm:s6], s5  }
0x9e: {  	_ =	swait.ge [sflag:s7], s5  }
0x9f: {  	s5 =	ssub.s32 $0x0, s5;
	[sflag:s7] =	ssyncset.done $0x0  }
0xa0: {  	[sflag:s7] =	ssyncadd.s32 s5;
	_ =	sdelay $0x1  }
0xa1: {  	s23 =	simm.s32 $0x1B8B  }
0xa2: {  	_ =	swait.ge [sflag:s23], $0x1  }
0xa3: {  	[sflag:s23] =	ssyncset.done $0x0  }
0xa4: {  	[sflag:s23] =	ssyncadd.s32 $0xFFFFFFFF  }
0xa5: {  	s5 =	sld [smem:$0x0]  }
0xa6: {  	s6 =	sand.u32 $0xFFFFFFFE, s1  }
0xa7: {  	p0 =	sne.s32 s1, s6  }
0xa8: {  	s6 =	sshll.u32 @p0 s6, $0xE  }
0xa9: {  	s6 =	sadd.s32 @p0 $0x11B8D, s6;
	s7 =	sshll.u32 @p0 s5, $0x11  }
0xaa: {  	s6 =	sor.u32 @p0 s7, s6  }
0xab: {  	[sflag:s6] =	ssyncadd.remote.s32 @p0 $0x1;
	_ =	sdelay $0x1  }
0xac: {  	s6 =	simm.s32 @p0 $0x1B8D  }
0xad: {  	_ =	swait.eq @p0 [sflag:s6], $0x1  }
0xae: {  	[sflag:s6] =	ssyncadd.s32 @p0 $0xFFFFFFFF  }
0xaf: {  	s7 =	sshll.u32 @!p0 s1, $0xE  }
0xb0: {  	s7 =	sor.u32 @!p0 $0x4000, s7;
	s6 =	simm.s32 @!p0 $0x1B8D  }
0xb1: {  	s5 =	sshll.u32 @!p0 s5, $0x11;
	s7 =	sadd.s32 @!p0 $0x11B8D, s7;
	_ =	swait.eq @!p0 [sflag:s6], $0x1  }
0xb2: {  	s5 =	sor.u32 @!p0 s5, s7;
	[sflag:s6] =	ssyncadd.s32 @!p0 $0xFFFFFFFF  }
0xb3: {  	s25 =	simm.s32 $0x1B8E;
	s24 =	sld [smem:$0x3FFE];
	[sflag:s5] =	ssyncadd.remote.s32 @!p0 $0x1  }
0xb4: {  	s26 =	simm.s32 $execute0_lowered;
	[smem:$0x3FD2] =	sst s25  }
0xb5: {  	s6 =	sshll.u32 s26, $0x1;
	_ =	strace $0x80000049;
	[dreg:$0x1] =	wrdreg $0xFFFFFFFF  }
0xb6: {  	s28 =	simm.s32 $_size_execute0_lowered;
	s4 =	sadd.s32 s4, s6;
	[dreg:$0x0] =	wrdreg $0x0  }
0xb7: {  	s6 =	sshll.u32 s28, $0x1;
	[dreg:$0x2] =	wrdreg s4  }
0xb8: {  	[dreg:$0x3] =	wrdreg s6  }
0xb9: {  	[dreg:$0x4] =	wrdreg $0xC0  }
0xba: {  	_ =	task [dreg:s22], $0x5FFFF  }
0xbb: {  	[dreg:$0x1] =	wrdreg $0xFFFFFFFF  }
0xbc: {  	[dreg:$0x0] =	wrdreg $0x60  }
0xbd: {  	[dreg:$0x2] =	wrdreg s18  }
0xbe: {  	[dreg:$0x3] =	wrdreg s24  }
0xbf: {  	[dreg:$0x4] =	wrdreg $0x9  }
0xc0: {  	_ =	task.clear_ibuf [dreg:s22], $0x5FFFF;
	_ =	strace $0x90000049  }
0xc1: {  	s29 =	simm.s32 $0x9;
	_ =	strace $0x8000004B  }
0xc2: {  	_ =	swait.ge [sflag:s29], $0x1  }
0xc3: {  	[sflag:s29] =	ssyncadd.s32 $0xFFFFFFFF  }
0xc4: {  	_ =	strace $0x9000004B  }
0xc5: {  	_ =	sfence  }
0xc6: {  	s30 =	sld [smem:$0x0];
	_ =	sdelay $0x2  }
0xc7: {  	s31 =	sshll.u32 s1, $0xD;
	s1 =	sshrl.u32 s1, $0x2  }
0xc8: {  	s4 =	sand.u32 $0x4000, s31;
	s1 =	sadd.s32 s1, s30  }
0xc9: {  	s0 =	sor.u32 s4, s0;
	s1 =	sshll.u32 s1, $0x11  }
0xca: {  	s0 =	sor.u32 s1, s0  }
0xcb: {  	s0 =	sadd.s32 $0x8F2B, s0  }
0xcc: {  	[sflag:s0] =	ssyncadd.remote.s32 $0x1  }
0xcd: {  	_ =	sfence.sel $0xFFFF  }
0xce: {  	[dreg:$0x0] =	wrdreg $0xFFFFFFFF;
	(pc) =	sbr.abs _section_cstart, $3  }
0xcf: {  	[dreg:$0x1] =	wrdreg $0xFFFFFFFF  }
0xd0: {  	_ =	task.clear_ibuf [dreg:s22], $0x2FFFF;
	_ =	strace $0x9FFFFFFF  }
0xd1: {  	(tm) =	ssettm $0x7FFFFFFF  }
tec
execute0_lowered:
.L_overlay_start_1:
0x0: {  	(tag) =	ssettag $0x1  }
0x1: {  	s1 =	srdreg.scid;
	s0 =	stileid.u32  }
0x2: {  	s29 =	sand.u32 $0x1, s1;
	s31 =	sshll.u32 s0, $0x1  }
0x3: {  	s2 =	rddreg [dreg:$0x0];
	s8 =	sor.u32 s29, s31  }
0x4: {  	s10 =	rddreg [dreg:$0x1];
	s4 =	smul.u32 $0x140, s8  }
0x5: {  	s3 =	simm.s32 $0x0;
	s1 =	rddreg [dreg:$0x2]  }
0x6: {  	[smem:$0x7FF] =	sst s3;
	s4 =	sadd.s32 s4, s10  }
0x7: {  	_ =	strace $0x8000004A;
	s5 =	sadd.s32 $0x145C00, s4;
	s4 =	simm.s32 $0x3  }
0x8: {  	[tilespmem:s3], [sflag:$0x3] =	stream.linear.gather [hbm4b:s5+s3], $0xA00, $0x38;
	[tilespmem:$0x10A00] =	vst v63  }
0x9: {  	_ =	swait.ge [sflag:s4], $0xA00  }
0xa: {  	[sflag:s4] =	ssyncset.done $0x0  }
0xb: {  	s6 =	simm.s32 $0x100;
	s7 =	simm.s32 $0xA00;
	[sflag:s4] =	ssyncadd.s32 $0xFFFFF600  }
0xc: {  	[tilespmem:s7], [sflag:$0x1] =	stream.indirect.gather [hbm4b:s2+s6], $0x80, s3, s6, $0xb8;
	[tilespmem:$0x10A00] =	vst v63  }
0xd: {  	s9 =	simm.s32 $0x1;
	s11 =	smul.u32 $0x50000, s8;
	s8 =	simm.s32 $0x8A00  }
0xe: {  	[tilespmem:s8], [sflag:$0x2] =	stream.indirect.gather [hbm4b:s2+s6], $0x80, s6, s6, $0xb8;
	[tilespmem:$0x10A00] =	vst v63  }
0xf: {  	s11 =	sshrl.u32 s11, $0x3;
	_ =	swait.ge [sflag:s9], $0x8000  }
0x10: {  	s30 =	sadd.s32 s11, s10;
	[sflag:s9] =	ssyncset.done $0x0  }
0x11: {  	s10 =	sadd.s32 $0x14AC00, s30;
	[sflag:s9] =	ssyncadd.s32 $0xFFFF8000  }
0x12: {  	[hbm4b:s10+s3] =	stream.linear.scatter [tilespmem:s7], [sflag:$0x3], $0x8000, $0x38;
	[tilespmem:$0x10A00] =	vst v63  }
0x13: {  	_ =	swait.ge [sflag:s4], $0x8000  }
0x14: {  	[sflag:s4] =	ssyncset.done $0x0  }
0x15: {  	s12 =	simm.s32 $0x2;
	s11 =	simm.s32 $0x200;
	[sflag:s4] =	ssyncadd.s32 $0xFFFF8000  }
0x16: {  	[tilespmem:s7], [sflag:$0x1] =	stream.indirect.gather [hbm4b:s2+s6], $0x80, s11, s6, $0xb8;
	[tilespmem:$0x10A00] =	vst v63  }
0x17: {  	_ =	swait.ge [sflag:s12], $0x8000  }
0x18: {  	[sflag:s12] =	ssyncset.done $0x0  }
0x19: {  	s13 =	sadd.s32 $0x14BC00, s30;
	[sflag:s12] =	ssyncadd.s32 $0xFFFF8000  }
0x1a: {  	[hbm4b:s13+s3] =	stream.linear.scatter [tilespmem:s8], [sflag:$0x3], $0x8000, $0x38;
	[tilespmem:$0x10A00] =	vst v63  }
0x1b: {  	_ =	swait.ge [sflag:s4], $0x8000  }
0x1c: {  	[sflag:s4] =	ssyncset.done $0x0  }
0x1d: {  	s14 =	simm.s32 $0x300;
	[sflag:s4] =	ssyncadd.s32 $0xFFFF8000  }
0x1e: {  	[tilespmem:s8], [sflag:$0x2] =	stream.indirect.gather [hbm4b:s2+s6], $0x80, s14, s6, $0xb8;
	[tilespmem:$0x10A00] =	vst v63  }
0x1f: {  	_ =	swait.ge [sflag:s9], $0x8000  }
0x20: {  	[sflag:s9] =	ssyncset.done $0x0  }
0x21: {  	s15 =	sadd.s32 $0x14CC00, s30;
	[sflag:s9] =	ssyncadd.s32 $0xFFFF8000  }
0x22: {  	[hbm4b:s15+s3] =	stream.linear.scatter [tilespmem:s7], [sflag:$0x3], $0x8000, $0x38;
	[tilespmem:$0x10A00] =	vst v63  }
0x23: {  	_ =	swait.ge [sflag:s4], $0x8000  }
0x24: {  	[sflag:s4] =	ssyncset.done $0x0  }
0x25: {  	s16 =	simm.s32 $0x400;
	[sflag:s4] =	ssyncadd.s32 $0xFFFF8000  }
0x26: {  	[tilespmem:s7], [sflag:$0x1] =	stream.indirect.gather [hbm4b:s2+s6], $0x80, s16, s6, $0xb8;
	[tilespmem:$0x10A00] =	vst v63  }
0x27: {  	_ =	swait.ge [sflag:s12], $0x8000  }
0x28: {  	[sflag:s12] =	ssyncset.done $0x0  }
0x29: {  	s17 =	sadd.s32 $0x14DC00, s30;
	[sflag:s12] =	ssyncadd.s32 $0xFFFF8000  }
0x2a: {  	[hbm4b:s17+s3] =	stream.linear.scatter [tilespmem:s8], [sflag:$0x3], $0x8000, $0x38;
	[tilespmem:$0x10A00] =	vst v63  }
0x2b: {  	_ =	swait.ge [sflag:s4], $0x8000  }
0x2c: {  	[sflag:s4] =	ssyncset.done $0x0  }
0x2d: {  	s18 =	simm.s32 $0x500;
	[sflag:s4] =	ssyncadd.s32 $0xFFFF8000  }
0x2e: {  	[tilespmem:s8], [sflag:$0x2] =	stream.indirect.gather [hbm4b:s2+s6], $0x80, s18, s6, $0xb8;
	[tilespmem:$0x10A00] =	vst v63  }
0x2f: {  	_ =	swait.ge [sflag:s9], $0x8000  }
0x30: {  	[sflag:s9] =	ssyncset.done $0x0  }
0x31: {  	s19 =	sadd.s32 $0x14EC00, s30;
	[sflag:s9] =	ssyncadd.s32 $0xFFFF8000  }
0x32: {  	[hbm4b:s19+s3] =	stream.linear.scatter [tilespmem:s7], [sflag:$0x3], $0x8000, $0x38;
	[tilespmem:$0x10A00] =	vst v63  }
0x33: {  	_ =	swait.ge [sflag:s4], $0x8000  }
0x34: {  	[sflag:s4] =	ssyncset.done $0x0  }
0x35: {  	s20 =	simm.s32 $0x600;
	[sflag:s4] =	ssyncadd.s32 $0xFFFF8000  }
0x36: {  	[tilespmem:s7], [sflag:$0x1] =	stream.indirect.gather [hbm4b:s2+s6], $0x80, s20, s6, $0xb8;
	[tilespmem:$0x10A00] =	vst v63  }
0x37: {  	_ =	swait.ge [sflag:s12], $0x8000  }
0x38: {  	[sflag:s12] =	ssyncset.done $0x0  }
0x39: {  	s21 =	sadd.s32 $0x14FC00, s30;
	[sflag:s12] =	ssyncadd.s32 $0xFFFF8000  }
0x3a: {  	[hbm4b:s21+s3] =	stream.linear.scatter [tilespmem:s8], [sflag:$0x3], $0x8000, $0x38;
	[tilespmem:$0x10A00] =	vst v63  }
0x3b: {  	_ =	swait.ge [sflag:s4], $0x8000  }
0x3c: {  	[sflag:s4] =	ssyncset.done $0x0  }
0x3d: {  	s22 =	simm.s32 $0x700;
	[sflag:s4] =	ssyncadd.s32 $0xFFFF8000  }
0x3e: {  	[tilespmem:s8], [sflag:$0x2] =	stream.indirect.gather [hbm4b:s2+s6], $0x80, s22, s6, $0xb8;
	[tilespmem:$0x10A00] =	vst v63  }
0x3f: {  	_ =	swait.ge [sflag:s9], $0x8000  }
0x40: {  	[sflag:s9] =	ssyncset.done $0x0  }
0x41: {  	s23 =	sadd.s32 $0x150C00, s30;
	[sflag:s9] =	ssyncadd.s32 $0xFFFF8000  }
0x42: {  	[hbm4b:s23+s3] =	stream.linear.scatter [tilespmem:s7], [sflag:$0x3], $0x8000, $0x38;
	[tilespmem:$0x10A00] =	vst v63  }
0x43: {  	_ =	swait.ge [sflag:s4], $0x8000  }
0x44: {  	[sflag:s4] =	ssyncset.done $0x0  }
0x45: {  	s24 =	simm.s32 $0x800;
	[sflag:s4] =	ssyncadd.s32 $0xFFFF8000  }
0x46: {  	[tilespmem:s7], [sflag:$0x1] =	stream.indirect.gather [hbm4b:s2+s6], $0x80, s24, s6, $0xb8;
	[tilespmem:$0x10A00] =	vst v63  }
0x47: {  	_ =	swait.ge [sflag:s12], $0x8000  }
0x48: {  	[sflag:s12] =	ssyncset.done $0x0  }
0x49: {  	s25 =	sadd.s32 $0x151C00, s30;
	[sflag:s12] =	ssyncadd.s32 $0xFFFF8000  }
0x4a: {  	[hbm4b:s25+s3] =	stream.linear.scatter [tilespmem:s8], [sflag:$0x3], $0x8000, $0x38;
	[tilespmem:$0x10A00] =	vst v63  }
0x4b: {  	_ =	swait.ge [sflag:s4], $0x8000  }
0x4c: {  	[sflag:s4] =	ssyncset.done $0x0  }
0x4d: {  	s26 =	simm.s32 $0x900;
	[sflag:s4] =	ssyncadd.s32 $0xFFFF8000  }
0x4e: {  	[tilespmem:s8], [sflag:$0x2] =	stream.indirect.gather [hbm4b:s2+s6], $0x80, s26, s6, $0xb8;
	[tilespmem:$0x10A00] =	vst v63  }
0x4f: {  	_ =	swait.ge [sflag:s9], $0x8000  }
0x50: {  	[sflag:s9] =	ssyncset.done $0x0  }
0x51: {  	s29 =	ssub.s32 $0x2, s29;
	s28 =	sadd.s32 $0x152C00, s30;
	[sflag:s9] =	ssyncadd.s32 $0xFFFF8000  }
0x52: {  	[hbm4b:s28+s3] =	stream.linear.scatter [tilespmem:s7], [sflag:$0x3], $0x8000, $0x38;
	[tilespmem:$0x10A00] =	vst v63  }
0x53: {  	s31 =	sshrl.u32 s29, $0x1;
	_ =	swait.ge [sflag:s4], $0x8000  }
0x54: {  	s29 =	ssub.s32 s29, s31;
	[sflag:s4] =	ssyncset.done $0x0  }
0x55: {  	s31 =	smax.u32 s29, $0x1;
	[sflag:s4] =	ssyncadd.s32 $0xFFFF8000  }
0x56: {  	p0 =	sne.s32 s31, $0x1;
	_ =	swait.ge [sflag:s12], $0x8000  }
.Ltmp0:
0x57: {  	[sflag:s12] =	ssyncset.done $0x0;
	(pc) =	sbr.rel @!p0 .LBB2_2-.Ltmp0, $4  }
0x58: {  	s29 =	sadd.s32 $0x153C00, s30;
	[sflag:s12] =	ssyncadd.s32 $0xFFFF8000  }
0x59: {  	[hbm4b:s29+s3] =	stream.linear.scatter [tilespmem:s8], [sflag:$0x3], $0x8000, $0x38;
	[tilespmem:$0x10A00] =	vst v63  }
0x5a: {  	_ =	swait.ge [sflag:s4], $0x8000  }
0x5b: {  	s30 =	sadd.s32 $0xFFFFFFFF, s31;
	[sflag:s4] =	ssyncset.done $0x0  }
.LBB2_1:
0x5c: {  	p0 =	sne.s32 s30, $0x1;
	s30 =	sadd.s32 $0xFFFFFFFF, s30;
	[sflag:s4] =	ssyncadd.s32 $0xFFFF8000  }
0x5d: {  	[tilespmem:s3], [sflag:$0x3] =	stream.linear.gather [hbm4b:s5+s3], $0xA00, $0x38;
	[tilespmem:$0x10A00] =	vst v63  }
0x5e: {  	_ =	swait.ge [sflag:s4], $0xA00  }
0x5f: {  	[sflag:s4] =	ssyncset.done $0x0  }
0x60: {  	[sflag:s4] =	ssyncadd.s32 $0xFFFFF600  }
0x61: {  	[tilespmem:s7], [sflag:$0x1] =	stream.indirect.gather [hbm4b:s2+s6], $0x80, s3, s6, $0xb8;
	[tilespmem:$0x10A00] =	vst v63  }
0x62: {  	_ = 	snop  }
0x63: {  	[tilespmem:s8], [sflag:$0x2] =	stream.indirect.gather [hbm4b:s2+s6], $0x80, s6, s6, $0xb8;
	[tilespmem:$0x10A00] =	vst v63  }
0x64: {  	_ =	swait.ge [sflag:s9], $0x8000  }
0x65: {  	[sflag:s9] =	ssyncset.done $0x0  }
0x66: {  	[sflag:s9] =	ssyncadd.s32 $0xFFFF8000  }
0x67: {  	[hbm4b:s10+s3] =	stream.linear.scatter [tilespmem:s7], [sflag:$0x3], $0x8000, $0x38;
	[tilespmem:$0x10A00] =	vst v63  }
0x68: {  	_ =	swait.ge [sflag:s4], $0x8000  }
0x69: {  	[sflag:s4] =	ssyncset.done $0x0  }
0x6a: {  	[sflag:s4] =	ssyncadd.s32 $0xFFFF8000  }
0x6b: {  	[tilespmem:s7], [sflag:$0x1] =	stream.indirect.gather [hbm4b:s2+s6], $0x80, s11, s6, $0xb8;
	[tilespmem:$0x10A00] =	vst v63  }
0x6c: {  	_ =	swait.ge [sflag:s12], $0x8000  }
0x6d: {  	[sflag:s12] =	ssyncset.done $0x0  }
0x6e: {  	[sflag:s12] =	ssyncadd.s32 $0xFFFF8000  }
0x6f: {  	[hbm4b:s13+s3] =	stream.linear.scatter [tilespmem:s8], [sflag:$0x3], $0x8000, $0x38;
	[tilespmem:$0x10A00] =	vst v63  }
0x70: {  	_ =	swait.ge [sflag:s4], $0x8000  }
0x71: {  	[sflag:s4] =	ssyncset.done $0x0  }
0x72: {  	[sflag:s4] =	ssyncadd.s32 $0xFFFF8000  }
0x73: {  	[tilespmem:s8], [sflag:$0x2] =	stream.indirect.gather [hbm4b:s2+s6], $0x80, s14, s6, $0xb8;
	[tilespmem:$0x10A00] =	vst v63  }
0x74: {  	_ =	swait.ge [sflag:s9], $0x8000  }
0x75: {  	[sflag:s9] =	ssyncset.done $0x0  }
0x76: {  	[sflag:s9] =	ssyncadd.s32 $0xFFFF8000  }
0x77: {  	[hbm4b:s15+s3] =	stream.linear.scatter [tilespmem:s7], [sflag:$0x3], $0x8000, $0x38;
	[tilespmem:$0x10A00] =	vst v63  }
0x78: {  	_ =	swait.ge [sflag:s4], $0x8000  }
0x79: {  	[sflag:s4] =	ssyncset.done $0x0  }
0x7a: {  	[sflag:s4] =	ssyncadd.s32 $0xFFFF8000  }
0x7b: {  	[tilespmem:s7], [sflag:$0x1] =	stream.indirect.gather [hbm4b:s2+s6], $0x80, s16, s6, $0xb8;
	[tilespmem:$0x10A00] =	vst v63  }
0x7c: {  	_ =	swait.ge [sflag:s12], $0x8000  }
0x7d: {  	[sflag:s12] =	ssyncset.done $0x0  }
0x7e: {  	[sflag:s12] =	ssyncadd.s32 $0xFFFF8000  }
0x7f: {  	[hbm4b:s17+s3] =	stream.linear.scatter [tilespmem:s8], [sflag:$0x3], $0x8000, $0x38;
	[tilespmem:$0x10A00] =	vst v63  }
0x80: {  	_ =	swait.ge [sflag:s4], $0x8000  }
0x81: {  	[sflag:s4] =	ssyncset.done $0x0  }
0x82: {  	[sflag:s4] =	ssyncadd.s32 $0xFFFF8000  }
0x83: {  	[tilespmem:s8], [sflag:$0x2] =	stream.indirect.gather [hbm4b:s2+s6], $0x80, s18, s6, $0xb8;
	[tilespmem:$0x10A00] =	vst v63  }
0x84: {  	_ =	swait.ge [sflag:s9], $0x8000  }
0x85: {  	[sflag:s9] =	ssyncset.done $0x0  }
0x86: {  	[sflag:s9] =	ssyncadd.s32 $0xFFFF8000  }
0x87: {  	[hbm4b:s19+s3] =	stream.linear.scatter [tilespmem:s7], [sflag:$0x3], $0x8000, $0x38;
	[tilespmem:$0x10A00] =	vst v63  }
0x88: {  	_ =	swait.ge [sflag:s4], $0x8000  }
0x89: {  	[sflag:s4] =	ssyncset.done $0x0  }
0x8a: {  	[sflag:s4] =	ssyncadd.s32 $0xFFFF8000  }
0x8b: {  	[tilespmem:s7], [sflag:$0x1] =	stream.indirect.gather [hbm4b:s2+s6], $0x80, s20, s6, $0xb8;
	[tilespmem:$0x10A00] =	vst v63  }
0x8c: {  	_ =	swait.ge [sflag:s12], $0x8000  }
0x8d: {  	[sflag:s12] =	ssyncset.done $0x0  }
0x8e: {  	[sflag:s12] =	ssyncadd.s32 $0xFFFF8000  }
0x8f: {  	[hbm4b:s21+s3] =	stream.linear.scatter [tilespmem:s8], [sflag:$0x3], $0x8000, $0x38;
	[tilespmem:$0x10A00] =	vst v63  }
0x90: {  	_ =	swait.ge [sflag:s4], $0x8000  }
0x91: {  	[sflag:s4] =	ssyncset.done $0x0  }
0x92: {  	[sflag:s4] =	ssyncadd.s32 $0xFFFF8000  }
0x93: {  	[tilespmem:s8], [sflag:$0x2] =	stream.indirect.gather [hbm4b:s2+s6], $0x80, s22, s6, $0xb8;
	[tilespmem:$0x10A00] =	vst v63  }
0x94: {  	_ =	swait.ge [sflag:s9], $0x8000  }
0x95: {  	[sflag:s9] =	ssyncset.done $0x0  }
0x96: {  	[sflag:s9] =	ssyncadd.s32 $0xFFFF8000  }
0x97: {  	[hbm4b:s23+s3] =	stream.linear.scatter [tilespmem:s7], [sflag:$0x3], $0x8000, $0x38;
	[tilespmem:$0x10A00] =	vst v63  }
0x98: {  	_ =	swait.ge [sflag:s4], $0x8000  }
0x99: {  	[sflag:s4] =	ssyncset.done $0x0  }
0x9a: {  	[sflag:s4] =	ssyncadd.s32 $0xFFFF8000  }
0x9b: {  	[tilespmem:s7], [sflag:$0x1] =	stream.indirect.gather [hbm4b:s2+s6], $0x80, s24, s6, $0xb8;
	[tilespmem:$0x10A00] =	vst v63  }
0x9c: {  	_ =	swait.ge [sflag:s12], $0x8000  }
0x9d: {  	[sflag:s12] =	ssyncset.done $0x0  }
0x9e: {  	[sflag:s12] =	ssyncadd.s32 $0xFFFF8000  }
0x9f: {  	[hbm4b:s25+s3] =	stream.linear.scatter [tilespmem:s8], [sflag:$0x3], $0x8000, $0x38;
	[tilespmem:$0x10A00] =	vst v63  }
0xa0: {  	_ =	swait.ge [sflag:s4], $0x8000  }
0xa1: {  	[sflag:s4] =	ssyncset.done $0x0  }
0xa2: {  	[sflag:s4] =	ssyncadd.s32 $0xFFFF8000  }
0xa3: {  	[tilespmem:s8], [sflag:$0x2] =	stream.indirect.gather [hbm4b:s2+s6], $0x80, s26, s6, $0xb8;
	[tilespmem:$0x10A00] =	vst v63  }
0xa4: {  	_ =	swait.ge [sflag:s9], $0x8000  }
0xa5: {  	[sflag:s9] =	ssyncset.done $0x0  }
0xa6: {  	[sflag:s9] =	ssyncadd.s32 $0xFFFF8000  }
0xa7: {  	[hbm4b:s28+s3] =	stream.linear.scatter [tilespmem:s7], [sflag:$0x3], $0x8000, $0x38;
	[tilespmem:$0x10A00] =	vst v63  }
0xa8: {  	_ =	swait.ge [sflag:s4], $0x8000  }
0xa9: {  	[sflag:s4] =	ssyncset.done $0x0  }
0xaa: {  	[sflag:s4] =	ssyncadd.s32 $0xFFFF8000  }
0xab: {  	_ =	swait.ge [sflag:s12], $0x8000  }
.Ltmp1:
0xac: {  	[sflag:s12] =	ssyncset.done $0x0;
	(pc) =	sbr.rel @p0 .LBB2_1-.Ltmp1, $4  }
0xad: {  	[sflag:s12] =	ssyncadd.s32 $0xFFFF8000  }
0xae: {  	[hbm4b:s29+s3] =	stream.linear.scatter [tilespmem:s8], [sflag:$0x3], $0x8000, $0x38;
	[tilespmem:$0x10A00] =	vst v63  }
0xaf: {  	_ =	swait.ge [sflag:s4], $0x8000  }
0xb0: {  	[sflag:s4] =	ssyncset.done $0x0  }
.LBB2_2:
0xb1: {  	[sflag:s4] =	ssyncadd.s32 $0xFFFF8000  }
0xb2: {  	_ =	sfence.sel $0x180000  }
0xb3: {  	[bflag:$0x0] =	sbarrier.arrive $0xFFFF  }
0xb4: {  	p0 =	sne.s32 s0, $0x0;
	_ =	strace $0x9000004A  }
0xb5: {  	s0 =	sadd.s32 @!p0 $0x100000, s1;
	[bflag:$0x2] =	sbarrier.arrive $0xFFFF  }
0xb6: {  	[sflag:s0] =	ssyncadd.tile.s32 @!p0 $0x1;
	_ =	shalt  }
.Lfunc_end2:
_tile_overlayer_lowered:
.L_overlay_start_2:
0xb7: {  	(tag) =	ssettag $0x2  }
0xb8: {  	s0 =	rddreg [dreg:$0x0];
	s2 =	stileid.u32  }
0xb9: {  	s1 =	rddreg [dreg:$0x1];
	p0 =	sne.s32 s2, $0x0  }
0xba: {  	s3 =	rddreg [dreg:$0x2];
	[bflag:$0x3] =	sbarrier.arrive $0xFFFF;
	s2 =	simm.s32 @!p0 $0x1C03  }
0xbb: {  	[timem:s3], [sflag:s2] =	dma.local @!p0 [hbm:s0], s1  }
0xbc: {  	s0 =	simm.s32 @!p0 $0x3  }
0xbd: {  	_ =	swait.ge @!p0 [sflag:s0], s1  }
0xbe: {  	s1 =	ssub.s32 @!p0 $0x0, s1;
	[sflag:s0] =	ssyncset.done @!p0 $0x0  }
0xbf: {  	[sflag:s0] =	ssyncadd.s32 @!p0 s1  }
0xc0: {  	[bflag:$0x3] =	sbarrier.arrive $0xFFFF  }
0xc1: {  	_ =	shalt  }

</sc_bundles>
